<compile_context>
chip_gen: v7x
topology: tpu7x:2x2x1
jax: 0.10.2.dev20260603
libtpu: 0.0.44.dev20260713+nightly
codegen_flags: <defaults>
</compile_context>

<pallas_src>
import functools

import jax
import jax.numpy as jnp
from jax import lax
from jax.experimental import pallas as pl
from jax.experimental.pallas import tpu as pltpu
from jax.experimental.pallas import tpu_sc as plsc

NC = 2
NS = 16
NW = NC * NS
NCH = 18
CW = 176
L = 16
N = 100000
D = 256
V = 41
STRIDE = NCH * CW
LAST = N - STRIDE


def _sc_gather(table, idx):
    mesh = plsc.VectorSubcoreMesh(core_axis_name="c", subcore_axis_name="s")

    @functools.partial(
        pl.kernel,
        out_type=jax.ShapeDtypeStruct((N, D), table.dtype),
        mesh=mesh,
        scratch_types=[
            pltpu.VMEM((STRIDE,), jnp.int32),
            pltpu.VMEM((V, D), jnp.float32),
            pltpu.VMEM((2 * CW, D), jnp.float32),
            pltpu.SemaphoreType.DMA,
            pltpu.SemaphoreType.DMA,
        ],
        compiler_params=pltpu.CompilerParams(needs_layout_passes=False),
    )
    def run(table_hbm, idx_hbm, out_hbm, idx_v, tab_v, buf_v, sem0, sem1):
        wid = lax.axis_index("s") * NC + lax.axis_index("c")
        base = lax.min(wid * STRIDE, LAST)
        c_tab = pltpu.async_copy(table_hbm, tab_v, sem0)
        c_idx = pltpu.async_copy(idx_hbm.at[pl.ds(base, STRIDE)], idx_v, sem1)
        c_tab.wait()
        c_idx.wait()

        io = lax.broadcasted_iota(jnp.int32, (L,), 0)
        cols = [io + L * c for c in range(D // L)]
        lanes = [jnp.full((L,), l, jnp.int32) for l in range(L)]

        def splat(r_vec, l):
            return lax.gather(
                r_vec, lanes[l][:, None],
                dimension_numbers=lax.GatherDimensionNumbers(
                    offset_dims=(), collapsed_slice_dims=(0,),
                    start_index_map=(0,)),
                slice_sizes=(1,),
                mode=lax.GatherScatterMode.PROMISE_IN_BOUNDS)

        def build(g, half):
            def group(i, carry):
                r_vec = idx_v[pl.ds(g * CW + i * L, L)]
                row0 = half * CW + i * L

                def loads(l):
                    rs = splat(r_vec, l)
                    return [plsc.load_gather(tab_v, [rs, cols[c]])
                            for c in range(D // L)]

                def stores(l, vals):
                    for c in range(D // L):
                        buf_v[row0 + l, pl.ds(L * c, L)] = vals[c]

                def load_store(l, vals):
                    rs = splat(r_vec, l)
                    cur = []
                    for c in range(D // L):
                        cur.append(plsc.load_gather(tab_v, [rs, cols[c]]))
                        buf_v[row0 + l - 1, pl.ds(L * c, L)] = vals[c]
                    return cur

                prev = loads(0)
                for l in range(1, L):
                    prev = load_store(l, prev)
                stores(L - 1, prev)
                return carry
            lax.fori_loop(0, CW // L, group, 0)

        def scatter(g, half, sem):
            return pltpu.async_copy(
                buf_v.at[pl.ds(half * CW, CW)],
                out_hbm.at[pl.ds(base + g * CW, CW)], sem)

        def wait(half, sem):
            pltpu.make_async_copy(
                buf_v.at[pl.ds(half * CW, CW)],
                out_hbm.at[pl.ds(0, CW)], sem).wait()

        def step(g, carry):
            half = g % 2

            @pl.when((g >= 2) & (half == 0))
            def _():
                wait(0, sem0)

            @pl.when((g >= 2) & (half == 1))
            def _():
                wait(1, sem1)

            build(g, half)

            @pl.when(half == 0)
            def _():
                scatter(g, 0, sem0)

            @pl.when(half == 1)
            def _():
                scatter(g, 1, sem1)

            return carry

        lax.fori_loop(0, NCH, step, 0)
        wait(0, sem0)
        wait(1, sem1)

    return run(table, idx)


def kernel(emb0, x):
    return _sc_gather(emb0, x.astype(jnp.int32).reshape(N))

# --- scband reference (transcript-rebuilt; emitter-appended) ---
"""Pipeline reference for scband-motif-encoder-31224412242437 (READ-ONLY COPY).

The authoritative reference and input builder live on the scoring server;
editing this copy changes nothing except your own understanding.
"""

import jax, jax.numpy as jnp
import numpy as np

EMB_DIM = 256
VOCAB = 41  # 40 + 1 as in the module
N = 100000

def _xavier_uniform(key, shape):
    fan_in, fan_out = shape[0], shape[1]
    limit = float(np.sqrt(6.0 / (fan_in + fan_out)))
    return jax.random.uniform(key, shape, dtype=jnp.float32, minval=-limit, maxval=limit)

def setup_inputs(seed: int = 0) -> dict:
    key = jax.random.key(seed)
    k_idx, k_emb = jax.random.split(key)
    x = jax.random.randint(k_idx, (N, 1), 0, VOCAB, dtype=jnp.int64 if jax.config.jax_enable_x64 else jnp.int32)
    emb0 = _xavier_uniform(k_emb, (VOCAB, EMB_DIM))
    return {"emb0": emb0, "x": x}

def reference(emb0, x):
    # MotifEncoder.forward: sum of per-column embedding lookups (one column here)
    x_embedding = jnp.zeros((x.shape[0], emb0.shape[1]), dtype=emb0.dtype)
    # column 0 lookup
    x_embedding = x_embedding + jnp.take(emb0, x[:, 0], axis=0)
    return x_embedding

if __name__ == "__main__":
    import jax
    _d = setup_inputs()
    print(jax.jit(kernel)(*tuple(_d.values())))

</pallas_src>

<mosaic_0001>
#map = affine_map<(d0, d1) -> (0, 0)>
#map1 = affine_map<(d0, d1) -> (0)>
module attributes {stable_mosaic.version = 14 : i64} {
  func.func @run(%arg0: i32, %arg1: i32, %arg2: memref<41x256xf32, #tpu.memory_space<hbm>>, %arg3: memref<100000xi32, #tpu.memory_space<hbm>>, %arg4: memref<100000x256xf32, #tpu.memory_space<hbm>>, %arg5: memref<3168xi32, #tpu.memory_space<vmem>>, %arg6: memref<41x256xf32, #tpu.memory_space<vmem>>, %arg7: memref<352x256xf32, #tpu.memory_space<vmem>>, %arg8: memref<!tpu.dma_semaphore, #tpu.memory_space<semaphore_mem>>, %arg9: memref<!tpu.dma_semaphore, #tpu.memory_space<semaphore_mem>>) attributes {dimension_semantics = [#tpu.dimension_semantics<core_parallel>, #tpu.dimension_semantics<subcore_parallel>], iteration_bounds = array<i64: 2, 16>, scalar_prefetch = 0 : i64, scratch_operands = 5 : i64, tpu.core_type = #tpu.core_type<sc_vector_subcore>, window_params = [{transform_indices = #map}, {transform_indices = #map1}, {transform_indices = #map}]} {
    %mul3A = arith.constant 2 : i32
    %mul3A_0 = arith.muli %arg1, %mul3A : i32
    %add3A = arith.addi %mul3A_0, %arg0 : i32
    %mul3A_1 = arith.constant 3168 : i32
    %mul3A_2 = arith.muli %add3A, %mul3A_1 : i32
    %min3A = arith.constant 96832 : i32
    %min3A_3 = arith.minsi %mul3A_2, %min3A : i32
    tpu.enqueue_dma source(%arg2 : memref<41x256xf32, #tpu.memory_space<hbm>>) target(%arg6 : memref<41x256xf32, #tpu.memory_space<vmem>>) target_semaphore(%arg8 : memref<!tpu.dma_semaphore, #tpu.memory_space<semaphore_mem>>)
    %dma_start3A = tpu.memref_slice %arg3[%min3A_3] : memref<100000xi32, #tpu.memory_space<hbm>> -> memref<3168xi32, #tpu.memory_space<hbm>>
    %dma_start3A_4 = tpu.memref_slice %arg3[%min3A_3] : memref<100000xi32, #tpu.memory_space<hbm>> -> memref<3168xi32, #tpu.memory_space<hbm>>
    tpu.enqueue_dma source(%dma_start3A_4 : memref<3168xi32, #tpu.memory_space<hbm>>) target(%arg5 : memref<3168xi32, #tpu.memory_space<vmem>>) target_semaphore(%arg9 : memref<!tpu.dma_semaphore, #tpu.memory_space<semaphore_mem>>)
    tpu.wait_dma2 semaphore(%arg8 : memref<!tpu.dma_semaphore, #tpu.memory_space<semaphore_mem>>) src(%arg2 : memref<41x256xf32, #tpu.memory_space<hbm>>) dst(%arg6 : memref<41x256xf32, #tpu.memory_space<vmem>>)
    %dma_wait3A = tpu.memref_slice %arg3[%min3A_3] : memref<100000xi32, #tpu.memory_space<hbm>> -> memref<3168xi32, #tpu.memory_space<hbm>>
    %dma_wait3A_5 = tpu.memref_slice %arg3[%min3A_3] : memref<100000xi32, #tpu.memory_space<hbm>> -> memref<3168xi32, #tpu.memory_space<hbm>>
    tpu.wait_dma2 semaphore(%arg9 : memref<!tpu.dma_semaphore, #tpu.memory_space<semaphore_mem>>) src(%dma_wait3A_5 : memref<3168xi32, #tpu.memory_space<hbm>>) dst(%arg5 : memref<3168xi32, #tpu.memory_space<vmem>>)
    %iota3A = tpu.iota {dimensions = array<i32: 0>} : vector<16xi32>
    %add3A_6 = arith.constant 0 : i32
    %add3A_7 = vector.broadcast %add3A_6 : i32 to vector<16xi32>
    %add3A_8 = arith.addi %iota3A, %add3A_7 : vector<16xi32>
    %add3A_9 = arith.constant 16 : i32
    %add3A_10 = vector.broadcast %add3A_9 : i32 to vector<16xi32>
    %add3A_11 = arith.addi %iota3A, %add3A_10 : vector<16xi32>
    %add3A_12 = arith.constant 32 : i32
    %add3A_13 = vector.broadcast %add3A_12 : i32 to vector<16xi32>
    %add3A_14 = arith.addi %iota3A, %add3A_13 : vector<16xi32>
    %add3A_15 = arith.constant 48 : i32
    %add3A_16 = vector.broadcast %add3A_15 : i32 to vector<16xi32>
    %add3A_17 = arith.addi %iota3A, %add3A_16 : vector<16xi32>
    %add3A_18 = arith.constant 64 : i32
    %add3A_19 = vector.broadcast %add3A_18 : i32 to vector<16xi32>
    %add3A_20 = arith.addi %iota3A, %add3A_19 : vector<16xi32>
    %add3A_21 = arith.constant 80 : i32
    %add3A_22 = vector.broadcast %add3A_21 : i32 to vector<16xi32>
    %add3A_23 = arith.addi %iota3A, %add3A_22 : vector<16xi32>
    %add3A_24 = arith.constant 96 : i32
    %add3A_25 = vector.broadcast %add3A_24 : i32 to vector<16xi32>
    %add3A_26 = arith.addi %iota3A, %add3A_25 : vector<16xi32>
    %add3A_27 = arith.constant 112 : i32
    %add3A_28 = vector.broadcast %add3A_27 : i32 to vector<16xi32>
    %add3A_29 = arith.addi %iota3A, %add3A_28 : vector<16xi32>
    %add3A_30 = arith.constant 128 : i32
    %add3A_31 = vector.broadcast %add3A_30 : i32 to vector<16xi32>
    %add3A_32 = arith.addi %iota3A, %add3A_31 : vector<16xi32>
    %add3A_33 = arith.constant 144 : i32
    %add3A_34 = vector.broadcast %add3A_33 : i32 to vector<16xi32>
    %add3A_35 = arith.addi %iota3A, %add3A_34 : vector<16xi32>
    %add3A_36 = arith.constant 160 : i32
    %add3A_37 = vector.broadcast %add3A_36 : i32 to vector<16xi32>
    %add3A_38 = arith.addi %iota3A, %add3A_37 : vector<16xi32>
    %add3A_39 = arith.constant 176 : i32
    %add3A_40 = vector.broadcast %add3A_39 : i32 to vector<16xi32>
    %add3A_41 = arith.addi %iota3A, %add3A_40 : vector<16xi32>
    %add3A_42 = arith.constant 192 : i32
    %add3A_43 = vector.broadcast %add3A_42 : i32 to vector<16xi32>
    %add3A_44 = arith.addi %iota3A, %add3A_43 : vector<16xi32>
    %add3A_45 = arith.constant 208 : i32
    %add3A_46 = vector.broadcast %add3A_45 : i32 to vector<16xi32>
    %add3A_47 = arith.addi %iota3A, %add3A_46 : vector<16xi32>
    %add3A_48 = arith.constant 224 : i32
    %add3A_49 = vector.broadcast %add3A_48 : i32 to vector<16xi32>
    %add3A_50 = arith.addi %iota3A, %add3A_49 : vector<16xi32>
    %add3A_51 = arith.constant 240 : i32
    %add3A_52 = vector.broadcast %add3A_51 : i32 to vector<16xi32>
    %add3A_53 = arith.addi %iota3A, %add3A_52 : vector<16xi32>
    %broadcast_in_dim3A = arith.constant 0 : i32
    %broadcast_in_dim3A_54 = vector.broadcast %broadcast_in_dim3A : i32 to vector<16xi32>
    %broadcast_in_dim3A_55 = arith.constant 1 : i32
    %broadcast_in_dim3A_56 = vector.broadcast %broadcast_in_dim3A_55 : i32 to vector<16xi32>
    %broadcast_in_dim3A_57 = arith.constant 2 : i32
    %broadcast_in_dim3A_58 = vector.broadcast %broadcast_in_dim3A_57 : i32 to vector<16xi32>
    %broadcast_in_dim3A_59 = arith.constant 3 : i32
    %broadcast_in_dim3A_60 = vector.broadcast %broadcast_in_dim3A_59 : i32 to vector<16xi32>
    %broadcast_in_dim3A_61 = arith.constant 4 : i32
    %broadcast_in_dim3A_62 = vector.broadcast %broadcast_in_dim3A_61 : i32 to vector<16xi32>
    %broadcast_in_dim3A_63 = arith.constant 5 : i32
    %broadcast_in_dim3A_64 = vector.broadcast %broadcast_in_dim3A_63 : i32 to vector<16xi32>
    %broadcast_in_dim3A_65 = arith.constant 6 : i32
    %broadcast_in_dim3A_66 = vector.broadcast %broadcast_in_dim3A_65 : i32 to vector<16xi32>
    %broadcast_in_dim3A_67 = arith.constant 7 : i32
    %broadcast_in_dim3A_68 = vector.broadcast %broadcast_in_dim3A_67 : i32 to vector<16xi32>
    %broadcast_in_dim3A_69 = arith.constant 8 : i32
    %broadcast_in_dim3A_70 = vector.broadcast %broadcast_in_dim3A_69 : i32 to vector<16xi32>
    %broadcast_in_dim3A_71 = arith.constant 9 : i32
    %broadcast_in_dim3A_72 = vector.broadcast %broadcast_in_dim3A_71 : i32 to vector<16xi32>
    %broadcast_in_dim3A_73 = arith.constant 10 : i32
    %broadcast_in_dim3A_74 = vector.broadcast %broadcast_in_dim3A_73 : i32 to vector<16xi32>
    %broadcast_in_dim3A_75 = arith.constant 11 : i32
    %broadcast_in_dim3A_76 = vector.broadcast %broadcast_in_dim3A_75 : i32 to vector<16xi32>
    %broadcast_in_dim3A_77 = arith.constant 12 : i32
    %broadcast_in_dim3A_78 = vector.broadcast %broadcast_in_dim3A_77 : i32 to vector<16xi32>
    %broadcast_in_dim3A_79 = arith.constant 13 : i32
    %broadcast_in_dim3A_80 = vector.broadcast %broadcast_in_dim3A_79 : i32 to vector<16xi32>
    %broadcast_in_dim3A_81 = arith.constant 14 : i32
    %broadcast_in_dim3A_82 = vector.broadcast %broadcast_in_dim3A_81 : i32 to vector<16xi32>
    %broadcast_in_dim3A_83 = arith.constant 15 : i32
    %broadcast_in_dim3A_84 = vector.broadcast %broadcast_in_dim3A_83 : i32 to vector<16xi32>
    %scan3A = arith.constant 0 : i32
    %scan3A_85 = arith.constant 0 : i32
    %scan3A_86 = arith.constant 18 : i32
    %scan3A_87 = arith.addi %scan3A_85, %scan3A_86 : i32
    %scan3A_88 = arith.constant 1 : i32
    scf.for %scan3A_114 = %scan3A_85 to %scan3A_87 step %scan3A_88  : i32 {
      %jit3A = arith.constant 2 : i32
      %eq3A = arith.constant 0 : i32
      %eq3A_115 = arith.cmpi eq, %jit3A, %eq3A : i32
      %jit3A_116 = arith.constant 1 : i32
      %select_n3A = arith.select %eq3A_115, %jit3A_116, %jit3A : i32
      %rem3A = arith.remsi %scan3A_114, %select_n3A : i32
      %ne3A = arith.constant 0 : i32
      %ne3A_117 = arith.cmpi ne, %rem3A, %ne3A : i32
      %lt3A = arith.constant 0 : i32
      %lt3A_118 = arith.cmpi slt, %rem3A, %lt3A : i32
      %lt3A_119 = arith.constant 0 : i32
      %lt3A_120 = arith.cmpi slt, %select_n3A, %lt3A_119 : i32
      %ne3A_121 = arith.xori %lt3A_118, %lt3A_120 : i1
      %and3A = arith.andi %ne3A_121, %ne3A_117 : i1
      %add3A_122 = arith.addi %rem3A, %select_n3A : i32
      %select_n3A_123 = arith.select %and3A, %add3A_122, %rem3A : i32
      %ge3A = arith.constant 2 : i32
      %ge3A_124 = arith.cmpi sge, %scan3A_114, %ge3A : i32
      %eq3A_125 = arith.constant 0 : i32
      %eq3A_126 = arith.cmpi eq, %select_n3A_123, %eq3A_125 : i32
      %and3A_127 = arith.andi %ge3A_124, %eq3A_126 : i1
      %convert_element_type3A = arith.extui %and3A_127 : i1 to i32
      %cond3A = arith.constant 0 : i32
      %cond3A_128 = arith.cmpi ne, %convert_element_type3A, %cond3A : i32
      scf.if %cond3A_128 {
        %dma_wait3A_153 = arith.constant 0 : i32
        %dma_wait3A_154 = arith.constant 0 : i32
        %dma_wait3A_155 = tpu.memref_slice %arg7[%dma_wait3A_153, %dma_wait3A_154] : memref<352x256xf32, #tpu.memory_space<vmem>> -> memref<176x256xf32, #tpu.memory_space<vmem>>
        %dma_wait3A_156 = arith.constant 0 : i32
        %dma_wait3A_157 = arith.constant 0 : i32
        %dma_wait3A_158 = tpu.memref_slice %arg4[%dma_wait3A_156, %dma_wait3A_157] : memref<100000x256xf32, #tpu.memory_space<hbm>> -> memref<176x256xf32, #tpu.memory_space<hbm>>
        %dma_wait3A_159 = arith.constant 0 : i32
        %dma_wait3A_160 = arith.constant 0 : i32
        %dma_wait3A_161 = tpu.memref_slice %arg4[%dma_wait3A_159, %dma_wait3A_160] : memref<100000x256xf32, #tpu.memory_space<hbm>> -> memref<176x256xf32, #tpu.memory_space<hbm>>
        %dma_wait3A_162 = arith.constant 0 : i32
        %dma_wait3A_163 = arith.constant 0 : i32
        %dma_wait3A_164 = tpu.memref_slice %arg7[%dma_wait3A_162, %dma_wait3A_163] : memref<352x256xf32, #tpu.memory_space<vmem>> -> memref<176x256xf32, #tpu.memory_space<vmem>>
        tpu.wait_dma2 semaphore(%arg8 : memref<!tpu.dma_semaphore, #tpu.memory_space<semaphore_mem>>) src(%dma_wait3A_164 : memref<176x256xf32, #tpu.memory_space<vmem>>) dst(%dma_wait3A_161 : memref<176x256xf32, #tpu.memory_space<hbm>>)
      } else {
      }
      %ge3A_129 = arith.constant 2 : i32
      %ge3A_130 = arith.cmpi sge, %scan3A_114, %ge3A_129 : i32
      %eq3A_131 = arith.constant 1 : i32
      %eq3A_132 = arith.cmpi eq, %select_n3A_123, %eq3A_131 : i32
      %and3A_133 = arith.andi %ge3A_130, %eq3A_132 : i1
      %convert_element_type3A_134 = arith.extui %and3A_133 : i1 to i32
      %cond3A_135 = arith.constant 0 : i32
      %cond3A_136 = arith.cmpi ne, %convert_element_type3A_134, %cond3A_135 : i32
      scf.if %cond3A_136 {
        %dma_wait3A_153 = arith.constant 176 : i32
        %dma_wait3A_154 = arith.constant 0 : i32
        %dma_wait3A_155 = tpu.memref_slice %arg7[%dma_wait3A_153, %dma_wait3A_154] : memref<352x256xf32, #tpu.memory_space<vmem>> -> memref<176x256xf32, #tpu.memory_space<vmem>>
        %dma_wait3A_156 = arith.constant 0 : i32
        %dma_wait3A_157 = arith.constant 0 : i32
        %dma_wait3A_158 = tpu.memref_slice %arg4[%dma_wait3A_156, %dma_wait3A_157] : memref<100000x256xf32, #tpu.memory_space<hbm>> -> memref<176x256xf32, #tpu.memory_space<hbm>>
        %dma_wait3A_159 = arith.constant 0 : i32
        %dma_wait3A_160 = arith.constant 0 : i32
        %dma_wait3A_161 = tpu.memref_slice %arg4[%dma_wait3A_159, %dma_wait3A_160] : memref<100000x256xf32, #tpu.memory_space<hbm>> -> memref<176x256xf32, #tpu.memory_space<hbm>>
        %dma_wait3A_162 = arith.constant 176 : i32
        %dma_wait3A_163 = arith.constant 0 : i32
        %dma_wait3A_164 = tpu.memref_slice %arg7[%dma_wait3A_162, %dma_wait3A_163] : memref<352x256xf32, #tpu.memory_space<vmem>> -> memref<176x256xf32, #tpu.memory_space<vmem>>
        tpu.wait_dma2 semaphore(%arg9 : memref<!tpu.dma_semaphore, #tpu.memory_space<semaphore_mem>>) src(%dma_wait3A_164 : memref<176x256xf32, #tpu.memory_space<vmem>>) dst(%dma_wait3A_161 : memref<176x256xf32, #tpu.memory_space<hbm>>)
      } else {
      }
      %scan3A_137 = arith.constant 0 : i32
      %scan3A_138 = arith.constant 0 : i32
      %scan3A_139 = arith.constant 11 : i32
      %scan3A_140 = arith.addi %scan3A_138, %scan3A_139 : i32
      %scan3A_141 = arith.constant 1 : i32
      scf.for %scan3A_153 = %scan3A_138 to %scan3A_140 step %scan3A_141  : i32 {
        %mul3A_154 = arith.constant 176 : i32
        %mul3A_155 = arith.muli %scan3A_114, %mul3A_154 : i32
        %mul3A_156 = arith.constant 16 : i32
        %mul3A_157 = arith.muli %scan3A_153, %mul3A_156 : i32
        %add3A_158 = arith.addi %mul3A_155, %mul3A_157 : i32
        %get3A = arith.index_cast %add3A_158 : i32 to index
        %get3A_159 = tpu.vector_load %arg5[%get3A] {strides = array<i32>} : memref<3168xi32, #tpu.memory_space<vmem>>, vector<16xi32>,
        %mul3A_160 = arith.constant 176 : i32
        %mul3A_161 = arith.muli %select_n3A_123, %mul3A_160 : i32
        %mul3A_162 = arith.constant 16 : i32
        %mul3A_163 = arith.muli %scan3A_153, %mul3A_162 : i32
        %add3A_164 = arith.addi %mul3A_161, %mul3A_163 : i32
        %broadcast_in_dim3A_165 = vector.shape_cast %broadcast_in_dim3A_54 : vector<16xi32> to vector<16x1xi32>
        %gather3A = vector.shape_cast %broadcast_in_dim3A_165 : vector<16x1xi32> to vector<16xi32>
        %gather3A_166 = tpu.dynamic_gather %get3A_159[%gather3A] in [0] : vector<16xi32>, vector<16xi32> -> vector<16xi32>
        %gather3A_167 = tpu.vector_load_idx %arg6[%gather3A_166, %add3A_8] : memref<41x256xf32, #tpu.memory_space<vmem>>[vector<16xi32>, vector<16xi32>], vector<16xf32>,
        %gather3A_168 = tpu.vector_load_idx %arg6[%gather3A_166, %add3A_11] : memref<41x256xf32, #tpu.memory_space<vmem>>[vector<16xi32>, vector<16xi32>], vector<16xf32>,
        %gather3A_169 = tpu.vector_load_idx %arg6[%gather3A_166, %add3A_14] : memref<41x256xf32, #tpu.memory_space<vmem>>[vector<16xi32>, vector<16xi32>], vector<16xf32>,
        %gather3A_170 = tpu.vector_load_idx %arg6[%gather3A_166, %add3A_17] : memref<41x256xf32, #tpu.memory_space<vmem>>[vector<16xi32>, vector<16xi32>], vector<16xf32>,
        %gather3A_171 = tpu.vector_load_idx %arg6[%gather3A_166, %add3A_20] : memref<41x256xf32, #tpu.memory_space<vmem>>[vector<16xi32>, vector<16xi32>], vector<16xf32>,
        %gather3A_172 = tpu.vector_load_idx %arg6[%gather3A_166, %add3A_23] : memref<41x256xf32, #tpu.memory_space<vmem>>[vector<16xi32>, vector<16xi32>], vector<16xf32>,
        %gather3A_173 = tpu.vector_load_idx %arg6[%gather3A_166, %add3A_26] : memref<41x256xf32, #tpu.memory_space<vmem>>[vector<16xi32>, vector<16xi32>], vector<16xf32>,
        %gather3A_174 = tpu.vector_load_idx %arg6[%gather3A_166, %add3A_29] : memref<41x256xf32, #tpu.memory_space<vmem>>[vector<16xi32>, vector<16xi32>], vector<16xf32>,
        %gather3A_175 = tpu.vector_load_idx %arg6[%gather3A_166, %add3A_32] : memref<41x256xf32, #tpu.memory_space<vmem>>[vector<16xi32>, vector<16xi32>], vector<16xf32>,
        %gather3A_176 = tpu.vector_load_idx %arg6[%gather3A_166, %add3A_35] : memref<41x256xf32, #tpu.memory_space<vmem>>[vector<16xi32>, vector<16xi32>], vector<16xf32>,
        %gather3A_177 = tpu.vector_load_idx %arg6[%gather3A_166, %add3A_38] : memref<41x256xf32, #tpu.memory_space<vmem>>[vector<16xi32>, vector<16xi32>], vector<16xf32>,
        %gather3A_178 = tpu.vector_load_idx %arg6[%gather3A_166, %add3A_41] : memref<41x256xf32, #tpu.memory_space<vmem>>[vector<16xi32>, vector<16xi32>], vector<16xf32>,
        %gather3A_179 = tpu.vector_load_idx %arg6[%gather3A_166, %add3A_44] : memref<41x256xf32, #tpu.memory_space<vmem>>[vector<16xi32>, vector<16xi32>], vector<16xf32>,
        %gather3A_180 = tpu.vector_load_idx %arg6[%gather3A_166, %add3A_47] : memref<41x256xf32, #tpu.memory_space<vmem>>[vector<16xi32>, vector<16xi32>], vector<16xf32>,
        %gather3A_181 = tpu.vector_load_idx %arg6[%gather3A_166, %add3A_50] : memref<41x256xf32, #tpu.memory_space<vmem>>[vector<16xi32>, vector<16xi32>], vector<16xf32>,
        %gather3A_182 = tpu.vector_load_idx %arg6[%gather3A_166, %add3A_53] : memref<41x256xf32, #tpu.memory_space<vmem>>[vector<16xi32>, vector<16xi32>], vector<16xf32>,
        %broadcast_in_dim3A_183 = vector.shape_cast %broadcast_in_dim3A_56 : vector<16xi32> to vector<16x1xi32>
        %gather3A_184 = vector.shape_cast %broadcast_in_dim3A_183 : vector<16x1xi32> to vector<16xi32>
        %gather3A_185 = tpu.dynamic_gather %get3A_159[%gather3A_184] in [0] : vector<16xi32>, vector<16xi32> -> vector<16xi32>
        %gather3A_186 = tpu.vector_load_idx %arg6[%gather3A_185, %add3A_8] : memref<41x256xf32, #tpu.memory_space<vmem>>[vector<16xi32>, vector<16xi32>], vector<16xf32>,
        %add3A_187 = arith.constant 1 : i32
        %add3A_188 = arith.addi %add3A_164, %add3A_187 : i32
        %sub3A = arith.constant 1 : i32
        %sub3A_189 = arith.subi %add3A_188, %sub3A : i32
        %swap3A = arith.index_cast %sub3A_189 : i32 to index
        %swap3A_190 = arith.constant 0 : index
        %swap3A_191 = tpu.vector_load %arg7[%swap3A, %swap3A_190] {strides = array<i32>} : memref<352x256xf32, #tpu.memory_space<vmem>>, vector<16xf32>,
        tpu.vector_store %arg7[%swap3A, %swap3A_190], %gather3A_167 {strides = array<i32>} : memref<352x256xf32, #tpu.memory_space<vmem>>, vector<16xf32>,
        %gather3A_192 = tpu.vector_load_idx %arg6[%gather3A_185, %add3A_11] : memref<41x256xf32, #tpu.memory_space<vmem>>[vector<16xi32>, vector<16xi32>], vector<16xf32>,
        %add3A_193 = arith.constant 1 : i32
        %add3A_194 = arith.addi %add3A_164, %add3A_193 : i32
        %sub3A_195 = arith.constant 1 : i32
        %sub3A_196 = arith.subi %add3A_194, %sub3A_195 : i32
        %swap3A_197 = arith.index_cast %sub3A_196 : i32 to index
        %swap3A_198 = arith.constant 16 : index
        %swap3A_199 = tpu.vector_load %arg7[%swap3A_197, %swap3A_198] {strides = array<i32>} : memref<352x256xf32, #tpu.memory_space<vmem>>, vector<16xf32>,
        tpu.vector_store %arg7[%swap3A_197, %swap3A_198], %gather3A_168 {strides = array<i32>} : memref<352x256xf32, #tpu.memory_space<vmem>>, vector<16xf32>,
        %gather3A_200 = tpu.vector_load_idx %arg6[%gather3A_185, %add3A_14] : memref<41x256xf32, #tpu.memory_space<vmem>>[vector<16xi32>, vector<16xi32>], vector<16xf32>,
        %add3A_201 = arith.constant 1 : i32
        %add3A_202 = arith.addi %add3A_164, %add3A_201 : i32
        %sub3A_203 = arith.constant 1 : i32
        %sub3A_204 = arith.subi %add3A_202, %sub3A_203 : i32
        %swap3A_205 = arith.index_cast %sub3A_204 : i32 to index
        %swap3A_206 = arith.constant 32 : index
        %swap3A_207 = tpu.vector_load %arg7[%swap3A_205, %swap3A_206] {strides = array<i32>} : memref<352x256xf32, #tpu.memory_space<vmem>>, vector<16xf32>,
        tpu.vector_store %arg7[%swap3A_205, %swap3A_206], %gather3A_169 {strides = array<i32>} : memref<352x256xf32, #tpu.memory_space<vmem>>, vector<16xf32>,
        %gather3A_208 = tpu.vector_load_idx %arg6[%gather3A_185, %add3A_17] : memref<41x256xf32, #tpu.memory_space<vmem>>[vector<16xi32>, vector<16xi32>], vector<16xf32>,
        %add3A_209 = arith.constant 1 : i32
        %add3A_210 = arith.addi %add3A_164, %add3A_209 : i32
        %sub3A_211 = arith.constant 1 : i32
        %sub3A_212 = arith.subi %add3A_210, %sub3A_211 : i32
        %swap3A_213 = arith.index_cast %sub3A_212 : i32 to index
        %swap3A_214 = arith.constant 48 : index
        %swap3A_215 = tpu.vector_load %arg7[%swap3A_213, %swap3A_214] {strides = array<i32>} : memref<352x256xf32, #tpu.memory_space<vmem>>, vector<16xf32>,
        tpu.vector_store %arg7[%swap3A_213, %swap3A_214], %gather3A_170 {strides = array<i32>} : memref<352x256xf32, #tpu.memory_space<vmem>>, vector<16xf32>,
        %gather3A_216 = tpu.vector_load_idx %arg6[%gather3A_185, %add3A_20] : memref<41x256xf32, #tpu.memory_space<vmem>>[vector<16xi32>, vector<16xi32>], vector<16xf32>,
        %add3A_217 = arith.constant 1 : i32
        %add3A_218 = arith.addi %add3A_164, %add3A_217 : i32
        %sub3A_219 = arith.constant 1 : i32
        %sub3A_220 = arith.subi %add3A_218, %sub3A_219 : i32
        %swap3A_221 = arith.index_cast %sub3A_220 : i32 to index
        %swap3A_222 = arith.constant 64 : index
        %swap3A_223 = tpu.vector_load %arg7[%swap3A_221, %swap3A_222] {strides = array<i32>} : memref<352x256xf32, #tpu.memory_space<vmem>>, vector<16xf32>,
        tpu.vector_store %arg7[%swap3A_221, %swap3A_222], %gather3A_171 {strides = array<i32>} : memref<352x256xf32, #tpu.memory_space<vmem>>, vector<16xf32>,
        %gather3A_224 = tpu.vector_load_idx %arg6[%gather3A_185, %add3A_23] : memref<41x256xf32, #tpu.memory_space<vmem>>[vector<16xi32>, vector<16xi32>], vector<16xf32>,
        %add3A_225 = arith.constant 1 : i32
        %add3A_226 = arith.addi %add3A_164, %add3A_225 : i32
        %sub3A_227 = arith.constant 1 : i32
        %sub3A_228 = arith.subi %add3A_226, %sub3A_227 : i32
        %swap3A_229 = arith.index_cast %sub3A_228 : i32 to index
        %swap3A_230 = arith.constant 80 : index
        %swap3A_231 = tpu.vector_load %arg7[%swap3A_229, %swap3A_230] {strides = array<i32>} : memref<352x256xf32, #tpu.memory_space<vmem>>, vector<16xf32>,
        tpu.vector_store %arg7[%swap3A_229, %swap3A_230], %gather3A_172 {strides = array<i32>} : memref<352x256xf32, #tpu.memory_space<vmem>>, vector<16xf32>,
        %gather3A_232 = tpu.vector_load_idx %arg6[%gather3A_185, %add3A_26] : memref<41x256xf32, #tpu.memory_space<vmem>>[vector<16xi32>, vector<16xi32>], vector<16xf32>,
        %add3A_233 = arith.constant 1 : i32
        %add3A_234 = arith.addi %add3A_164, %add3A_233 : i32
        %sub3A_235 = arith.constant 1 : i32
        %sub3A_236 = arith.subi %add3A_234, %sub3A_235 : i32
        %swap3A_237 = arith.index_cast %sub3A_236 : i32 to index
        %swap3A_238 = arith.constant 96 : index
        %swap3A_239 = tpu.vector_load %arg7[%swap3A_237, %swap3A_238] {strides = array<i32>} : memref<352x256xf32, #tpu.memory_space<vmem>>, vector<16xf32>,
        tpu.vector_store %arg7[%swap3A_237, %swap3A_238], %gather3A_173 {strides = array<i32>} : memref<352x256xf32, #tpu.memory_space<vmem>>, vector<16xf32>,
        %gather3A_240 = tpu.vector_load_idx %arg6[%gather3A_185, %add3A_29] : memref<41x256xf32, #tpu.memory_space<vmem>>[vector<16xi32>, vector<16xi32>], vector<16xf32>,
        %add3A_241 = arith.constant 1 : i32
        %add3A_242 = arith.addi %add3A_164, %add3A_241 : i32
        %sub3A_243 = arith.constant 1 : i32
        %sub3A_244 = arith.subi %add3A_242, %sub3A_243 : i32
        %swap3A_245 = arith.index_cast %sub3A_244 : i32 to index
        %swap3A_246 = arith.constant 112 : index
        %swap3A_247 = tpu.vector_load %arg7[%swap3A_245, %swap3A_246] {strides = array<i32>} : memref<352x256xf32, #tpu.memory_space<vmem>>, vector<16xf32>,
        tpu.vector_store %arg7[%swap3A_245, %swap3A_246], %gather3A_174 {strides = array<i32>} : memref<352x256xf32, #tpu.memory_space<vmem>>, vector<16xf32>,
        %gather3A_248 = tpu.vector_load_idx %arg6[%gather3A_185, %add3A_32] : memref<41x256xf32, #tpu.memory_space<vmem>>[vector<16xi32>, vector<16xi32>], vector<16xf32>,
        %add3A_249 = arith.constant 1 : i32
        %add3A_250 = arith.addi %add3A_164, %add3A_249 : i32
        %sub3A_251 = arith.constant 1 : i32
        %sub3A_252 = arith.subi %add3A_250, %sub3A_251 : i32
        %swap3A_253 = arith.index_cast %sub3A_252 : i32 to index
        %swap3A_254 = arith.constant 128 : index
        %swap3A_255 = tpu.vector_load %arg7[%swap3A_253, %swap3A_254] {strides = array<i32>} : memref<352x256xf32, #tpu.memory_space<vmem>>, vector<16xf32>,
        tpu.vector_store %arg7[%swap3A_253, %swap3A_254], %gather3A_175 {strides = array<i32>} : memref<352x256xf32, #tpu.memory_space<vmem>>, vector<16xf32>,
        %gather3A_256 = tpu.vector_load_idx %arg6[%gather3A_185, %add3A_35] : memref<41x256xf32, #tpu.memory_space<vmem>>[vector<16xi32>, vector<16xi32>], vector<16xf32>,
        %add3A_257 = arith.constant 1 : i32
        %add3A_258 = arith.addi %add3A_164, %add3A_257 : i32
        %sub3A_259 = arith.constant 1 : i32
        %sub3A_260 = arith.subi %add3A_258, %sub3A_259 : i32
        %swap3A_261 = arith.index_cast %sub3A_260 : i32 to index
        %swap3A_262 = arith.constant 144 : index
        %swap3A_263 = tpu.vector_load %arg7[%swap3A_261, %swap3A_262] {strides = array<i32>} : memref<352x256xf32, #tpu.memory_space<vmem>>, vector<16xf32>,
        tpu.vector_store %arg7[%swap3A_261, %swap3A_262], %gather3A_176 {strides = array<i32>} : memref<352x256xf32, #tpu.memory_space<vmem>>, vector<16xf32>,
        %gather3A_264 = tpu.vector_load_idx %arg6[%gather3A_185, %add3A_38] : memref<41x256xf32, #tpu.memory_space<vmem>>[vector<16xi32>, vector<16xi32>], vector<16xf32>,
        %add3A_265 = arith.constant 1 : i32
        %add3A_266 = arith.addi %add3A_164, %add3A_265 : i32
        %sub3A_267 = arith.constant 1 : i32
        %sub3A_268 = arith.subi %add3A_266, %sub3A_267 : i32
        %swap3A_269 = arith.index_cast %sub3A_268 : i32 to index
        %swap3A_270 = arith.constant 160 : index
        %swap3A_271 = tpu.vector_load %arg7[%swap3A_269, %swap3A_270] {strides = array<i32>} : memref<352x256xf32, #tpu.memory_space<vmem>>, vector<16xf32>,
        tpu.vector_store %arg7[%swap3A_269, %swap3A_270], %gather3A_177 {strides = array<i32>} : memref<352x256xf32, #tpu.memory_space<vmem>>, vector<16xf32>,
        %gather3A_272 = tpu.vector_load_idx %arg6[%gather3A_185, %add3A_41] : memref<41x256xf32, #tpu.memory_space<vmem>>[vector<16xi32>, vector<16xi32>], vector<16xf32>,
        %add3A_273 = arith.constant 1 : i32
        %add3A_274 = arith.addi %add3A_164, %add3A_273 : i32
        %sub3A_275 = arith.constant 1 : i32
        %sub3A_276 = arith.subi %add3A_274, %sub3A_275 : i32
        %swap3A_277 = arith.index_cast %sub3A_276 : i32 to index
        %swap3A_278 = arith.constant 176 : index
        %swap3A_279 = tpu.vector_load %arg7[%swap3A_277, %swap3A_278] {strides = array<i32>} : memref<352x256xf32, #tpu.memory_space<vmem>>, vector<16xf32>,
        tpu.vector_store %arg7[%swap3A_277, %swap3A_278], %gather3A_178 {strides = array<i32>} : memref<352x256xf32, #tpu.memory_space<vmem>>, vector<16xf32>,
        %gather3A_280 = tpu.vector_load_idx %arg6[%gather3A_185, %add3A_44] : memref<41x256xf32, #tpu.memory_space<vmem>>[vector<16xi32>, vector<16xi32>], vector<16xf32>,
        %add3A_281 = arith.constant 1 : i32
        %add3A_282 = arith.addi %add3A_164, %add3A_281 : i32
        %sub3A_283 = arith.constant 1 : i32
        %sub3A_284 = arith.subi %add3A_282, %sub3A_283 : i32
        %swap3A_285 = arith.index_cast %sub3A_284 : i32 to index
        %swap3A_286 = arith.constant 192 : index
        %swap3A_287 = tpu.vector_load %arg7[%swap3A_285, %swap3A_286] {strides = array<i32>} : memref<352x256xf32, #tpu.memory_space<vmem>>, vector<16xf32>,
        tpu.vector_store %arg7[%swap3A_285, %swap3A_286], %gather3A_179 {strides = array<i32>} : memref<352x256xf32, #tpu.memory_space<vmem>>, vector<16xf32>,
        %gather3A_288 = tpu.vector_load_idx %arg6[%gather3A_185, %add3A_47] : memref<41x256xf32, #tpu.memory_space<vmem>>[vector<16xi32>, vector<16xi32>], vector<16xf32>,
        %add3A_289 = arith.constant 1 : i32
        %add3A_290 = arith.addi %add3A_164, %add3A_289 : i32
        %sub3A_291 = arith.constant 1 : i32
        %sub3A_292 = arith.subi %add3A_290, %sub3A_291 : i32
        %swap3A_293 = arith.index_cast %sub3A_292 : i32 to index
        %swap3A_294 = arith.constant 208 : index
        %swap3A_295 = tpu.vector_load %arg7[%swap3A_293, %swap3A_294] {strides = array<i32>} : memref<352x256xf32, #tpu.memory_space<vmem>>, vector<16xf32>,
        tpu.vector_store %arg7[%swap3A_293, %swap3A_294], %gather3A_180 {strides = array<i32>} : memref<352x256xf32, #tpu.memory_space<vmem>>, vector<16xf32>,
        %gather3A_296 = tpu.vector_load_idx %arg6[%gather3A_185, %add3A_50] : memref<41x256xf32, #tpu.memory_space<vmem>>[vector<16xi32>, vector<16xi32>], vector<16xf32>,
        %add3A_297 = arith.constant 1 : i32
        %add3A_298 = arith.addi %add3A_164, %add3A_297 : i32
        %sub3A_299 = arith.constant 1 : i32
        %sub3A_300 = arith.subi %add3A_298, %sub3A_299 : i32
        %swap3A_301 = arith.index_cast %sub3A_300 : i32 to index
        %swap3A_302 = arith.constant 224 : index
        %swap3A_303 = tpu.vector_load %arg7[%swap3A_301, %swap3A_302] {strides = array<i32>} : memref<352x256xf32, #tpu.memory_space<vmem>>, vector<16xf32>,
        tpu.vector_store %arg7[%swap3A_301, %swap3A_302], %gather3A_181 {strides = array<i32>} : memref<352x256xf32, #tpu.memory_space<vmem>>, vector<16xf32>,
        %gather3A_304 = tpu.vector_load_idx %arg6[%gather3A_185, %add3A_53] : memref<41x256xf32, #tpu.memory_space<vmem>>[vector<16xi32>, vector<16xi32>], vector<16xf32>,
        %add3A_305 = arith.constant 1 : i32
        %add3A_306 = arith.addi %add3A_164, %add3A_305 : i32
        %sub3A_307 = arith.constant 1 : i32
        %sub3A_308 = arith.subi %add3A_306, %sub3A_307 : i32
        %swap3A_309 = arith.index_cast %sub3A_308 : i32 to index
        %swap3A_310 = arith.constant 240 : index
        %swap3A_311 = tpu.vector_load %arg7[%swap3A_309, %swap3A_310] {strides = array<i32>} : memref<352x256xf32, #tpu.memory_space<vmem>>, vector<16xf32>,
        tpu.vector_store %arg7[%swap3A_309, %swap3A_310], %gather3A_182 {strides = array<i32>} : memref<352x256xf32, #tpu.memory_space<vmem>>, vector<16xf32>,
        %broadcast_in_dim3A_312 = vector.shape_cast %broadcast_in_dim3A_58 : vector<16xi32> to vector<16x1xi32>
        %gather3A_313 = vector.shape_cast %broadcast_in_dim3A_312 : vector<16x1xi32> to vector<16xi32>
        %gather3A_314 = tpu.dynamic_gather %get3A_159[%gather3A_313] in [0] : vector<16xi32>, vector<16xi32> -> vector<16xi32>
        %gather3A_315 = tpu.vector_load_idx %arg6[%gather3A_314, %add3A_8] : memref<41x256xf32, #tpu.memory_space<vmem>>[vector<16xi32>, vector<16xi32>], vector<16xf32>,
        %add3A_316 = arith.constant 2 : i32
        %add3A_317 = arith.addi %add3A_164, %add3A_316 : i32
        %sub3A_318 = arith.constant 1 : i32
        %sub3A_319 = arith.subi %add3A_317, %sub3A_318 : i32
        %swap3A_320 = arith.index_cast %sub3A_319 : i32 to index
        %swap3A_321 = arith.constant 0 : index
        %swap3A_322 = tpu.vector_load %arg7[%swap3A_320, %swap3A_321] {strides = array<i32>} : memref<352x256xf32, #tpu.memory_space<vmem>>, vector<16xf32>,
        tpu.vector_store %arg7[%swap3A_320, %swap3A_321], %gather3A_186 {strides = array<i32>} : memref<352x256xf32, #tpu.memory_space<vmem>>, vector<16xf32>,
        %gather3A_323 = tpu.vector_load_idx %arg6[%gather3A_314, %add3A_11] : memref<41x256xf32, #tpu.memory_space<vmem>>[vector<16xi32>, vector<16xi32>], vector<16xf32>,
        %add3A_324 = arith.constant 2 : i32
        %add3A_325 = arith.addi %add3A_164, %add3A_324 : i32
        %sub3A_326 = arith.constant 1 : i32
        %sub3A_327 = arith.subi %add3A_325, %sub3A_326 : i32
        %swap3A_328 = arith.index_cast %sub3A_327 : i32 to index
        %swap3A_329 = arith.constant 16 : index
        %swap3A_330 = tpu.vector_load %arg7[%swap3A_328, %swap3A_329] {strides = array<i32>} : memref<352x256xf32, #tpu.memory_space<vmem>>, vector<16xf32>,
        tpu.vector_store %arg7[%swap3A_328, %swap3A_329], %gather3A_192 {strides = array<i32>} : memref<352x256xf32, #tpu.memory_space<vmem>>, vector<16xf32>,
        %gather3A_331 = tpu.vector_load_idx %arg6[%gather3A_314, %add3A_14] : memref<41x256xf32, #tpu.memory_space<vmem>>[vector<16xi32>, vector<16xi32>], vector<16xf32>,
        %add3A_332 = arith.constant 2 : i32
        %add3A_333 = arith.addi %add3A_164, %add3A_332 : i32
        %sub3A_334 = arith.constant 1 : i32
        %sub3A_335 = arith.subi %add3A_333, %sub3A_334 : i32
        %swap3A_336 = arith.index_cast %sub3A_335 : i32 to index
        %swap3A_337 = arith.constant 32 : index
        %swap3A_338 = tpu.vector_load %arg7[%swap3A_336, %swap3A_337] {strides = array<i32>} : memref<352x256xf32, #tpu.memory_space<vmem>>, vector<16xf32>,
        tpu.vector_store %arg7[%swap3A_336, %swap3A_337], %gather3A_200 {strides = array<i32>} : memref<352x256xf32, #tpu.memory_space<vmem>>, vector<16xf32>,
        %gather3A_339 = tpu.vector_load_idx %arg6[%gather3A_314, %add3A_17] : memref<41x256xf32, #tpu.memory_space<vmem>>[vector<16xi32>, vector<16xi32>], vector<16xf32>,
        %add3A_340 = arith.constant 2 : i32
        %add3A_341 = arith.addi %add3A_164, %add3A_340 : i32
        %sub3A_342 = arith.constant 1 : i32
        %sub3A_343 = arith.subi %add3A_341, %sub3A_342 : i32
        %swap3A_344 = arith.index_cast %sub3A_343 : i32 to index
        %swap3A_345 = arith.constant 48 : index
        %swap3A_346 = tpu.vector_load %arg7[%swap3A_344, %swap3A_345] {strides = array<i32>} : memref<352x256xf32, #tpu.memory_space<vmem>>, vector<16xf32>,
        tpu.vector_store %arg7[%swap3A_344, %swap3A_345], %gather3A_208 {strides = array<i32>} : memref<352x256xf32, #tpu.memory_space<vmem>>, vector<16xf32>,
        %gather3A_347 = tpu.vector_load_idx %arg6[%gather3A_314, %add3A_20] : memref<41x256xf32, #tpu.memory_space<vmem>>[vector<16xi32>, vector<16xi32>], vector<16xf32>,
        %add3A_348 = arith.constant 2 : i32
        %add3A_349 = arith.addi %add3A_164, %add3A_348 : i32
        %sub3A_350 = arith.constant 1 : i32
        %sub3A_351 = arith.subi %add3A_349, %sub3A_350 : i32
        %swap3A_352 = arith.index_cast %sub3A_351 : i32 to index
        %swap3A_353 = arith.constant 64 : index
        %swap3A_354 = tpu.vector_load %arg7[%swap3A_352, %swap3A_353] {strides = array<i32>} : memref<352x256xf32, #tpu.memory_space<vmem>>, vector<16xf32>,
        tpu.vector_store %arg7[%swap3A_352, %swap3A_353], %gather3A_216 {strides = array<i32>} : memref<352x256xf32, #tpu.memory_space<vmem>>, vector<16xf32>,
        %gather3A_355 = tpu.vector_load_idx %arg6[%gather3A_314, %add3A_23] : memref<41x256xf32, #tpu.memory_space<vmem>>[vector<16xi32>, vector<16xi32>], vector<16xf32>,
        %add3A_356 = arith.constant 2 : i32
        %add3A_357 = arith.addi %add3A_164, %add3A_356 : i32
        %sub3A_358 = arith.constant 1 : i32
        %sub3A_359 = arith.subi %add3A_357, %sub3A_358 : i32
        %swap3A_360 = arith.index_cast %sub3A_359 : i32 to index
        %swap3A_361 = arith.constant 80 : index
        %swap3A_362 = tpu.vector_load %arg7[%swap3A_360, %swap3A_361] {strides = array<i32>} : memref<352x256xf32, #tpu.memory_space<vmem>>, vector<16xf32>,
        tpu.vector_store %arg7[%swap3A_360, %swap3A_361], %gather3A_224 {strides = array<i32>} : memref<352x256xf32, #tpu.memory_space<vmem>>, vector<16xf32>,
        %gather3A_363 = tpu.vector_load_idx %arg6[%gather3A_314, %add3A_26] : memref<41x256xf32, #tpu.memory_space<vmem>>[vector<16xi32>, vector<16xi32>], vector<16xf32>,
        %add3A_364 = arith.constant 2 : i32
        %add3A_365 = arith.addi %add3A_164, %add3A_364 : i32
        %sub3A_366 = arith.constant 1 : i32
        %sub3A_367 = arith.subi %add3A_365, %sub3A_366 : i32
        %swap3A_368 = arith.index_cast %sub3A_367 : i32 to index
        %swap3A_369 = arith.constant 96 : index
        %swap3A_370 = tpu.vector_load %arg7[%swap3A_368, %swap3A_369] {strides = array<i32>} : memref<352x256xf32, #tpu.memory_space<vmem>>, vector<16xf32>,
        tpu.vector_store %arg7[%swap3A_368, %swap3A_369], %gather3A_232 {strides = array<i32>} : memref<352x256xf32, #tpu.memory_space<vmem>>, vector<16xf32>,
        %gather3A_371 = tpu.vector_load_idx %arg6[%gather3A_314, %add3A_29] : memref<41x256xf32, #tpu.memory_space<vmem>>[vector<16xi32>, vector<16xi32>], vector<16xf32>,
        %add3A_372 = arith.constant 2 : i32
        %add3A_373 = arith.addi %add3A_164, %add3A_372 : i32
        %sub3A_374 = arith.constant 1 : i32
        %sub3A_375 = arith.subi %add3A_373, %sub3A_374 : i32
        %swap3A_376 = arith.index_cast %sub3A_375 : i32 to index
        %swap3A_377 = arith.constant 112 : index
        %swap3A_378 = tpu.vector_load %arg7[%swap3A_376, %swap3A_377] {strides = array<i32>} : memref<352x256xf32, #tpu.memory_space<vmem>>, vector<16xf32>,
        tpu.vector_store %arg7[%swap3A_376, %swap3A_377], %gather3A_240 {strides = array<i32>} : memref<352x256xf32, #tpu.memory_space<vmem>>, vector<16xf32>,
        %gather3A_379 = tpu.vector_load_idx %arg6[%gather3A_314, %add3A_32] : memref<41x256xf32, #tpu.memory_space<vmem>>[vector<16xi32>, vector<16xi32>], vector<16xf32>,
        %add3A_380 = arith.constant 2 : i32
        %add3A_381 = arith.addi %add3A_164, %add3A_380 : i32
        %sub3A_382 = arith.constant 1 : i32
        %sub3A_383 = arith.subi %add3A_381, %sub3A_382 : i32
        %swap3A_384 = arith.index_cast %sub3A_383 : i32 to index
        %swap3A_385 = arith.constant 128 : index
        %swap3A_386 = tpu.vector_load %arg7[%swap3A_384, %swap3A_385] {strides = array<i32>} : memref<352x256xf32, #tpu.memory_space<vmem>>, vector<16xf32>,
        tpu.vector_store %arg7[%swap3A_384, %swap3A_385], %gather3A_248 {strides = array<i32>} : memref<352x256xf32, #tpu.memory_space<vmem>>, vector<16xf32>,
        %gather3A_387 = tpu.vector_load_idx %arg6[%gather3A_314, %add3A_35] : memref<41x256xf32, #tpu.memory_space<vmem>>[vector<16xi32>, vector<16xi32>], vector<16xf32>,
        %add3A_388 = arith.constant 2 : i32
        %add3A_389 = arith.addi %add3A_164, %add3A_388 : i32
        %sub3A_390 = arith.constant 1 : i32
        %sub3A_391 = arith.subi %add3A_389, %sub3A_390 : i32
        %swap3A_392 = arith.index_cast %sub3A_391 : i32 to index
        %swap3A_393 = arith.constant 144 : index
        %swap3A_394 = tpu.vector_load %arg7[%swap3A_392, %swap3A_393] {strides = array<i32>} : memref<352x256xf32, #tpu.memory_space<vmem>>, vector<16xf32>,
        tpu.vector_store %arg7[%swap3A_392, %swap3A_393], %gather3A_256 {strides = array<i32>} : memref<352x256xf32, #tpu.memory_space<vmem>>, vector<16xf32>,
        %gather3A_395 = tpu.vector_load_idx %arg6[%gather3A_314, %add3A_38] : memref<41x256xf32, #tpu.memory_space<vmem>>[vector<16xi32>, vector<16xi32>], vector<16xf32>,
        %add3A_396 = arith.constant 2 : i32
        %add3A_397 = arith.addi %add3A_164, %add3A_396 : i32
        %sub3A_398 = arith.constant 1 : i32
        %sub3A_399 = arith.subi %add3A_397, %sub3A_398 : i32
        %swap3A_400 = arith.index_cast %sub3A_399 : i32 to index
        %swap3A_401 = arith.constant 160 : index
        %swap3A_402 = tpu.vector_load %arg7[%swap3A_400, %swap3A_401] {strides = array<i32>} : memref<352x256xf32, #tpu.memory_space<vmem>>, vector<16xf32>,
        tpu.vector_store %arg7[%swap3A_400, %swap3A_401], %gather3A_264 {strides = array<i32>} : memref<352x256xf32, #tpu.memory_space<vmem>>, vector<16xf32>,
        %gather3A_403 = tpu.vector_load_idx %arg6[%gather3A_314, %add3A_41] : memref<41x256xf32, #tpu.memory_space<vmem>>[vector<16xi32>, vector<16xi32>], vector<16xf32>,
        %add3A_404 = arith.constant 2 : i32
        %add3A_405 = arith.addi %add3A_164, %add3A_404 : i32
        %sub3A_406 = arith.constant 1 : i32
        %sub3A_407 = arith.subi %add3A_405, %sub3A_406 : i32
        %swap3A_408 = arith.index_cast %sub3A_407 : i32 to index
        %swap3A_409 = arith.constant 176 : index
        %swap3A_410 = tpu.vector_load %arg7[%swap3A_408, %swap3A_409] {strides = array<i32>} : memref<352x256xf32, #tpu.memory_space<vmem>>, vector<16xf32>,
        tpu.vector_store %arg7[%swap3A_408, %swap3A_409], %gather3A_272 {strides = array<i32>} : memref<352x256xf32, #tpu.memory_space<vmem>>, vector<16xf32>,
        %gather3A_411 = tpu.vector_load_idx %arg6[%gather3A_314, %add3A_44] : memref<41x256xf32, #tpu.memory_space<vmem>>[vector<16xi32>, vector<16xi32>], vector<16xf32>,
        %add3A_412 = arith.constant 2 : i32
        %add3A_413 = arith.addi %add3A_164, %add3A_412 : i32
        %sub3A_414 = arith.constant 1 : i32
        %sub3A_415 = arith.subi %add3A_413, %sub3A_414 : i32
        %swap3A_416 = arith.index_cast %sub3A_415 : i32 to index
        %swap3A_417 = arith.constant 192 : index
        %swap3A_418 = tpu.vector_load %arg7[%swap3A_416, %swap3A_417] {strides = array<i32>} : memref<352x256xf32, #tpu.memory_space<vmem>>, vector<16xf32>,
        tpu.vector_store %arg7[%swap3A_416, %swap3A_417], %gather3A_280 {strides = array<i32>} : memref<352x256xf32, #tpu.memory_space<vmem>>, vector<16xf32>,
        %gather3A_419 = tpu.vector_load_idx %arg6[%gather3A_314, %add3A_47] : memref<41x256xf32, #tpu.memory_space<vmem>>[vector<16xi32>, vector<16xi32>], vector<16xf32>,
        %add3A_420 = arith.constant 2 : i32
        %add3A_421 = arith.addi %add3A_164, %add3A_420 : i32
        %sub3A_422 = arith.constant 1 : i32
        %sub3A_423 = arith.subi %add3A_421, %sub3A_422 : i32
        %swap3A_424 = arith.index_cast %sub3A_423 : i32 to index
        %swap3A_425 = arith.constant 208 : index
        %swap3A_426 = tpu.vector_load %arg7[%swap3A_424, %swap3A_425] {strides = array<i32>} : memref<352x256xf32, #tpu.memory_space<vmem>>, vector<16xf32>,
        tpu.vector_store %arg7[%swap3A_424, %swap3A_425], %gather3A_288 {strides = array<i32>} : memref<352x256xf32, #tpu.memory_space<vmem>>, vector<16xf32>,
        %gather3A_427 = tpu.vector_load_idx %arg6[%gather3A_314, %add3A_50] : memref<41x256xf32, #tpu.memory_space<vmem>>[vector<16xi32>, vector<16xi32>], vector<16xf32>,
        %add3A_428 = arith.constant 2 : i32
        %add3A_429 = arith.addi %add3A_164, %add3A_428 : i32
        %sub3A_430 = arith.constant 1 : i32
        %sub3A_431 = arith.subi %add3A_429, %sub3A_430 : i32
        %swap3A_432 = arith.index_cast %sub3A_431 : i32 to index
        %swap3A_433 = arith.constant 224 : index
        %swap3A_434 = tpu.vector_load %arg7[%swap3A_432, %swap3A_433] {strides = array<i32>} : memref<352x256xf32, #tpu.memory_space<vmem>>, vector<16xf32>,
        tpu.vector_store %arg7[%swap3A_432, %swap3A_433], %gather3A_296 {strides = array<i32>} : memref<352x256xf32, #tpu.memory_space<vmem>>, vector<16xf32>,
        %gather3A_435 = tpu.vector_load_idx %arg6[%gather3A_314, %add3A_53] : memref<41x256xf32, #tpu.memory_space<vmem>>[vector<16xi32>, vector<16xi32>], vector<16xf32>,
        %add3A_436 = arith.constant 2 : i32
        %add3A_437 = arith.addi %add3A_164, %add3A_436 : i32
        %sub3A_438 = arith.constant 1 : i32
        %sub3A_439 = arith.subi %add3A_437, %sub3A_438 : i32
        %swap3A_440 = arith.index_cast %sub3A_439 : i32 to index
        %swap3A_441 = arith.constant 240 : index
        %swap3A_442 = tpu.vector_load %arg7[%swap3A_440, %swap3A_441] {strides = array<i32>} : memref<352x256xf32, #tpu.memory_space<vmem>>, vector<16xf32>,
        tpu.vector_store %arg7[%swap3A_440, %swap3A_441], %gather3A_304 {strides = array<i32>} : memref<352x256xf32, #tpu.memory_space<vmem>>, vector<16xf32>,
        %broadcast_in_dim3A_443 = vector.shape_cast %broadcast_in_dim3A_60 : vector<16xi32> to vector<16x1xi32>
        %gather3A_444 = vector.shape_cast %broadcast_in_dim3A_443 : vector<16x1xi32> to vector<16xi32>
        %gather3A_445 = tpu.dynamic_gather %get3A_159[%gather3A_444] in [0] : vector<16xi32>, vector<16xi32> -> vector<16xi32>
        %gather3A_446 = tpu.vector_load_idx %arg6[%gather3A_445, %add3A_8] : memref<41x256xf32, #tpu.memory_space<vmem>>[vector<16xi32>, vector<16xi32>], vector<16xf32>,
        %add3A_447 = arith.constant 3 : i32
        %add3A_448 = arith.addi %add3A_164, %add3A_447 : i32
        %sub3A_449 = arith.constant 1 : i32
        %sub3A_450 = arith.subi %add3A_448, %sub3A_449 : i32
        %swap3A_451 = arith.index_cast %sub3A_450 : i32 to index
        %swap3A_452 = arith.constant 0 : index
        %swap3A_453 = tpu.vector_load %arg7[%swap3A_451, %swap3A_452] {strides = array<i32>} : memref<352x256xf32, #tpu.memory_space<vmem>>, vector<16xf32>,
        tpu.vector_store %arg7[%swap3A_451, %swap3A_452], %gather3A_315 {strides = array<i32>} : memref<352x256xf32, #tpu.memory_space<vmem>>, vector<16xf32>,
        %gather3A_454 = tpu.vector_load_idx %arg6[%gather3A_445, %add3A_11] : memref<41x256xf32, #tpu.memory_space<vmem>>[vector<16xi32>, vector<16xi32>], vector<16xf32>,
        %add3A_455 = arith.constant 3 : i32
        %add3A_456 = arith.addi %add3A_164, %add3A_455 : i32
        %sub3A_457 = arith.constant 1 : i32
        %sub3A_458 = arith.subi %add3A_456, %sub3A_457 : i32
        %swap3A_459 = arith.index_cast %sub3A_458 : i32 to index
        %swap3A_460 = arith.constant 16 : index
        %swap3A_461 = tpu.vector_load %arg7[%swap3A_459, %swap3A_460] {strides = array<i32>} : memref<352x256xf32, #tpu.memory_space<vmem>>, vector<16xf32>,
        tpu.vector_store %arg7[%swap3A_459, %swap3A_460], %gather3A_323 {strides = array<i32>} : memref<352x256xf32, #tpu.memory_space<vmem>>, vector<16xf32>,
        %gather3A_462 = tpu.vector_load_idx %arg6[%gather3A_445, %add3A_14] : memref<41x256xf32, #tpu.memory_space<vmem>>[vector<16xi32>, vector<16xi32>], vector<16xf32>,
        %add3A_463 = arith.constant 3 : i32
        %add3A_464 = arith.addi %add3A_164, %add3A_463 : i32
        %sub3A_465 = arith.constant 1 : i32
        %sub3A_466 = arith.subi %add3A_464, %sub3A_465 : i32
        %swap3A_467 = arith.index_cast %sub3A_466 : i32 to index
        %swap3A_468 = arith.constant 32 : index
        %swap3A_469 = tpu.vector_load %arg7[%swap3A_467, %swap3A_468] {strides = array<i32>} : memref<352x256xf32, #tpu.memory_space<vmem>>, vector<16xf32>,
        tpu.vector_store %arg7[%swap3A_467, %swap3A_468], %gather3A_331 {strides = array<i32>} : memref<352x256xf32, #tpu.memory_space<vmem>>, vector<16xf32>,
        %gather3A_470 = tpu.vector_load_idx %arg6[%gather3A_445, %add3A_17] : memref<41x256xf32, #tpu.memory_space<vmem>>[vector<16xi32>, vector<16xi32>], vector<16xf32>,
        %add3A_471 = arith.constant 3 : i32
        %add3A_472 = arith.addi %add3A_164, %add3A_471 : i32
        %sub3A_473 = arith.constant 1 : i32
        %sub3A_474 = arith.subi %add3A_472, %sub3A_473 : i32
        %swap3A_475 = arith.index_cast %sub3A_474 : i32 to index
        %swap3A_476 = arith.constant 48 : index
        %swap3A_477 = tpu.vector_load %arg7[%swap3A_475, %swap3A_476] {strides = array<i32>} : memref<352x256xf32, #tpu.memory_space<vmem>>, vector<16xf32>,
        tpu.vector_store %arg7[%swap3A_475, %swap3A_476], %gather3A_339 {strides = array<i32>} : memref<352x256xf32, #tpu.memory_space<vmem>>, vector<16xf32>,
        %gather3A_478 = tpu.vector_load_idx %arg6[%gather3A_445, %add3A_20] : memref<41x256xf32, #tpu.memory_space<vmem>>[vector<16xi32>, vector<16xi32>], vector<16xf32>,
        %add3A_479 = arith.constant 3 : i32
        %add3A_480 = arith.addi %add3A_164, %add3A_479 : i32
        %sub3A_481 = arith.constant 1 : i32
        %sub3A_482 = arith.subi %add3A_480, %sub3A_481 : i32
        %swap3A_483 = arith.index_cast %sub3A_482 : i32 to index
        %swap3A_484 = arith.constant 64 : index
        %swap3A_485 = tpu.vector_load %arg7[%swap3A_483, %swap3A_484] {strides = array<i32>} : memref<352x256xf32, #tpu.memory_space<vmem>>, vector<16xf32>,
        tpu.vector_store %arg7[%swap3A_483, %swap3A_484], %gather3A_347 {strides = array<i32>} : memref<352x256xf32, #tpu.memory_space<vmem>>, vector<16xf32>,
        %gather3A_486 = tpu.vector_load_idx %arg6[%gather3A_445, %add3A_23] : memref<41x256xf32, #tpu.memory_space<vmem>>[vector<16xi32>, vector<16xi32>], vector<16xf32>,
        %add3A_487 = arith.constant 3 : i32
        %add3A_488 = arith.addi %add3A_164, %add3A_487 : i32
        %sub3A_489 = arith.constant 1 : i32
        %sub3A_490 = arith.subi %add3A_488, %sub3A_489 : i32
        %swap3A_491 = arith.index_cast %sub3A_490 : i32 to index
        %swap3A_492 = arith.constant 80 : index
        %swap3A_493 = tpu.vector_load %arg7[%swap3A_491, %swap3A_492] {strides = array<i32>} : memref<352x256xf32, #tpu.memory_space<vmem>>, vector<16xf32>,
        tpu.vector_store %arg7[%swap3A_491, %swap3A_492], %gather3A_355 {strides = array<i32>} : memref<352x256xf32, #tpu.memory_space<vmem>>, vector<16xf32>,
        %gather3A_494 = tpu.vector_load_idx %arg6[%gather3A_445, %add3A_26] : memref<41x256xf32, #tpu.memory_space<vmem>>[vector<16xi32>, vector<16xi32>], vector<16xf32>,
        %add3A_495 = arith.constant 3 : i32
        %add3A_496 = arith.addi %add3A_164, %add3A_495 : i32
        %sub3A_497 = arith.constant 1 : i32
        %sub3A_498 = arith.subi %add3A_496, %sub3A_497 : i32
        %swap3A_499 = arith.index_cast %sub3A_498 : i32 to index
        %swap3A_500 = arith.constant 96 : index
        %swap3A_501 = tpu.vector_load %arg7[%swap3A_499, %swap3A_500] {strides = array<i32>} : memref<352x256xf32, #tpu.memory_space<vmem>>, vector<16xf32>,
        tpu.vector_store %arg7[%swap3A_499, %swap3A_500], %gather3A_363 {strides = array<i32>} : memref<352x256xf32, #tpu.memory_space<vmem>>, vector<16xf32>,
        %gather3A_502 = tpu.vector_load_idx %arg6[%gather3A_445, %add3A_29] : memref<41x256xf32, #tpu.memory_space<vmem>>[vector<16xi32>, vector<16xi32>], vector<16xf32>,
        %add3A_503 = arith.constant 3 : i32
        %add3A_504 = arith.addi %add3A_164, %add3A_503 : i32
        %sub3A_505 = arith.constant 1 : i32
        %sub3A_506 = arith.subi %add3A_504, %sub3A_505 : i32
        %swap3A_507 = arith.index_cast %sub3A_506 : i32 to index
        %swap3A_508 = arith.constant 112 : index
        %swap3A_509 = tpu.vector_load %arg7[%swap3A_507, %swap3A_508] {strides = array<i32>} : memref<352x256xf32, #tpu.memory_space<vmem>>, vector<16xf32>,
        tpu.vector_store %arg7[%swap3A_507, %swap3A_508], %gather3A_371 {strides = array<i32>} : memref<352x256xf32, #tpu.memory_space<vmem>>, vector<16xf32>,
        %gather3A_510 = tpu.vector_load_idx %arg6[%gather3A_445, %add3A_32] : memref<41x256xf32, #tpu.memory_space<vmem>>[vector<16xi32>, vector<16xi32>], vector<16xf32>,
        %add3A_511 = arith.constant 3 : i32
        %add3A_512 = arith.addi %add3A_164, %add3A_511 : i32
        %sub3A_513 = arith.constant 1 : i32
        %sub3A_514 = arith.subi %add3A_512, %sub3A_513 : i32
        %swap3A_515 = arith.index_cast %sub3A_514 : i32 to index
        %swap3A_516 = arith.constant 128 : index
        %swap3A_517 = tpu.vector_load %arg7[%swap3A_515, %swap3A_516] {strides = array<i32>} : memref<352x256xf32, #tpu.memory_space<vmem>>, vector<16xf32>,
        tpu.vector_store %arg7[%swap3A_515, %swap3A_516], %gather3A_379 {strides = array<i32>} : memref<352x256xf32, #tpu.memory_space<vmem>>, vector<16xf32>,
        %gather3A_518 = tpu.vector_load_idx %arg6[%gather3A_445, %add3A_35] : memref<41x256xf32, #tpu.memory_space<vmem>>[vector<16xi32>, vector<16xi32>], vector<16xf32>,
        %add3A_519 = arith.constant 3 : i32
        %add3A_520 = arith.addi %add3A_164, %add3A_519 : i32
        %sub3A_521 = arith.constant 1 : i32
        %sub3A_522 = arith.subi %add3A_520, %sub3A_521 : i32
        %swap3A_523 = arith.index_cast %sub3A_522 : i32 to index
        %swap3A_524 = arith.constant 144 : index
        %swap3A_525 = tpu.vector_load %arg7[%swap3A_523, %swap3A_524] {strides = array<i32>} : memref<352x256xf32, #tpu.memory_space<vmem>>, vector<16xf32>,
        tpu.vector_store %arg7[%swap3A_523, %swap3A_524], %gather3A_387 {strides = array<i32>} : memref<352x256xf32, #tpu.memory_space<vmem>>, vector<16xf32>,
        %gather3A_526 = tpu.vector_load_idx %arg6[%gather3A_445, %add3A_38] : memref<41x256xf32, #tpu.memory_space<vmem>>[vector<16xi32>, vector<16xi32>], vector<16xf32>,
        %add3A_527 = arith.constant 3 : i32
        %add3A_528 = arith.addi %add3A_164, %add3A_527 : i32
        %sub3A_529 = arith.constant 1 : i32
        %sub3A_530 = arith.subi %add3A_528, %sub3A_529 : i32
        %swap3A_531 = arith.index_cast %sub3A_530 : i32 to index
        %swap3A_532 = arith.constant 160 : index
        %swap3A_533 = tpu.vector_load %arg7[%swap3A_531, %swap3A_532] {strides = array<i32>} : memref<352x256xf32, #tpu.memory_space<vmem>>, vector<16xf32>,
        tpu.vector_store %arg7[%swap3A_531, %swap3A_532], %gather3A_395 {strides = array<i32>} : memref<352x256xf32, #tpu.memory_space<vmem>>, vector<16xf32>,
        %gather3A_534 = tpu.vector_load_idx %arg6[%gather3A_445, %add3A_41] : memref<41x256xf32, #tpu.memory_space<vmem>>[vector<16xi32>, vector<16xi32>], vector<16xf32>,
        %add3A_535 = arith.constant 3 : i32
        %add3A_536 = arith.addi %add3A_164, %add3A_535 : i32
        %sub3A_537 = arith.constant 1 : i32
        %sub3A_538 = arith.subi %add3A_536, %sub3A_537 : i32
        %swap3A_539 = arith.index_cast %sub3A_538 : i32 to index
        %swap3A_540 = arith.constant 176 : index
        %swap3A_541 = tpu.vector_load %arg7[%swap3A_539, %swap3A_540] {strides = array<i32>} : memref<352x256xf32, #tpu.memory_space<vmem>>, vector<16xf32>,
        tpu.vector_store %arg7[%swap3A_539, %swap3A_540], %gather3A_403 {strides = array<i32>} : memref<352x256xf32, #tpu.memory_space<vmem>>, vector<16xf32>,
        %gather3A_542 = tpu.vector_load_idx %arg6[%gather3A_445, %add3A_44] : memref<41x256xf32, #tpu.memory_space<vmem>>[vector<16xi32>, vector<16xi32>], vector<16xf32>,
        %add3A_543 = arith.constant 3 : i32
        %add3A_544 = arith.addi %add3A_164, %add3A_543 : i32
        %sub3A_545 = arith.constant 1 : i32
        %sub3A_546 = arith.subi %add3A_544, %sub3A_545 : i32
        %swap3A_547 = arith.index_cast %sub3A_546 : i32 to index
        %swap3A_548 = arith.constant 192 : index
        %swap3A_549 = tpu.vector_load %arg7[%swap3A_547, %swap3A_548] {strides = array<i32>} : memref<352x256xf32, #tpu.memory_space<vmem>>, vector<16xf32>,
        tpu.vector_store %arg7[%swap3A_547, %swap3A_548], %gather3A_411 {strides = array<i32>} : memref<352x256xf32, #tpu.memory_space<vmem>>, vector<16xf32>,
        %gather3A_550 = tpu.vector_load_idx %arg6[%gather3A_445, %add3A_47] : memref<41x256xf32, #tpu.memory_space<vmem>>[vector<16xi32>, vector<16xi32>], vector<16xf32>,
        %add3A_551 = arith.constant 3 : i32
        %add3A_552 = arith.addi %add3A_164, %add3A_551 : i32
        %sub3A_553 = arith.constant 1 : i32
        %sub3A_554 = arith.subi %add3A_552, %sub3A_553 : i32
        %swap3A_555 = arith.index_cast %sub3A_554 : i32 to index
        %swap3A_556 = arith.constant 208 : index
        %swap3A_557 = tpu.vector_load %arg7[%swap3A_555, %swap3A_556] {strides = array<i32>} : memref<352x256xf32, #tpu.memory_space<vmem>>, vector<16xf32>,
        tpu.vector_store %arg7[%swap3A_555, %swap3A_556], %gather3A_419 {strides = array<i32>} : memref<352x256xf32, #tpu.memory_space<vmem>>, vector<16xf32>,
        %gather3A_558 = tpu.vector_load_idx %arg6[%gather3A_445, %add3A_50] : memref<41x256xf32, #tpu.memory_space<vmem>>[vector<16xi32>, vector<16xi32>], vector<16xf32>,
        %add3A_559 = arith.constant 3 : i32
        %add3A_560 = arith.addi %add3A_164, %add3A_559 : i32
        %sub3A_561 = arith.constant 1 : i32
        %sub3A_562 = arith.subi %add3A_560, %sub3A_561 : i32
        %swap3A_563 = arith.index_cast %sub3A_562 : i32 to index
        %swap3A_564 = arith.constant 224 : index
        %swap3A_565 = tpu.vector_load %arg7[%swap3A_563, %swap3A_564] {strides = array<i32>} : memref<352x256xf32, #tpu.memory_space<vmem>>, vector<16xf32>,
        tpu.vector_store %arg7[%swap3A_563, %swap3A_564], %gather3A_427 {strides = array<i32>} : memref<352x256xf32, #tpu.memory_space<vmem>>, vector<16xf32>,
        %gather3A_566 = tpu.vector_load_idx %arg6[%gather3A_445, %add3A_53] : memref<41x256xf32, #tpu.memory_space<vmem>>[vector<16xi32>, vector<16xi32>], vector<16xf32>,
        %add3A_567 = arith.constant 3 : i32
        %add3A_568 = arith.addi %add3A_164, %add3A_567 : i32
        %sub3A_569 = arith.constant 1 : i32
        %sub3A_570 = arith.subi %add3A_568, %sub3A_569 : i32
        %swap3A_571 = arith.index_cast %sub3A_570 : i32 to index
        %swap3A_572 = arith.constant 240 : index
        %swap3A_573 = tpu.vector_load %arg7[%swap3A_571, %swap3A_572] {strides = array<i32>} : memref<352x256xf32, #tpu.memory_space<vmem>>, vector<16xf32>,
        tpu.vector_store %arg7[%swap3A_571, %swap3A_572], %gather3A_435 {strides = array<i32>} : memref<352x256xf32, #tpu.memory_space<vmem>>, vector<16xf32>,
        %broadcast_in_dim3A_574 = vector.shape_cast %broadcast_in_dim3A_62 : vector<16xi32> to vector<16x1xi32>
        %gather3A_575 = vector.shape_cast %broadcast_in_dim3A_574 : vector<16x1xi32> to vector<16xi32>
        %gather3A_576 = tpu.dynamic_gather %get3A_159[%gather3A_575] in [0] : vector<16xi32>, vector<16xi32> -> vector<16xi32>
        %gather3A_577 = tpu.vector_load_idx %arg6[%gather3A_576, %add3A_8] : memref<41x256xf32, #tpu.memory_space<vmem>>[vector<16xi32>, vector<16xi32>], vector<16xf32>,
        %add3A_578 = arith.constant 4 : i32
        %add3A_579 = arith.addi %add3A_164, %add3A_578 : i32
        %sub3A_580 = arith.constant 1 : i32
        %sub3A_581 = arith.subi %add3A_579, %sub3A_580 : i32
        %swap3A_582 = arith.index_cast %sub3A_581 : i32 to index
        %swap3A_583 = arith.constant 0 : index
        %swap3A_584 = tpu.vector_load %arg7[%swap3A_582, %swap3A_583] {strides = array<i32>} : memref<352x256xf32, #tpu.memory_space<vmem>>, vector<16xf32>,
        tpu.vector_store %arg7[%swap3A_582, %swap3A_583], %gather3A_446 {strides = array<i32>} : memref<352x256xf32, #tpu.memory_space<vmem>>, vector<16xf32>,
        %gather3A_585 = tpu.vector_load_idx %arg6[%gather3A_576, %add3A_11] : memref<41x256xf32, #tpu.memory_space<vmem>>[vector<16xi32>, vector<16xi32>], vector<16xf32>,
        %add3A_586 = arith.constant 4 : i32
        %add3A_587 = arith.addi %add3A_164, %add3A_586 : i32
        %sub3A_588 = arith.constant 1 : i32
        %sub3A_589 = arith.subi %add3A_587, %sub3A_588 : i32
        %swap3A_590 = arith.index_cast %sub3A_589 : i32 to index
        %swap3A_591 = arith.constant 16 : index
        %swap3A_592 = tpu.vector_load %arg7[%swap3A_590, %swap3A_591] {strides = array<i32>} : memref<352x256xf32, #tpu.memory_space<vmem>>, vector<16xf32>,
        tpu.vector_store %arg7[%swap3A_590, %swap3A_591], %gather3A_454 {strides = array<i32>} : memref<352x256xf32, #tpu.memory_space<vmem>>, vector<16xf32>,
        %gather3A_593 = tpu.vector_load_idx %arg6[%gather3A_576, %add3A_14] : memref<41x256xf32, #tpu.memory_space<vmem>>[vector<16xi32>, vector<16xi32>], vector<16xf32>,
        %add3A_594 = arith.constant 4 : i32
        %add3A_595 = arith.addi %add3A_164, %add3A_594 : i32
        %sub3A_596 = arith.constant 1 : i32
        %sub3A_597 = arith.subi %add3A_595, %sub3A_596 : i32
        %swap3A_598 = arith.index_cast %sub3A_597 : i32 to index
        %swap3A_599 = arith.constant 32 : index
        %swap3A_600 = tpu.vector_load %arg7[%swap3A_598, %swap3A_599] {strides = array<i32>} : memref<352x256xf32, #tpu.memory_space<vmem>>, vector<16xf32>,
        tpu.vector_store %arg7[%swap3A_598, %swap3A_599], %gather3A_462 {strides = array<i32>} : memref<352x256xf32, #tpu.memory_space<vmem>>, vector<16xf32>,
        %gather3A_601 = tpu.vector_load_idx %arg6[%gather3A_576, %add3A_17] : memref<41x256xf32, #tpu.memory_space<vmem>>[vector<16xi32>, vector<16xi32>], vector<16xf32>,
        %add3A_602 = arith.constant 4 : i32
        %add3A_603 = arith.addi %add3A_164, %add3A_602 : i32
        %sub3A_604 = arith.constant 1 : i32
        %sub3A_605 = arith.subi %add3A_603, %sub3A_604 : i32
        %swap3A_606 = arith.index_cast %sub3A_605 : i32 to index
        %swap3A_607 = arith.constant 48 : index
        %swap3A_608 = tpu.vector_load %arg7[%swap3A_606, %swap3A_607] {strides = array<i32>} : memref<352x256xf32, #tpu.memory_space<vmem>>, vector<16xf32>,
        tpu.vector_store %arg7[%swap3A_606, %swap3A_607], %gather3A_470 {strides = array<i32>} : memref<352x256xf32, #tpu.memory_space<vmem>>, vector<16xf32>,
        %gather3A_609 = tpu.vector_load_idx %arg6[%gather3A_576, %add3A_20] : memref<41x256xf32, #tpu.memory_space<vmem>>[vector<16xi32>, vector<16xi32>], vector<16xf32>,
        %add3A_610 = arith.constant 4 : i32
        %add3A_611 = arith.addi %add3A_164, %add3A_610 : i32
        %sub3A_612 = arith.constant 1 : i32
        %sub3A_613 = arith.subi %add3A_611, %sub3A_612 : i32
        %swap3A_614 = arith.index_cast %sub3A_613 : i32 to index
        %swap3A_615 = arith.constant 64 : index
        %swap3A_616 = tpu.vector_load %arg7[%swap3A_614, %swap3A_615] {strides = array<i32>} : memref<352x256xf32, #tpu.memory_space<vmem>>, vector<16xf32>,
        tpu.vector_store %arg7[%swap3A_614, %swap3A_615], %gather3A_478 {strides = array<i32>} : memref<352x256xf32, #tpu.memory_space<vmem>>, vector<16xf32>,
        %gather3A_617 = tpu.vector_load_idx %arg6[%gather3A_576, %add3A_23] : memref<41x256xf32, #tpu.memory_space<vmem>>[vector<16xi32>, vector<16xi32>], vector<16xf32>,
        %add3A_618 = arith.constant 4 : i32
        %add3A_619 = arith.addi %add3A_164, %add3A_618 : i32
        %sub3A_620 = arith.constant 1 : i32
        %sub3A_621 = arith.subi %add3A_619, %sub3A_620 : i32
        %swap3A_622 = arith.index_cast %sub3A_621 : i32 to index
        %swap3A_623 = arith.constant 80 : index
        %swap3A_624 = tpu.vector_load %arg7[%swap3A_622, %swap3A_623] {strides = array<i32>} : memref<352x256xf32, #tpu.memory_space<vmem>>, vector<16xf32>,
        tpu.vector_store %arg7[%swap3A_622, %swap3A_623], %gather3A_486 {strides = array<i32>} : memref<352x256xf32, #tpu.memory_space<vmem>>, vector<16xf32>,
        %gather3A_625 = tpu.vector_load_idx %arg6[%gather3A_576, %add3A_26] : memref<41x256xf32, #tpu.memory_space<vmem>>[vector<16xi32>, vector<16xi32>], vector<16xf32>,
        %add3A_626 = arith.constant 4 : i32
        %add3A_627 = arith.addi %add3A_164, %add3A_626 : i32
        %sub3A_628 = arith.constant 1 : i32
        %sub3A_629 = arith.subi %add3A_627, %sub3A_628 : i32
        %swap3A_630 = arith.index_cast %sub3A_629 : i32 to index
        %swap3A_631 = arith.constant 96 : index
        %swap3A_632 = tpu.vector_load %arg7[%swap3A_630, %swap3A_631] {strides = array<i32>} : memref<352x256xf32, #tpu.memory_space<vmem>>, vector<16xf32>,
        tpu.vector_store %arg7[%swap3A_630, %swap3A_631], %gather3A_494 {strides = array<i32>} : memref<352x256xf32, #tpu.memory_space<vmem>>, vector<16xf32>,
        %gather3A_633 = tpu.vector_load_idx %arg6[%gather3A_576, %add3A_29] : memref<41x256xf32, #tpu.memory_space<vmem>>[vector<16xi32>, vector<16xi32>], vector<16xf32>,
        %add3A_634 = arith.constant 4 : i32
        %add3A_635 = arith.addi %add3A_164, %add3A_634 : i32
        %sub3A_636 = arith.constant 1 : i32
        %sub3A_637 = arith.subi %add3A_635, %sub3A_636 : i32
        %swap3A_638 = arith.index_cast %sub3A_637 : i32 to index
        %swap3A_639 = arith.constant 112 : index
        %swap3A_640 = tpu.vector_load %arg7[%swap3A_638, %swap3A_639] {strides = array<i32>} : memref<352x256xf32, #tpu.memory_space<vmem>>, vector<16xf32>,
        tpu.vector_store %arg7[%swap3A_638, %swap3A_639], %gather3A_502 {strides = array<i32>} : memref<352x256xf32, #tpu.memory_space<vmem>>, vector<16xf32>,
        %gather3A_641 = tpu.vector_load_idx %arg6[%gather3A_576, %add3A_32] : memref<41x256xf32, #tpu.memory_space<vmem>>[vector<16xi32>, vector<16xi32>], vector<16xf32>,
        %add3A_642 = arith.constant 4 : i32
        %add3A_643 = arith.addi %add3A_164, %add3A_642 : i32
        %sub3A_644 = arith.constant 1 : i32
        %sub3A_645 = arith.subi %add3A_643, %sub3A_644 : i32
        %swap3A_646 = arith.index_cast %sub3A_645 : i32 to index
        %swap3A_647 = arith.constant 128 : index
        %swap3A_648 = tpu.vector_load %arg7[%swap3A_646, %swap3A_647] {strides = array<i32>} : memref<352x256xf32, #tpu.memory_space<vmem>>, vector<16xf32>,
        tpu.vector_store %arg7[%swap3A_646, %swap3A_647], %gather3A_510 {strides = array<i32>} : memref<352x256xf32, #tpu.memory_space<vmem>>, vector<16xf32>,
        %gather3A_649 = tpu.vector_load_idx %arg6[%gather3A_576, %add3A_35] : memref<41x256xf32, #tpu.memory_space<vmem>>[vector<16xi32>, vector<16xi32>], vector<16xf32>,
        %add3A_650 = arith.constant 4 : i32
        %add3A_651 = arith.addi %add3A_164, %add3A_650 : i32
        %sub3A_652 = arith.constant 1 : i32
        %sub3A_653 = arith.subi %add3A_651, %sub3A_652 : i32
        %swap3A_654 = arith.index_cast %sub3A_653 : i32 to index
        %swap3A_655 = arith.constant 144 : index
        %swap3A_656 = tpu.vector_load %arg7[%swap3A_654, %swap3A_655] {strides = array<i32>} : memref<352x256xf32, #tpu.memory_space<vmem>>, vector<16xf32>,
        tpu.vector_store %arg7[%swap3A_654, %swap3A_655], %gather3A_518 {strides = array<i32>} : memref<352x256xf32, #tpu.memory_space<vmem>>, vector<16xf32>,
        %gather3A_657 = tpu.vector_load_idx %arg6[%gather3A_576, %add3A_38] : memref<41x256xf32, #tpu.memory_space<vmem>>[vector<16xi32>, vector<16xi32>], vector<16xf32>,
        %add3A_658 = arith.constant 4 : i32
        %add3A_659 = arith.addi %add3A_164, %add3A_658 : i32
        %sub3A_660 = arith.constant 1 : i32
        %sub3A_661 = arith.subi %add3A_659, %sub3A_660 : i32
        %swap3A_662 = arith.index_cast %sub3A_661 : i32 to index
        %swap3A_663 = arith.constant 160 : index
        %swap3A_664 = tpu.vector_load %arg7[%swap3A_662, %swap3A_663] {strides = array<i32>} : memref<352x256xf32, #tpu.memory_space<vmem>>, vector<16xf32>,
        tpu.vector_store %arg7[%swap3A_662, %swap3A_663], %gather3A_526 {strides = array<i32>} : memref<352x256xf32, #tpu.memory_space<vmem>>, vector<16xf32>,
        %gather3A_665 = tpu.vector_load_idx %arg6[%gather3A_576, %add3A_41] : memref<41x256xf32, #tpu.memory_space<vmem>>[vector<16xi32>, vector<16xi32>], vector<16xf32>,
        %add3A_666 = arith.constant 4 : i32
        %add3A_667 = arith.addi %add3A_164, %add3A_666 : i32
        %sub3A_668 = arith.constant 1 : i32
        %sub3A_669 = arith.subi %add3A_667, %sub3A_668 : i32
        %swap3A_670 = arith.index_cast %sub3A_669 : i32 to index
        %swap3A_671 = arith.constant 176 : index
        %swap3A_672 = tpu.vector_load %arg7[%swap3A_670, %swap3A_671] {strides = array<i32>} : memref<352x256xf32, #tpu.memory_space<vmem>>, vector<16xf32>,
        tpu.vector_store %arg7[%swap3A_670, %swap3A_671], %gather3A_534 {strides = array<i32>} : memref<352x256xf32, #tpu.memory_space<vmem>>, vector<16xf32>,
        %gather3A_673 = tpu.vector_load_idx %arg6[%gather3A_576, %add3A_44] : memref<41x256xf32, #tpu.memory_space<vmem>>[vector<16xi32>, vector<16xi32>], vector<16xf32>,
        %add3A_674 = arith.constant 4 : i32
        %add3A_675 = arith.addi %add3A_164, %add3A_674 : i32
        %sub3A_676 = arith.constant 1 : i32
        %sub3A_677 = arith.subi %add3A_675, %sub3A_676 : i32
        %swap3A_678 = arith.index_cast %sub3A_677 : i32 to index
        %swap3A_679 = arith.constant 192 : index
        %swap3A_680 = tpu.vector_load %arg7[%swap3A_678, %swap3A_679] {strides = array<i32>} : memref<352x256xf32, #tpu.memory_space<vmem>>, vector<16xf32>,
        tpu.vector_store %arg7[%swap3A_678, %swap3A_679], %gather3A_542 {strides = array<i32>} : memref<352x256xf32, #tpu.memory_space<vmem>>, vector<16xf32>,
        %gather3A_681 = tpu.vector_load_idx %arg6[%gather3A_576, %add3A_47] : memref<41x256xf32, #tpu.memory_space<vmem>>[vector<16xi32>, vector<16xi32>], vector<16xf32>,
        %add3A_682 = arith.constant 4 : i32
        %add3A_683 = arith.addi %add3A_164, %add3A_682 : i32
        %sub3A_684 = arith.constant 1 : i32
        %sub3A_685 = arith.subi %add3A_683, %sub3A_684 : i32
        %swap3A_686 = arith.index_cast %sub3A_685 : i32 to index
        %swap3A_687 = arith.constant 208 : index
        %swap3A_688 = tpu.vector_load %arg7[%swap3A_686, %swap3A_687] {strides = array<i32>} : memref<352x256xf32, #tpu.memory_space<vmem>>, vector<16xf32>,
        tpu.vector_store %arg7[%swap3A_686, %swap3A_687], %gather3A_550 {strides = array<i32>} : memref<352x256xf32, #tpu.memory_space<vmem>>, vector<16xf32>,
        %gather3A_689 = tpu.vector_load_idx %arg6[%gather3A_576, %add3A_50] : memref<41x256xf32, #tpu.memory_space<vmem>>[vector<16xi32>, vector<16xi32>], vector<16xf32>,
        %add3A_690 = arith.constant 4 : i32
        %add3A_691 = arith.addi %add3A_164, %add3A_690 : i32
        %sub3A_692 = arith.constant 1 : i32
        %sub3A_693 = arith.subi %add3A_691, %sub3A_692 : i32
        %swap3A_694 = arith.index_cast %sub3A_693 : i32 to index
        %swap3A_695 = arith.constant 224 : index
        %swap3A_696 = tpu.vector_load %arg7[%swap3A_694, %swap3A_695] {strides = array<i32>} : memref<352x256xf32, #tpu.memory_space<vmem>>, vector<16xf32>,
        tpu.vector_store %arg7[%swap3A_694, %swap3A_695], %gather3A_558 {strides = array<i32>} : memref<352x256xf32, #tpu.memory_space<vmem>>, vector<16xf32>,
        %gather3A_697 = tpu.vector_load_idx %arg6[%gather3A_576, %add3A_53] : memref<41x256xf32, #tpu.memory_space<vmem>>[vector<16xi32>, vector<16xi32>], vector<16xf32>,
        %add3A_698 = arith.constant 4 : i32
        %add3A_699 = arith.addi %add3A_164, %add3A_698 : i32
        %sub3A_700 = arith.constant 1 : i32
        %sub3A_701 = arith.subi %add3A_699, %sub3A_700 : i32
        %swap3A_702 = arith.index_cast %sub3A_701 : i32 to index
        %swap3A_703 = arith.constant 240 : index
        %swap3A_704 = tpu.vector_load %arg7[%swap3A_702, %swap3A_703] {strides = array<i32>} : memref<352x256xf32, #tpu.memory_space<vmem>>, vector<16xf32>,
        tpu.vector_store %arg7[%swap3A_702, %swap3A_703], %gather3A_566 {strides = array<i32>} : memref<352x256xf32, #tpu.memory_space<vmem>>, vector<16xf32>,
        %broadcast_in_dim3A_705 = vector.shape_cast %broadcast_in_dim3A_64 : vector<16xi32> to vector<16x1xi32>
        %gather3A_706 = vector.shape_cast %broadcast_in_dim3A_705 : vector<16x1xi32> to vector<16xi32>
        %gather3A_707 = tpu.dynamic_gather %get3A_159[%gather3A_706] in [0] : vector<16xi32>, vector<16xi32> -> vector<16xi32>
        %gather3A_708 = tpu.vector_load_idx %arg6[%gather3A_707, %add3A_8] : memref<41x256xf32, #tpu.memory_space<vmem>>[vector<16xi32>, vector<16xi32>], vector<16xf32>,
        %add3A_709 = arith.constant 5 : i32
        %add3A_710 = arith.addi %add3A_164, %add3A_709 : i32
        %sub3A_711 = arith.constant 1 : i32
        %sub3A_712 = arith.subi %add3A_710, %sub3A_711 : i32
        %swap3A_713 = arith.index_cast %sub3A_712 : i32 to index
        %swap3A_714 = arith.constant 0 : index
        %swap3A_715 = tpu.vector_load %arg7[%swap3A_713, %swap3A_714] {strides = array<i32>} : memref<352x256xf32, #tpu.memory_space<vmem>>, vector<16xf32>,
        tpu.vector_store %arg7[%swap3A_713, %swap3A_714], %gather3A_577 {strides = array<i32>} : memref<352x256xf32, #tpu.memory_space<vmem>>, vector<16xf32>,
        %gather3A_716 = tpu.vector_load_idx %arg6[%gather3A_707, %add3A_11] : memref<41x256xf32, #tpu.memory_space<vmem>>[vector<16xi32>, vector<16xi32>], vector<16xf32>,
        %add3A_717 = arith.constant 5 : i32
        %add3A_718 = arith.addi %add3A_164, %add3A_717 : i32
        %sub3A_719 = arith.constant 1 : i32
        %sub3A_720 = arith.subi %add3A_718, %sub3A_719 : i32
        %swap3A_721 = arith.index_cast %sub3A_720 : i32 to index
        %swap3A_722 = arith.constant 16 : index
        %swap3A_723 = tpu.vector_load %arg7[%swap3A_721, %swap3A_722] {strides = array<i32>} : memref<352x256xf32, #tpu.memory_space<vmem>>, vector<16xf32>,
        tpu.vector_store %arg7[%swap3A_721, %swap3A_722], %gather3A_585 {strides = array<i32>} : memref<352x256xf32, #tpu.memory_space<vmem>>, vector<16xf32>,
        %gather3A_724 = tpu.vector_load_idx %arg6[%gather3A_707, %add3A_14] : memref<41x256xf32, #tpu.memory_space<vmem>>[vector<16xi32>, vector<16xi32>], vector<16xf32>,
        %add3A_725 = arith.constant 5 : i32
        %add3A_726 = arith.addi %add3A_164, %add3A_725 : i32
        %sub3A_727 = arith.constant 1 : i32
        %sub3A_728 = arith.subi %add3A_726, %sub3A_727 : i32
        %swap3A_729 = arith.index_cast %sub3A_728 : i32 to index
        %swap3A_730 = arith.constant 32 : index
        %swap3A_731 = tpu.vector_load %arg7[%swap3A_729, %swap3A_730] {strides = array<i32>} : memref<352x256xf32, #tpu.memory_space<vmem>>, vector<16xf32>,
        tpu.vector_store %arg7[%swap3A_729, %swap3A_730], %gather3A_593 {strides = array<i32>} : memref<352x256xf32, #tpu.memory_space<vmem>>, vector<16xf32>,
        %gather3A_732 = tpu.vector_load_idx %arg6[%gather3A_707, %add3A_17] : memref<41x256xf32, #tpu.memory_space<vmem>>[vector<16xi32>, vector<16xi32>], vector<16xf32>,
        %add3A_733 = arith.constant 5 : i32
        %add3A_734 = arith.addi %add3A_164, %add3A_733 : i32
        %sub3A_735 = arith.constant 1 : i32
        %sub3A_736 = arith.subi %add3A_734, %sub3A_735 : i32
        %swap3A_737 = arith.index_cast %sub3A_736 : i32 to index
        %swap3A_738 = arith.constant 48 : index
        %swap3A_739 = tpu.vector_load %arg7[%swap3A_737, %swap3A_738] {strides = array<i32>} : memref<352x256xf32, #tpu.memory_space<vmem>>, vector<16xf32>,
        tpu.vector_store %arg7[%swap3A_737, %swap3A_738], %gather3A_601 {strides = array<i32>} : memref<352x256xf32, #tpu.memory_space<vmem>>, vector<16xf32>,
        %gather3A_740 = tpu.vector_load_idx %arg6[%gather3A_707, %add3A_20] : memref<41x256xf32, #tpu.memory_space<vmem>>[vector<16xi32>, vector<16xi32>], vector<16xf32>,
        %add3A_741 = arith.constant 5 : i32
        %add3A_742 = arith.addi %add3A_164, %add3A_741 : i32
        %sub3A_743 = arith.constant 1 : i32
        %sub3A_744 = arith.subi %add3A_742, %sub3A_743 : i32
        %swap3A_745 = arith.index_cast %sub3A_744 : i32 to index
        %swap3A_746 = arith.constant 64 : index
        %swap3A_747 = tpu.vector_load %arg7[%swap3A_745, %swap3A_746] {strides = array<i32>} : memref<352x256xf32, #tpu.memory_space<vmem>>, vector<16xf32>,
        tpu.vector_store %arg7[%swap3A_745, %swap3A_746], %gather3A_609 {strides = array<i32>} : memref<352x256xf32, #tpu.memory_space<vmem>>, vector<16xf32>,
        %gather3A_748 = tpu.vector_load_idx %arg6[%gather3A_707, %add3A_23] : memref<41x256xf32, #tpu.memory_space<vmem>>[vector<16xi32>, vector<16xi32>], vector<16xf32>,
        %add3A_749 = arith.constant 5 : i32
        %add3A_750 = arith.addi %add3A_164, %add3A_749 : i32
        %sub3A_751 = arith.constant 1 : i32
        %sub3A_752 = arith.subi %add3A_750, %sub3A_751 : i32
        %swap3A_753 = arith.index_cast %sub3A_752 : i32 to index
        %swap3A_754 = arith.constant 80 : index
        %swap3A_755 = tpu.vector_load %arg7[%swap3A_753, %swap3A_754] {strides = array<i32>} : memref<352x256xf32, #tpu.memory_space<vmem>>, vector<16xf32>,
        tpu.vector_store %arg7[%swap3A_753, %swap3A_754], %gather3A_617 {strides = array<i32>} : memref<352x256xf32, #tpu.memory_space<vmem>>, vector<16xf32>,
        %gather3A_756 = tpu.vector_load_idx %arg6[%gather3A_707, %add3A_26] : memref<41x256xf32, #tpu.memory_space<vmem>>[vector<16xi32>, vector<16xi32>], vector<16xf32>,
        %add3A_757 = arith.constant 5 : i32
        %add3A_758 = arith.addi %add3A_164, %add3A_757 : i32
        %sub3A_759 = arith.constant 1 : i32
        %sub3A_760 = arith.subi %add3A_758, %sub3A_759 : i32
        %swap3A_761 = arith.index_cast %sub3A_760 : i32 to index
        %swap3A_762 = arith.constant 96 : index
        %swap3A_763 = tpu.vector_load %arg7[%swap3A_761, %swap3A_762] {strides = array<i32>} : memref<352x256xf32, #tpu.memory_space<vmem>>, vector<16xf32>,
        tpu.vector_store %arg7[%swap3A_761, %swap3A_762], %gather3A_625 {strides = array<i32>} : memref<352x256xf32, #tpu.memory_space<vmem>>, vector<16xf32>,
        %gather3A_764 = tpu.vector_load_idx %arg6[%gather3A_707, %add3A_29] : memref<41x256xf32, #tpu.memory_space<vmem>>[vector<16xi32>, vector<16xi32>], vector<16xf32>,
        %add3A_765 = arith.constant 5 : i32
        %add3A_766 = arith.addi %add3A_164, %add3A_765 : i32
        %sub3A_767 = arith.constant 1 : i32
        %sub3A_768 = arith.subi %add3A_766, %sub3A_767 : i32
        %swap3A_769 = arith.index_cast %sub3A_768 : i32 to index
        %swap3A_770 = arith.constant 112 : index
        %swap3A_771 = tpu.vector_load %arg7[%swap3A_769, %swap3A_770] {strides = array<i32>} : memref<352x256xf32, #tpu.memory_space<vmem>>, vector<16xf32>,
        tpu.vector_store %arg7[%swap3A_769, %swap3A_770], %gather3A_633 {strides = array<i32>} : memref<352x256xf32, #tpu.memory_space<vmem>>, vector<16xf32>,
        %gather3A_772 = tpu.vector_load_idx %arg6[%gather3A_707, %add3A_32] : memref<41x256xf32, #tpu.memory_space<vmem>>[vector<16xi32>, vector<16xi32>], vector<16xf32>,
        %add3A_773 = arith.constant 5 : i32
        %add3A_774 = arith.addi %add3A_164, %add3A_773 : i32
        %sub3A_775 = arith.constant 1 : i32
        %sub3A_776 = arith.subi %add3A_774, %sub3A_775 : i32
        %swap3A_777 = arith.index_cast %sub3A_776 : i32 to index
        %swap3A_778 = arith.constant 128 : index
        %swap3A_779 = tpu.vector_load %arg7[%swap3A_777, %swap3A_778] {strides = array<i32>} : memref<352x256xf32, #tpu.memory_space<vmem>>, vector<16xf32>,
        tpu.vector_store %arg7[%swap3A_777, %swap3A_778], %gather3A_641 {strides = array<i32>} : memref<352x256xf32, #tpu.memory_space<vmem>>, vector<16xf32>,
        %gather3A_780 = tpu.vector_load_idx %arg6[%gather3A_707, %add3A_35] : memref<41x256xf32, #tpu.memory_space<vmem>>[vector<16xi32>, vector<16xi32>], vector<16xf32>,
        %add3A_781 = arith.constant 5 : i32
        %add3A_782 = arith.addi %add3A_164, %add3A_781 : i32
        %sub3A_783 = arith.constant 1 : i32
        %sub3A_784 = arith.subi %add3A_782, %sub3A_783 : i32
        %swap3A_785 = arith.index_cast %sub3A_784 : i32 to index
        %swap3A_786 = arith.constant 144 : index
        %swap3A_787 = tpu.vector_load %arg7[%swap3A_785, %swap3A_786] {strides = array<i32>} : memref<352x256xf32, #tpu.memory_space<vmem>>, vector<16xf32>,
        tpu.vector_store %arg7[%swap3A_785, %swap3A_786], %gather3A_649 {strides = array<i32>} : memref<352x256xf32, #tpu.memory_space<vmem>>, vector<16xf32>,
        %gather3A_788 = tpu.vector_load_idx %arg6[%gather3A_707, %add3A_38] : memref<41x256xf32, #tpu.memory_space<vmem>>[vector<16xi32>, vector<16xi32>], vector<16xf32>,
        %add3A_789 = arith.constant 5 : i32
        %add3A_790 = arith.addi %add3A_164, %add3A_789 : i32
        %sub3A_791 = arith.constant 1 : i32
        %sub3A_792 = arith.subi %add3A_790, %sub3A_791 : i32
        %swap3A_793 = arith.index_cast %sub3A_792 : i32 to index
        %swap3A_794 = arith.constant 160 : index
        %swap3A_795 = tpu.vector_load %arg7[%swap3A_793, %swap3A_794] {strides = array<i32>} : memref<352x256xf32, #tpu.memory_space<vmem>>, vector<16xf32>,
        tpu.vector_store %arg7[%swap3A_793, %swap3A_794], %gather3A_657 {strides = array<i32>} : memref<352x256xf32, #tpu.memory_space<vmem>>, vector<16xf32>,
        %gather3A_796 = tpu.vector_load_idx %arg6[%gather3A_707, %add3A_41] : memref<41x256xf32, #tpu.memory_space<vmem>>[vector<16xi32>, vector<16xi32>], vector<16xf32>,
        %add3A_797 = arith.constant 5 : i32
        %add3A_798 = arith.addi %add3A_164, %add3A_797 : i32
        %sub3A_799 = arith.constant 1 : i32
        %sub3A_800 = arith.subi %add3A_798, %sub3A_799 : i32
        %swap3A_801 = arith.index_cast %sub3A_800 : i32 to index
        %swap3A_802 = arith.constant 176 : index
        %swap3A_803 = tpu.vector_load %arg7[%swap3A_801, %swap3A_802] {strides = array<i32>} : memref<352x256xf32, #tpu.memory_space<vmem>>, vector<16xf32>,
        tpu.vector_store %arg7[%swap3A_801, %swap3A_802], %gather3A_665 {strides = array<i32>} : memref<352x256xf32, #tpu.memory_space<vmem>>, vector<16xf32>,
        %gather3A_804 = tpu.vector_load_idx %arg6[%gather3A_707, %add3A_44] : memref<41x256xf32, #tpu.memory_space<vmem>>[vector<16xi32>, vector<16xi32>], vector<16xf32>,
        %add3A_805 = arith.constant 5 : i32
        %add3A_806 = arith.addi %add3A_164, %add3A_805 : i32
        %sub3A_807 = arith.constant 1 : i32
        %sub3A_808 = arith.subi %add3A_806, %sub3A_807 : i32
        %swap3A_809 = arith.index_cast %sub3A_808 : i32 to index
        %swap3A_810 = arith.constant 192 : index
        %swap3A_811 = tpu.vector_load %arg7[%swap3A_809, %swap3A_810] {strides = array<i32>} : memref<352x256xf32, #tpu.memory_space<vmem>>, vector<16xf32>,
        tpu.vector_store %arg7[%swap3A_809, %swap3A_810], %gather3A_673 {strides = array<i32>} : memref<352x256xf32, #tpu.memory_space<vmem>>, vector<16xf32>,
        %gather3A_812 = tpu.vector_load_idx %arg6[%gather3A_707, %add3A_47] : memref<41x256xf32, #tpu.memory_space<vmem>>[vector<16xi32>, vector<16xi32>], vector<16xf32>,
        %add3A_813 = arith.constant 5 : i32
        %add3A_814 = arith.addi %add3A_164, %add3A_813 : i32
        %sub3A_815 = arith.constant 1 : i32
        %sub3A_816 = arith.subi %add3A_814, %sub3A_815 : i32
        %swap3A_817 = arith.index_cast %sub3A_816 : i32 to index
        %swap3A_818 = arith.constant 208 : index
        %swap3A_819 = tpu.vector_load %arg7[%swap3A_817, %swap3A_818] {strides = array<i32>} : memref<352x256xf32, #tpu.memory_space<vmem>>, vector<16xf32>,
        tpu.vector_store %arg7[%swap3A_817, %swap3A_818], %gather3A_681 {strides = array<i32>} : memref<352x256xf32, #tpu.memory_space<vmem>>, vector<16xf32>,
        %gather3A_820 = tpu.vector_load_idx %arg6[%gather3A_707, %add3A_50] : memref<41x256xf32, #tpu.memory_space<vmem>>[vector<16xi32>, vector<16xi32>], vector<16xf32>,
        %add3A_821 = arith.constant 5 : i32
        %add3A_822 = arith.addi %add3A_164, %add3A_821 : i32
        %sub3A_823 = arith.constant 1 : i32
        %sub3A_824 = arith.subi %add3A_822, %sub3A_823 : i32
        %swap3A_825 = arith.index_cast %sub3A_824 : i32 to index
        %swap3A_826 = arith.constant 224 : index
        %swap3A_827 = tpu.vector_load %arg7[%swap3A_825, %swap3A_826] {strides = array<i32>} : memref<352x256xf32, #tpu.memory_space<vmem>>, vector<16xf32>,
        tpu.vector_store %arg7[%swap3A_825, %swap3A_826], %gather3A_689 {strides = array<i32>} : memref<352x256xf32, #tpu.memory_space<vmem>>, vector<16xf32>,
        %gather3A_828 = tpu.vector_load_idx %arg6[%gather3A_707, %add3A_53] : memref<41x256xf32, #tpu.memory_space<vmem>>[vector<16xi32>, vector<16xi32>], vector<16xf32>,
        %add3A_829 = arith.constant 5 : i32
        %add3A_830 = arith.addi %add3A_164, %add3A_829 : i32
        %sub3A_831 = arith.constant 1 : i32
        %sub3A_832 = arith.subi %add3A_830, %sub3A_831 : i32
        %swap3A_833 = arith.index_cast %sub3A_832 : i32 to index
        %swap3A_834 = arith.constant 240 : index
        %swap3A_835 = tpu.vector_load %arg7[%swap3A_833, %swap3A_834] {strides = array<i32>} : memref<352x256xf32, #tpu.memory_space<vmem>>, vector<16xf32>,
        tpu.vector_store %arg7[%swap3A_833, %swap3A_834], %gather3A_697 {strides = array<i32>} : memref<352x256xf32, #tpu.memory_space<vmem>>, vector<16xf32>,
        %broadcast_in_dim3A_836 = vector.shape_cast %broadcast_in_dim3A_66 : vector<16xi32> to vector<16x1xi32>
        %gather3A_837 = vector.shape_cast %broadcast_in_dim3A_836 : vector<16x1xi32> to vector<16xi32>
        %gather3A_838 = tpu.dynamic_gather %get3A_159[%gather3A_837] in [0] : vector<16xi32>, vector<16xi32> -> vector<16xi32>
        %gather3A_839 = tpu.vector_load_idx %arg6[%gather3A_838, %add3A_8] : memref<41x256xf32, #tpu.memory_space<vmem>>[vector<16xi32>, vector<16xi32>], vector<16xf32>,
        %add3A_840 = arith.constant 6 : i32
        %add3A_841 = arith.addi %add3A_164, %add3A_840 : i32
        %sub3A_842 = arith.constant 1 : i32
        %sub3A_843 = arith.subi %add3A_841, %sub3A_842 : i32
        %swap3A_844 = arith.index_cast %sub3A_843 : i32 to index
        %swap3A_845 = arith.constant 0 : index
        %swap3A_846 = tpu.vector_load %arg7[%swap3A_844, %swap3A_845] {strides = array<i32>} : memref<352x256xf32, #tpu.memory_space<vmem>>, vector<16xf32>,
        tpu.vector_store %arg7[%swap3A_844, %swap3A_845], %gather3A_708 {strides = array<i32>} : memref<352x256xf32, #tpu.memory_space<vmem>>, vector<16xf32>,
        %gather3A_847 = tpu.vector_load_idx %arg6[%gather3A_838, %add3A_11] : memref<41x256xf32, #tpu.memory_space<vmem>>[vector<16xi32>, vector<16xi32>], vector<16xf32>,
        %add3A_848 = arith.constant 6 : i32
        %add3A_849 = arith.addi %add3A_164, %add3A_848 : i32
        %sub3A_850 = arith.constant 1 : i32
        %sub3A_851 = arith.subi %add3A_849, %sub3A_850 : i32
        %swap3A_852 = arith.index_cast %sub3A_851 : i32 to index
        %swap3A_853 = arith.constant 16 : index
        %swap3A_854 = tpu.vector_load %arg7[%swap3A_852, %swap3A_853] {strides = array<i32>} : memref<352x256xf32, #tpu.memory_space<vmem>>, vector<16xf32>,
        tpu.vector_store %arg7[%swap3A_852, %swap3A_853], %gather3A_716 {strides = array<i32>} : memref<352x256xf32, #tpu.memory_space<vmem>>, vector<16xf32>,
        %gather3A_855 = tpu.vector_load_idx %arg6[%gather3A_838, %add3A_14] : memref<41x256xf32, #tpu.memory_space<vmem>>[vector<16xi32>, vector<16xi32>], vector<16xf32>,
        %add3A_856 = arith.constant 6 : i32
        %add3A_857 = arith.addi %add3A_164, %add3A_856 : i32
        %sub3A_858 = arith.constant 1 : i32
        %sub3A_859 = arith.subi %add3A_857, %sub3A_858 : i32
        %swap3A_860 = arith.index_cast %sub3A_859 : i32 to index
        %swap3A_861 = arith.constant 32 : index
        %swap3A_862 = tpu.vector_load %arg7[%swap3A_860, %swap3A_861] {strides = array<i32>} : memref<352x256xf32, #tpu.memory_space<vmem>>, vector<16xf32>,
        tpu.vector_store %arg7[%swap3A_860, %swap3A_861], %gather3A_724 {strides = array<i32>} : memref<352x256xf32, #tpu.memory_space<vmem>>, vector<16xf32>,
        %gather3A_863 = tpu.vector_load_idx %arg6[%gather3A_838, %add3A_17] : memref<41x256xf32, #tpu.memory_space<vmem>>[vector<16xi32>, vector<16xi32>], vector<16xf32>,
        %add3A_864 = arith.constant 6 : i32
        %add3A_865 = arith.addi %add3A_164, %add3A_864 : i32
        %sub3A_866 = arith.constant 1 : i32
        %sub3A_867 = arith.subi %add3A_865, %sub3A_866 : i32
        %swap3A_868 = arith.index_cast %sub3A_867 : i32 to index
        %swap3A_869 = arith.constant 48 : index
        %swap3A_870 = tpu.vector_load %arg7[%swap3A_868, %swap3A_869] {strides = array<i32>} : memref<352x256xf32, #tpu.memory_space<vmem>>, vector<16xf32>,
        tpu.vector_store %arg7[%swap3A_868, %swap3A_869], %gather3A_732 {strides = array<i32>} : memref<352x256xf32, #tpu.memory_space<vmem>>, vector<16xf32>,
        %gather3A_871 = tpu.vector_load_idx %arg6[%gather3A_838, %add3A_20] : memref<41x256xf32, #tpu.memory_space<vmem>>[vector<16xi32>, vector<16xi32>], vector<16xf32>,
        %add3A_872 = arith.constant 6 : i32
        %add3A_873 = arith.addi %add3A_164, %add3A_872 : i32
        %sub3A_874 = arith.constant 1 : i32
        %sub3A_875 = arith.subi %add3A_873, %sub3A_874 : i32
        %swap3A_876 = arith.index_cast %sub3A_875 : i32 to index
        %swap3A_877 = arith.constant 64 : index
        %swap3A_878 = tpu.vector_load %arg7[%swap3A_876, %swap3A_877] {strides = array<i32>} : memref<352x256xf32, #tpu.memory_space<vmem>>, vector<16xf32>,
        tpu.vector_store %arg7[%swap3A_876, %swap3A_877], %gather3A_740 {strides = array<i32>} : memref<352x256xf32, #tpu.memory_space<vmem>>, vector<16xf32>,
        %gather3A_879 = tpu.vector_load_idx %arg6[%gather3A_838, %add3A_23] : memref<41x256xf32, #tpu.memory_space<vmem>>[vector<16xi32>, vector<16xi32>], vector<16xf32>,
        %add3A_880 = arith.constant 6 : i32
        %add3A_881 = arith.addi %add3A_164, %add3A_880 : i32
        %sub3A_882 = arith.constant 1 : i32
        %sub3A_883 = arith.subi %add3A_881, %sub3A_882 : i32
        %swap3A_884 = arith.index_cast %sub3A_883 : i32 to index
        %swap3A_885 = arith.constant 80 : index
        %swap3A_886 = tpu.vector_load %arg7[%swap3A_884, %swap3A_885] {strides = array<i32>} : memref<352x256xf32, #tpu.memory_space<vmem>>, vector<16xf32>,
        tpu.vector_store %arg7[%swap3A_884, %swap3A_885], %gather3A_748 {strides = array<i32>} : memref<352x256xf32, #tpu.memory_space<vmem>>, vector<16xf32>,
        %gather3A_887 = tpu.vector_load_idx %arg6[%gather3A_838, %add3A_26] : memref<41x256xf32, #tpu.memory_space<vmem>>[vector<16xi32>, vector<16xi32>], vector<16xf32>,
        %add3A_888 = arith.constant 6 : i32
        %add3A_889 = arith.addi %add3A_164, %add3A_888 : i32
        %sub3A_890 = arith.constant 1 : i32
        %sub3A_891 = arith.subi %add3A_889, %sub3A_890 : i32
        %swap3A_892 = arith.index_cast %sub3A_891 : i32 to index
        %swap3A_893 = arith.constant 96 : index
        %swap3A_894 = tpu.vector_load %arg7[%swap3A_892, %swap3A_893] {strides = array<i32>} : memref<352x256xf32, #tpu.memory_space<vmem>>, vector<16xf32>,
        tpu.vector_store %arg7[%swap3A_892, %swap3A_893], %gather3A_756 {strides = array<i32>} : memref<352x256xf32, #tpu.memory_space<vmem>>, vector<16xf32>,
        %gather3A_895 = tpu.vector_load_idx %arg6[%gather3A_838, %add3A_29] : memref<41x256xf32, #tpu.memory_space<vmem>>[vector<16xi32>, vector<16xi32>], vector<16xf32>,
        %add3A_896 = arith.constant 6 : i32
        %add3A_897 = arith.addi %add3A_164, %add3A_896 : i32
        %sub3A_898 = arith.constant 1 : i32
        %sub3A_899 = arith.subi %add3A_897, %sub3A_898 : i32
        %swap3A_900 = arith.index_cast %sub3A_899 : i32 to index
        %swap3A_901 = arith.constant 112 : index
        %swap3A_902 = tpu.vector_load %arg7[%swap3A_900, %swap3A_901] {strides = array<i32>} : memref<352x256xf32, #tpu.memory_space<vmem>>, vector<16xf32>,
        tpu.vector_store %arg7[%swap3A_900, %swap3A_901], %gather3A_764 {strides = array<i32>} : memref<352x256xf32, #tpu.memory_space<vmem>>, vector<16xf32>,
        %gather3A_903 = tpu.vector_load_idx %arg6[%gather3A_838, %add3A_32] : memref<41x256xf32, #tpu.memory_space<vmem>>[vector<16xi32>, vector<16xi32>], vector<16xf32>,
        %add3A_904 = arith.constant 6 : i32
        %add3A_905 = arith.addi %add3A_164, %add3A_904 : i32
        %sub3A_906 = arith.constant 1 : i32
        %sub3A_907 = arith.subi %add3A_905, %sub3A_906 : i32
        %swap3A_908 = arith.index_cast %sub3A_907 : i32 to index
        %swap3A_909 = arith.constant 128 : index
        %swap3A_910 = tpu.vector_load %arg7[%swap3A_908, %swap3A_909] {strides = array<i32>} : memref<352x256xf32, #tpu.memory_space<vmem>>, vector<16xf32>,
        tpu.vector_store %arg7[%swap3A_908, %swap3A_909], %gather3A_772 {strides = array<i32>} : memref<352x256xf32, #tpu.memory_space<vmem>>, vector<16xf32>,
        %gather3A_911 = tpu.vector_load_idx %arg6[%gather3A_838, %add3A_35] : memref<41x256xf32, #tpu.memory_space<vmem>>[vector<16xi32>, vector<16xi32>], vector<16xf32>,
        %add3A_912 = arith.constant 6 : i32
        %add3A_913 = arith.addi %add3A_164, %add3A_912 : i32
        %sub3A_914 = arith.constant 1 : i32
        %sub3A_915 = arith.subi %add3A_913, %sub3A_914 : i32
        %swap3A_916 = arith.index_cast %sub3A_915 : i32 to index
        %swap3A_917 = arith.constant 144 : index
        %swap3A_918 = tpu.vector_load %arg7[%swap3A_916, %swap3A_917] {strides = array<i32>} : memref<352x256xf32, #tpu.memory_space<vmem>>, vector<16xf32>,
        tpu.vector_store %arg7[%swap3A_916, %swap3A_917], %gather3A_780 {strides = array<i32>} : memref<352x256xf32, #tpu.memory_space<vmem>>, vector<16xf32>,
        %gather3A_919 = tpu.vector_load_idx %arg6[%gather3A_838, %add3A_38] : memref<41x256xf32, #tpu.memory_space<vmem>>[vector<16xi32>, vector<16xi32>], vector<16xf32>,
        %add3A_920 = arith.constant 6 : i32
        %add3A_921 = arith.addi %add3A_164, %add3A_920 : i32
        %sub3A_922 = arith.constant 1 : i32
        %sub3A_923 = arith.subi %add3A_921, %sub3A_922 : i32
        %swap3A_924 = arith.index_cast %sub3A_923 : i32 to index
        %swap3A_925 = arith.constant 160 : index
        %swap3A_926 = tpu.vector_load %arg7[%swap3A_924, %swap3A_925] {strides = array<i32>} : memref<352x256xf32, #tpu.memory_space<vmem>>, vector<16xf32>,
        tpu.vector_store %arg7[%swap3A_924, %swap3A_925], %gather3A_788 {strides = array<i32>} : memref<352x256xf32, #tpu.memory_space<vmem>>, vector<16xf32>,
        %gather3A_927 = tpu.vector_load_idx %arg6[%gather3A_838, %add3A_41] : memref<41x256xf32, #tpu.memory_space<vmem>>[vector<16xi32>, vector<16xi32>], vector<16xf32>,
        %add3A_928 = arith.constant 6 : i32
        %add3A_929 = arith.addi %add3A_164, %add3A_928 : i32
        %sub3A_930 = arith.constant 1 : i32
        %sub3A_931 = arith.subi %add3A_929, %sub3A_930 : i32
        %swap3A_932 = arith.index_cast %sub3A_931 : i32 to index
        %swap3A_933 = arith.constant 176 : index
        %swap3A_934 = tpu.vector_load %arg7[%swap3A_932, %swap3A_933] {strides = array<i32>} : memref<352x256xf32, #tpu.memory_space<vmem>>, vector<16xf32>,
        tpu.vector_store %arg7[%swap3A_932, %swap3A_933], %gather3A_796 {strides = array<i32>} : memref<352x256xf32, #tpu.memory_space<vmem>>, vector<16xf32>,
        %gather3A_935 = tpu.vector_load_idx %arg6[%gather3A_838, %add3A_44] : memref<41x256xf32, #tpu.memory_space<vmem>>[vector<16xi32>, vector<16xi32>], vector<16xf32>,
        %add3A_936 = arith.constant 6 : i32
        %add3A_937 = arith.addi %add3A_164, %add3A_936 : i32
        %sub3A_938 = arith.constant 1 : i32
        %sub3A_939 = arith.subi %add3A_937, %sub3A_938 : i32
        %swap3A_940 = arith.index_cast %sub3A_939 : i32 to index
        %swap3A_941 = arith.constant 192 : index
        %swap3A_942 = tpu.vector_load %arg7[%swap3A_940, %swap3A_941] {strides = array<i32>} : memref<352x256xf32, #tpu.memory_space<vmem>>, vector<16xf32>,
        tpu.vector_store %arg7[%swap3A_940, %swap3A_941], %gather3A_804 {strides = array<i32>} : memref<352x256xf32, #tpu.memory_space<vmem>>, vector<16xf32>,
        %gather3A_943 = tpu.vector_load_idx %arg6[%gather3A_838, %add3A_47] : memref<41x256xf32, #tpu.memory_space<vmem>>[vector<16xi32>, vector<16xi32>], vector<16xf32>,
        %add3A_944 = arith.constant 6 : i32
        %add3A_945 = arith.addi %add3A_164, %add3A_944 : i32
        %sub3A_946 = arith.constant 1 : i32
        %sub3A_947 = arith.subi %add3A_945, %sub3A_946 : i32
        %swap3A_948 = arith.index_cast %sub3A_947 : i32 to index
        %swap3A_949 = arith.constant 208 : index
        %swap3A_950 = tpu.vector_load %arg7[%swap3A_948, %swap3A_949] {strides = array<i32>} : memref<352x256xf32, #tpu.memory_space<vmem>>, vector<16xf32>,
        tpu.vector_store %arg7[%swap3A_948, %swap3A_949], %gather3A_812 {strides = array<i32>} : memref<352x256xf32, #tpu.memory_space<vmem>>, vector<16xf32>,
        %gather3A_951 = tpu.vector_load_idx %arg6[%gather3A_838, %add3A_50] : memref<41x256xf32, #tpu.memory_space<vmem>>[vector<16xi32>, vector<16xi32>], vector<16xf32>,
        %add3A_952 = arith.constant 6 : i32
        %add3A_953 = arith.addi %add3A_164, %add3A_952 : i32
        %sub3A_954 = arith.constant 1 : i32
        %sub3A_955 = arith.subi %add3A_953, %sub3A_954 : i32
        %swap3A_956 = arith.index_cast %sub3A_955 : i32 to index
        %swap3A_957 = arith.constant 224 : index
        %swap3A_958 = tpu.vector_load %arg7[%swap3A_956, %swap3A_957] {strides = array<i32>} : memref<352x256xf32, #tpu.memory_space<vmem>>, vector<16xf32>,
        tpu.vector_store %arg7[%swap3A_956, %swap3A_957], %gather3A_820 {strides = array<i32>} : memref<352x256xf32, #tpu.memory_space<vmem>>, vector<16xf32>,
        %gather3A_959 = tpu.vector_load_idx %arg6[%gather3A_838, %add3A_53] : memref<41x256xf32, #tpu.memory_space<vmem>>[vector<16xi32>, vector<16xi32>], vector<16xf32>,
        %add3A_960 = arith.constant 6 : i32
        %add3A_961 = arith.addi %add3A_164, %add3A_960 : i32
        %sub3A_962 = arith.constant 1 : i32
        %sub3A_963 = arith.subi %add3A_961, %sub3A_962 : i32
        %swap3A_964 = arith.index_cast %sub3A_963 : i32 to index
        %swap3A_965 = arith.constant 240 : index
        %swap3A_966 = tpu.vector_load %arg7[%swap3A_964, %swap3A_965] {strides = array<i32>} : memref<352x256xf32, #tpu.memory_space<vmem>>, vector<16xf32>,
        tpu.vector_store %arg7[%swap3A_964, %swap3A_965], %gather3A_828 {strides = array<i32>} : memref<352x256xf32, #tpu.memory_space<vmem>>, vector<16xf32>,
        %broadcast_in_dim3A_967 = vector.shape_cast %broadcast_in_dim3A_68 : vector<16xi32> to vector<16x1xi32>
        %gather3A_968 = vector.shape_cast %broadcast_in_dim3A_967 : vector<16x1xi32> to vector<16xi32>
        %gather3A_969 = tpu.dynamic_gather %get3A_159[%gather3A_968] in [0] : vector<16xi32>, vector<16xi32> -> vector<16xi32>
        %gather3A_970 = tpu.vector_load_idx %arg6[%gather3A_969, %add3A_8] : memref<41x256xf32, #tpu.memory_space<vmem>>[vector<16xi32>, vector<16xi32>], vector<16xf32>,
        %add3A_971 = arith.constant 7 : i32
        %add3A_972 = arith.addi %add3A_164, %add3A_971 : i32
        %sub3A_973 = arith.constant 1 : i32
        %sub3A_974 = arith.subi %add3A_972, %sub3A_973 : i32
        %swap3A_975 = arith.index_cast %sub3A_974 : i32 to index
        %swap3A_976 = arith.constant 0 : index
        %swap3A_977 = tpu.vector_load %arg7[%swap3A_975, %swap3A_976] {strides = array<i32>} : memref<352x256xf32, #tpu.memory_space<vmem>>, vector<16xf32>,
        tpu.vector_store %arg7[%swap3A_975, %swap3A_976], %gather3A_839 {strides = array<i32>} : memref<352x256xf32, #tpu.memory_space<vmem>>, vector<16xf32>,
        %gather3A_978 = tpu.vector_load_idx %arg6[%gather3A_969, %add3A_11] : memref<41x256xf32, #tpu.memory_space<vmem>>[vector<16xi32>, vector<16xi32>], vector<16xf32>,
        %add3A_979 = arith.constant 7 : i32
        %add3A_980 = arith.addi %add3A_164, %add3A_979 : i32
        %sub3A_981 = arith.constant 1 : i32
        %sub3A_982 = arith.subi %add3A_980, %sub3A_981 : i32
        %swap3A_983 = arith.index_cast %sub3A_982 : i32 to index
        %swap3A_984 = arith.constant 16 : index
        %swap3A_985 = tpu.vector_load %arg7[%swap3A_983, %swap3A_984] {strides = array<i32>} : memref<352x256xf32, #tpu.memory_space<vmem>>, vector<16xf32>,
        tpu.vector_store %arg7[%swap3A_983, %swap3A_984], %gather3A_847 {strides = array<i32>} : memref<352x256xf32, #tpu.memory_space<vmem>>, vector<16xf32>,
        %gather3A_986 = tpu.vector_load_idx %arg6[%gather3A_969, %add3A_14] : memref<41x256xf32, #tpu.memory_space<vmem>>[vector<16xi32>, vector<16xi32>], vector<16xf32>,
        %add3A_987 = arith.constant 7 : i32
        %add3A_988 = arith.addi %add3A_164, %add3A_987 : i32
        %sub3A_989 = arith.constant 1 : i32
        %sub3A_990 = arith.subi %add3A_988, %sub3A_989 : i32
        %swap3A_991 = arith.index_cast %sub3A_990 : i32 to index
        %swap3A_992 = arith.constant 32 : index
        %swap3A_993 = tpu.vector_load %arg7[%swap3A_991, %swap3A_992] {strides = array<i32>} : memref<352x256xf32, #tpu.memory_space<vmem>>, vector<16xf32>,
        tpu.vector_store %arg7[%swap3A_991, %swap3A_992], %gather3A_855 {strides = array<i32>} : memref<352x256xf32, #tpu.memory_space<vmem>>, vector<16xf32>,
        %gather3A_994 = tpu.vector_load_idx %arg6[%gather3A_969, %add3A_17] : memref<41x256xf32, #tpu.memory_space<vmem>>[vector<16xi32>, vector<16xi32>], vector<16xf32>,
        %add3A_995 = arith.constant 7 : i32
        %add3A_996 = arith.addi %add3A_164, %add3A_995 : i32
        %sub3A_997 = arith.constant 1 : i32
        %sub3A_998 = arith.subi %add3A_996, %sub3A_997 : i32
        %swap3A_999 = arith.index_cast %sub3A_998 : i32 to index
        %swap3A_1000 = arith.constant 48 : index
        %swap3A_1001 = tpu.vector_load %arg7[%swap3A_999, %swap3A_1000] {strides = array<i32>} : memref<352x256xf32, #tpu.memory_space<vmem>>, vector<16xf32>,
        tpu.vector_store %arg7[%swap3A_999, %swap3A_1000], %gather3A_863 {strides = array<i32>} : memref<352x256xf32, #tpu.memory_space<vmem>>, vector<16xf32>,
        %gather3A_1002 = tpu.vector_load_idx %arg6[%gather3A_969, %add3A_20] : memref<41x256xf32, #tpu.memory_space<vmem>>[vector<16xi32>, vector<16xi32>], vector<16xf32>,
        %add3A_1003 = arith.constant 7 : i32
        %add3A_1004 = arith.addi %add3A_164, %add3A_1003 : i32
        %sub3A_1005 = arith.constant 1 : i32
        %sub3A_1006 = arith.subi %add3A_1004, %sub3A_1005 : i32
        %swap3A_1007 = arith.index_cast %sub3A_1006 : i32 to index
        %swap3A_1008 = arith.constant 64 : index
        %swap3A_1009 = tpu.vector_load %arg7[%swap3A_1007, %swap3A_1008] {strides = array<i32>} : memref<352x256xf32, #tpu.memory_space<vmem>>, vector<16xf32>,
        tpu.vector_store %arg7[%swap3A_1007, %swap3A_1008], %gather3A_871 {strides = array<i32>} : memref<352x256xf32, #tpu.memory_space<vmem>>, vector<16xf32>,
        %gather3A_1010 = tpu.vector_load_idx %arg6[%gather3A_969, %add3A_23] : memref<41x256xf32, #tpu.memory_space<vmem>>[vector<16xi32>, vector<16xi32>], vector<16xf32>,
        %add3A_1011 = arith.constant 7 : i32
        %add3A_1012 = arith.addi %add3A_164, %add3A_1011 : i32
        %sub3A_1013 = arith.constant 1 : i32
        %sub3A_1014 = arith.subi %add3A_1012, %sub3A_1013 : i32
        %swap3A_1015 = arith.index_cast %sub3A_1014 : i32 to index
        %swap3A_1016 = arith.constant 80 : index
        %swap3A_1017 = tpu.vector_load %arg7[%swap3A_1015, %swap3A_1016] {strides = array<i32>} : memref<352x256xf32, #tpu.memory_space<vmem>>, vector<16xf32>,
        tpu.vector_store %arg7[%swap3A_1015, %swap3A_1016], %gather3A_879 {strides = array<i32>} : memref<352x256xf32, #tpu.memory_space<vmem>>, vector<16xf32>,
        %gather3A_1018 = tpu.vector_load_idx %arg6[%gather3A_969, %add3A_26] : memref<41x256xf32, #tpu.memory_space<vmem>>[vector<16xi32>, vector<16xi32>], vector<16xf32>,
        %add3A_1019 = arith.constant 7 : i32
        %add3A_1020 = arith.addi %add3A_164, %add3A_1019 : i32
        %sub3A_1021 = arith.constant 1 : i32
        %sub3A_1022 = arith.subi %add3A_1020, %sub3A_1021 : i32
        %swap3A_1023 = arith.index_cast %sub3A_1022 : i32 to index
        %swap3A_1024 = arith.constant 96 : index
        %swap3A_1025 = tpu.vector_load %arg7[%swap3A_1023, %swap3A_1024] {strides = array<i32>} : memref<352x256xf32, #tpu.memory_space<vmem>>, vector<16xf32>,
        tpu.vector_store %arg7[%swap3A_1023, %swap3A_1024], %gather3A_887 {strides = array<i32>} : memref<352x256xf32, #tpu.memory_space<vmem>>, vector<16xf32>,
        %gather3A_1026 = tpu.vector_load_idx %arg6[%gather3A_969, %add3A_29] : memref<41x256xf32, #tpu.memory_space<vmem>>[vector<16xi32>, vector<16xi32>], vector<16xf32>,
        %add3A_1027 = arith.constant 7 : i32
        %add3A_1028 = arith.addi %add3A_164, %add3A_1027 : i32
        %sub3A_1029 = arith.constant 1 : i32
        %sub3A_1030 = arith.subi %add3A_1028, %sub3A_1029 : i32
        %swap3A_1031 = arith.index_cast %sub3A_1030 : i32 to index
        %swap3A_1032 = arith.constant 112 : index
        %swap3A_1033 = tpu.vector_load %arg7[%swap3A_1031, %swap3A_1032] {strides = array<i32>} : memref<352x256xf32, #tpu.memory_space<vmem>>, vector<16xf32>,
        tpu.vector_store %arg7[%swap3A_1031, %swap3A_1032], %gather3A_895 {strides = array<i32>} : memref<352x256xf32, #tpu.memory_space<vmem>>, vector<16xf32>,
        %gather3A_1034 = tpu.vector_load_idx %arg6[%gather3A_969, %add3A_32] : memref<41x256xf32, #tpu.memory_space<vmem>>[vector<16xi32>, vector<16xi32>], vector<16xf32>,
        %add3A_1035 = arith.constant 7 : i32
        %add3A_1036 = arith.addi %add3A_164, %add3A_1035 : i32
        %sub3A_1037 = arith.constant 1 : i32
        %sub3A_1038 = arith.subi %add3A_1036, %sub3A_1037 : i32
        %swap3A_1039 = arith.index_cast %sub3A_1038 : i32 to index
        %swap3A_1040 = arith.constant 128 : index
        %swap3A_1041 = tpu.vector_load %arg7[%swap3A_1039, %swap3A_1040] {strides = array<i32>} : memref<352x256xf32, #tpu.memory_space<vmem>>, vector<16xf32>,
        tpu.vector_store %arg7[%swap3A_1039, %swap3A_1040], %gather3A_903 {strides = array<i32>} : memref<352x256xf32, #tpu.memory_space<vmem>>, vector<16xf32>,
        %gather3A_1042 = tpu.vector_load_idx %arg6[%gather3A_969, %add3A_35] : memref<41x256xf32, #tpu.memory_space<vmem>>[vector<16xi32>, vector<16xi32>], vector<16xf32>,
        %add3A_1043 = arith.constant 7 : i32
        %add3A_1044 = arith.addi %add3A_164, %add3A_1043 : i32
        %sub3A_1045 = arith.constant 1 : i32
        %sub3A_1046 = arith.subi %add3A_1044, %sub3A_1045 : i32
        %swap3A_1047 = arith.index_cast %sub3A_1046 : i32 to index
        %swap3A_1048 = arith.constant 144 : index
        %swap3A_1049 = tpu.vector_load %arg7[%swap3A_1047, %swap3A_1048] {strides = array<i32>} : memref<352x256xf32, #tpu.memory_space<vmem>>, vector<16xf32>,
        tpu.vector_store %arg7[%swap3A_1047, %swap3A_1048], %gather3A_911 {strides = array<i32>} : memref<352x256xf32, #tpu.memory_space<vmem>>, vector<16xf32>,
        %gather3A_1050 = tpu.vector_load_idx %arg6[%gather3A_969, %add3A_38] : memref<41x256xf32, #tpu.memory_space<vmem>>[vector<16xi32>, vector<16xi32>], vector<16xf32>,
        %add3A_1051 = arith.constant 7 : i32
        %add3A_1052 = arith.addi %add3A_164, %add3A_1051 : i32
        %sub3A_1053 = arith.constant 1 : i32
        %sub3A_1054 = arith.subi %add3A_1052, %sub3A_1053 : i32
        %swap3A_1055 = arith.index_cast %sub3A_1054 : i32 to index
        %swap3A_1056 = arith.constant 160 : index
        %swap3A_1057 = tpu.vector_load %arg7[%swap3A_1055, %swap3A_1056] {strides = array<i32>} : memref<352x256xf32, #tpu.memory_space<vmem>>, vector<16xf32>,
        tpu.vector_store %arg7[%swap3A_1055, %swap3A_1056], %gather3A_919 {strides = array<i32>} : memref<352x256xf32, #tpu.memory_space<vmem>>, vector<16xf32>,
        %gather3A_1058 = tpu.vector_load_idx %arg6[%gather3A_969, %add3A_41] : memref<41x256xf32, #tpu.memory_space<vmem>>[vector<16xi32>, vector<16xi32>], vector<16xf32>,
        %add3A_1059 = arith.constant 7 : i32
        %add3A_1060 = arith.addi %add3A_164, %add3A_1059 : i32
        %sub3A_1061 = arith.constant 1 : i32
        %sub3A_1062 = arith.subi %add3A_1060, %sub3A_1061 : i32
        %swap3A_1063 = arith.index_cast %sub3A_1062 : i32 to index
        %swap3A_1064 = arith.constant 176 : index
        %swap3A_1065 = tpu.vector_load %arg7[%swap3A_1063, %swap3A_1064] {strides = array<i32>} : memref<352x256xf32, #tpu.memory_space<vmem>>, vector<16xf32>,
        tpu.vector_store %arg7[%swap3A_1063, %swap3A_1064], %gather3A_927 {strides = array<i32>} : memref<352x256xf32, #tpu.memory_space<vmem>>, vector<16xf32>,
        %gather3A_1066 = tpu.vector_load_idx %arg6[%gather3A_969, %add3A_44] : memref<41x256xf32, #tpu.memory_space<vmem>>[vector<16xi32>, vector<16xi32>], vector<16xf32>,
        %add3A_1067 = arith.constant 7 : i32
        %add3A_1068 = arith.addi %add3A_164, %add3A_1067 : i32
        %sub3A_1069 = arith.constant 1 : i32
        %sub3A_1070 = arith.subi %add3A_1068, %sub3A_1069 : i32
        %swap3A_1071 = arith.index_cast %sub3A_1070 : i32 to index
        %swap3A_1072 = arith.constant 192 : index
        %swap3A_1073 = tpu.vector_load %arg7[%swap3A_1071, %swap3A_1072] {strides = array<i32>} : memref<352x256xf32, #tpu.memory_space<vmem>>, vector<16xf32>,
        tpu.vector_store %arg7[%swap3A_1071, %swap3A_1072], %gather3A_935 {strides = array<i32>} : memref<352x256xf32, #tpu.memory_space<vmem>>, vector<16xf32>,
        %gather3A_1074 = tpu.vector_load_idx %arg6[%gather3A_969, %add3A_47] : memref<41x256xf32, #tpu.memory_space<vmem>>[vector<16xi32>, vector<16xi32>], vector<16xf32>,
        %add3A_1075 = arith.constant 7 : i32
        %add3A_1076 = arith.addi %add3A_164, %add3A_1075 : i32
        %sub3A_1077 = arith.constant 1 : i32
        %sub3A_1078 = arith.subi %add3A_1076, %sub3A_1077 : i32
        %swap3A_1079 = arith.index_cast %sub3A_1078 : i32 to index
        %swap3A_1080 = arith.constant 208 : index
        %swap3A_1081 = tpu.vector_load %arg7[%swap3A_1079, %swap3A_1080] {strides = array<i32>} : memref<352x256xf32, #tpu.memory_space<vmem>>, vector<16xf32>,
        tpu.vector_store %arg7[%swap3A_1079, %swap3A_1080], %gather3A_943 {strides = array<i32>} : memref<352x256xf32, #tpu.memory_space<vmem>>, vector<16xf32>,
        %gather3A_1082 = tpu.vector_load_idx %arg6[%gather3A_969, %add3A_50] : memref<41x256xf32, #tpu.memory_space<vmem>>[vector<16xi32>, vector<16xi32>], vector<16xf32>,
        %add3A_1083 = arith.constant 7 : i32
        %add3A_1084 = arith.addi %add3A_164, %add3A_1083 : i32
        %sub3A_1085 = arith.constant 1 : i32
        %sub3A_1086 = arith.subi %add3A_1084, %sub3A_1085 : i32
        %swap3A_1087 = arith.index_cast %sub3A_1086 : i32 to index
        %swap3A_1088 = arith.constant 224 : index
        %swap3A_1089 = tpu.vector_load %arg7[%swap3A_1087, %swap3A_1088] {strides = array<i32>} : memref<352x256xf32, #tpu.memory_space<vmem>>, vector<16xf32>,
        tpu.vector_store %arg7[%swap3A_1087, %swap3A_1088], %gather3A_951 {strides = array<i32>} : memref<352x256xf32, #tpu.memory_space<vmem>>, vector<16xf32>,
        %gather3A_1090 = tpu.vector_load_idx %arg6[%gather3A_969, %add3A_53] : memref<41x256xf32, #tpu.memory_space<vmem>>[vector<16xi32>, vector<16xi32>], vector<16xf32>,
        %add3A_1091 = arith.constant 7 : i32
        %add3A_1092 = arith.addi %add3A_164, %add3A_1091 : i32
        %sub3A_1093 = arith.constant 1 : i32
        %sub3A_1094 = arith.subi %add3A_1092, %sub3A_1093 : i32
        %swap3A_1095 = arith.index_cast %sub3A_1094 : i32 to index
        %swap3A_1096 = arith.constant 240 : index
        %swap3A_1097 = tpu.vector_load %arg7[%swap3A_1095, %swap3A_1096] {strides = array<i32>} : memref<352x256xf32, #tpu.memory_space<vmem>>, vector<16xf32>,
        tpu.vector_store %arg7[%swap3A_1095, %swap3A_1096], %gather3A_959 {strides = array<i32>} : memref<352x256xf32, #tpu.memory_space<vmem>>, vector<16xf32>,
        %broadcast_in_dim3A_1098 = vector.shape_cast %broadcast_in_dim3A_70 : vector<16xi32> to vector<16x1xi32>
        %gather3A_1099 = vector.shape_cast %broadcast_in_dim3A_1098 : vector<16x1xi32> to vector<16xi32>
        %gather3A_1100 = tpu.dynamic_gather %get3A_159[%gather3A_1099] in [0] : vector<16xi32>, vector<16xi32> -> vector<16xi32>
        %gather3A_1101 = tpu.vector_load_idx %arg6[%gather3A_1100, %add3A_8] : memref<41x256xf32, #tpu.memory_space<vmem>>[vector<16xi32>, vector<16xi32>], vector<16xf32>,
        %add3A_1102 = arith.constant 8 : i32
        %add3A_1103 = arith.addi %add3A_164, %add3A_1102 : i32
        %sub3A_1104 = arith.constant 1 : i32
        %sub3A_1105 = arith.subi %add3A_1103, %sub3A_1104 : i32
        %swap3A_1106 = arith.index_cast %sub3A_1105 : i32 to index
        %swap3A_1107 = arith.constant 0 : index
        %swap3A_1108 = tpu.vector_load %arg7[%swap3A_1106, %swap3A_1107] {strides = array<i32>} : memref<352x256xf32, #tpu.memory_space<vmem>>, vector<16xf32>,
        tpu.vector_store %arg7[%swap3A_1106, %swap3A_1107], %gather3A_970 {strides = array<i32>} : memref<352x256xf32, #tpu.memory_space<vmem>>, vector<16xf32>,
        %gather3A_1109 = tpu.vector_load_idx %arg6[%gather3A_1100, %add3A_11] : memref<41x256xf32, #tpu.memory_space<vmem>>[vector<16xi32>, vector<16xi32>], vector<16xf32>,
        %add3A_1110 = arith.constant 8 : i32
        %add3A_1111 = arith.addi %add3A_164, %add3A_1110 : i32
        %sub3A_1112 = arith.constant 1 : i32
        %sub3A_1113 = arith.subi %add3A_1111, %sub3A_1112 : i32
        %swap3A_1114 = arith.index_cast %sub3A_1113 : i32 to index
        %swap3A_1115 = arith.constant 16 : index
        %swap3A_1116 = tpu.vector_load %arg7[%swap3A_1114, %swap3A_1115] {strides = array<i32>} : memref<352x256xf32, #tpu.memory_space<vmem>>, vector<16xf32>,
        tpu.vector_store %arg7[%swap3A_1114, %swap3A_1115], %gather3A_978 {strides = array<i32>} : memref<352x256xf32, #tpu.memory_space<vmem>>, vector<16xf32>,
        %gather3A_1117 = tpu.vector_load_idx %arg6[%gather3A_1100, %add3A_14] : memref<41x256xf32, #tpu.memory_space<vmem>>[vector<16xi32>, vector<16xi32>], vector<16xf32>,
        %add3A_1118 = arith.constant 8 : i32
        %add3A_1119 = arith.addi %add3A_164, %add3A_1118 : i32
        %sub3A_1120 = arith.constant 1 : i32
        %sub3A_1121 = arith.subi %add3A_1119, %sub3A_1120 : i32
        %swap3A_1122 = arith.index_cast %sub3A_1121 : i32 to index
        %swap3A_1123 = arith.constant 32 : index
        %swap3A_1124 = tpu.vector_load %arg7[%swap3A_1122, %swap3A_1123] {strides = array<i32>} : memref<352x256xf32, #tpu.memory_space<vmem>>, vector<16xf32>,
        tpu.vector_store %arg7[%swap3A_1122, %swap3A_1123], %gather3A_986 {strides = array<i32>} : memref<352x256xf32, #tpu.memory_space<vmem>>, vector<16xf32>,
        %gather3A_1125 = tpu.vector_load_idx %arg6[%gather3A_1100, %add3A_17] : memref<41x256xf32, #tpu.memory_space<vmem>>[vector<16xi32>, vector<16xi32>], vector<16xf32>,
        %add3A_1126 = arith.constant 8 : i32
        %add3A_1127 = arith.addi %add3A_164, %add3A_1126 : i32
        %sub3A_1128 = arith.constant 1 : i32
        %sub3A_1129 = arith.subi %add3A_1127, %sub3A_1128 : i32
        %swap3A_1130 = arith.index_cast %sub3A_1129 : i32 to index
        %swap3A_1131 = arith.constant 48 : index
        %swap3A_1132 = tpu.vector_load %arg7[%swap3A_1130, %swap3A_1131] {strides = array<i32>} : memref<352x256xf32, #tpu.memory_space<vmem>>, vector<16xf32>,
        tpu.vector_store %arg7[%swap3A_1130, %swap3A_1131], %gather3A_994 {strides = array<i32>} : memref<352x256xf32, #tpu.memory_space<vmem>>, vector<16xf32>,
        %gather3A_1133 = tpu.vector_load_idx %arg6[%gather3A_1100, %add3A_20] : memref<41x256xf32, #tpu.memory_space<vmem>>[vector<16xi32>, vector<16xi32>], vector<16xf32>,
        %add3A_1134 = arith.constant 8 : i32
        %add3A_1135 = arith.addi %add3A_164, %add3A_1134 : i32
        %sub3A_1136 = arith.constant 1 : i32
        %sub3A_1137 = arith.subi %add3A_1135, %sub3A_1136 : i32
        %swap3A_1138 = arith.index_cast %sub3A_1137 : i32 to index
        %swap3A_1139 = arith.constant 64 : index
        %swap3A_1140 = tpu.vector_load %arg7[%swap3A_1138, %swap3A_1139] {strides = array<i32>} : memref<352x256xf32, #tpu.memory_space<vmem>>, vector<16xf32>,
        tpu.vector_store %arg7[%swap3A_1138, %swap3A_1139], %gather3A_1002 {strides = array<i32>} : memref<352x256xf32, #tpu.memory_space<vmem>>, vector<16xf32>,
        %gather3A_1141 = tpu.vector_load_idx %arg6[%gather3A_1100, %add3A_23] : memref<41x256xf32, #tpu.memory_space<vmem>>[vector<16xi32>, vector<16xi32>], vector<16xf32>,
        %add3A_1142 = arith.constant 8 : i32
        %add3A_1143 = arith.addi %add3A_164, %add3A_1142 : i32
        %sub3A_1144 = arith.constant 1 : i32
        %sub3A_1145 = arith.subi %add3A_1143, %sub3A_1144 : i32
        %swap3A_1146 = arith.index_cast %sub3A_1145 : i32 to index
        %swap3A_1147 = arith.constant 80 : index
        %swap3A_1148 = tpu.vector_load %arg7[%swap3A_1146, %swap3A_1147] {strides = array<i32>} : memref<352x256xf32, #tpu.memory_space<vmem>>, vector<16xf32>,
        tpu.vector_store %arg7[%swap3A_1146, %swap3A_1147], %gather3A_1010 {strides = array<i32>} : memref<352x256xf32, #tpu.memory_space<vmem>>, vector<16xf32>,
        %gather3A_1149 = tpu.vector_load_idx %arg6[%gather3A_1100, %add3A_26] : memref<41x256xf32, #tpu.memory_space<vmem>>[vector<16xi32>, vector<16xi32>], vector<16xf32>,
        %add3A_1150 = arith.constant 8 : i32
        %add3A_1151 = arith.addi %add3A_164, %add3A_1150 : i32
        %sub3A_1152 = arith.constant 1 : i32
        %sub3A_1153 = arith.subi %add3A_1151, %sub3A_1152 : i32
        %swap3A_1154 = arith.index_cast %sub3A_1153 : i32 to index
        %swap3A_1155 = arith.constant 96 : index
        %swap3A_1156 = tpu.vector_load %arg7[%swap3A_1154, %swap3A_1155] {strides = array<i32>} : memref<352x256xf32, #tpu.memory_space<vmem>>, vector<16xf32>,
        tpu.vector_store %arg7[%swap3A_1154, %swap3A_1155], %gather3A_1018 {strides = array<i32>} : memref<352x256xf32, #tpu.memory_space<vmem>>, vector<16xf32>,
        %gather3A_1157 = tpu.vector_load_idx %arg6[%gather3A_1100, %add3A_29] : memref<41x256xf32, #tpu.memory_space<vmem>>[vector<16xi32>, vector<16xi32>], vector<16xf32>,
        %add3A_1158 = arith.constant 8 : i32
        %add3A_1159 = arith.addi %add3A_164, %add3A_1158 : i32
        %sub3A_1160 = arith.constant 1 : i32
        %sub3A_1161 = arith.subi %add3A_1159, %sub3A_1160 : i32
        %swap3A_1162 = arith.index_cast %sub3A_1161 : i32 to index
        %swap3A_1163 = arith.constant 112 : index
        %swap3A_1164 = tpu.vector_load %arg7[%swap3A_1162, %swap3A_1163] {strides = array<i32>} : memref<352x256xf32, #tpu.memory_space<vmem>>, vector<16xf32>,
        tpu.vector_store %arg7[%swap3A_1162, %swap3A_1163], %gather3A_1026 {strides = array<i32>} : memref<352x256xf32, #tpu.memory_space<vmem>>, vector<16xf32>,
        %gather3A_1165 = tpu.vector_load_idx %arg6[%gather3A_1100, %add3A_32] : memref<41x256xf32, #tpu.memory_space<vmem>>[vector<16xi32>, vector<16xi32>], vector<16xf32>,
        %add3A_1166 = arith.constant 8 : i32
        %add3A_1167 = arith.addi %add3A_164, %add3A_1166 : i32
        %sub3A_1168 = arith.constant 1 : i32
        %sub3A_1169 = arith.subi %add3A_1167, %sub3A_1168 : i32
        %swap3A_1170 = arith.index_cast %sub3A_1169 : i32 to index
        %swap3A_1171 = arith.constant 128 : index
        %swap3A_1172 = tpu.vector_load %arg7[%swap3A_1170, %swap3A_1171] {strides = array<i32>} : memref<352x256xf32, #tpu.memory_space<vmem>>, vector<16xf32>,
        tpu.vector_store %arg7[%swap3A_1170, %swap3A_1171], %gather3A_1034 {strides = array<i32>} : memref<352x256xf32, #tpu.memory_space<vmem>>, vector<16xf32>,
        %gather3A_1173 = tpu.vector_load_idx %arg6[%gather3A_1100, %add3A_35] : memref<41x256xf32, #tpu.memory_space<vmem>>[vector<16xi32>, vector<16xi32>], vector<16xf32>,
        %add3A_1174 = arith.constant 8 : i32
        %add3A_1175 = arith.addi %add3A_164, %add3A_1174 : i32
        %sub3A_1176 = arith.constant 1 : i32
        %sub3A_1177 = arith.subi %add3A_1175, %sub3A_1176 : i32
        %swap3A_1178 = arith.index_cast %sub3A_1177 : i32 to index
        %swap3A_1179 = arith.constant 144 : index
        %swap3A_1180 = tpu.vector_load %arg7[%swap3A_1178, %swap3A_1179] {strides = array<i32>} : memref<352x256xf32, #tpu.memory_space<vmem>>, vector<16xf32>,
        tpu.vector_store %arg7[%swap3A_1178, %swap3A_1179], %gather3A_1042 {strides = array<i32>} : memref<352x256xf32, #tpu.memory_space<vmem>>, vector<16xf32>,
        %gather3A_1181 = tpu.vector_load_idx %arg6[%gather3A_1100, %add3A_38] : memref<41x256xf32, #tpu.memory_space<vmem>>[vector<16xi32>, vector<16xi32>], vector<16xf32>,
        %add3A_1182 = arith.constant 8 : i32
        %add3A_1183 = arith.addi %add3A_164, %add3A_1182 : i32
        %sub3A_1184 = arith.constant 1 : i32
        %sub3A_1185 = arith.subi %add3A_1183, %sub3A_1184 : i32
        %swap3A_1186 = arith.index_cast %sub3A_1185 : i32 to index
        %swap3A_1187 = arith.constant 160 : index
        %swap3A_1188 = tpu.vector_load %arg7[%swap3A_1186, %swap3A_1187] {strides = array<i32>} : memref<352x256xf32, #tpu.memory_space<vmem>>, vector<16xf32>,
        tpu.vector_store %arg7[%swap3A_1186, %swap3A_1187], %gather3A_1050 {strides = array<i32>} : memref<352x256xf32, #tpu.memory_space<vmem>>, vector<16xf32>,
        %gather3A_1189 = tpu.vector_load_idx %arg6[%gather3A_1100, %add3A_41] : memref<41x256xf32, #tpu.memory_space<vmem>>[vector<16xi32>, vector<16xi32>], vector<16xf32>,
        %add3A_1190 = arith.constant 8 : i32
        %add3A_1191 = arith.addi %add3A_164, %add3A_1190 : i32
        %sub3A_1192 = arith.constant 1 : i32
        %sub3A_1193 = arith.subi %add3A_1191, %sub3A_1192 : i32
        %swap3A_1194 = arith.index_cast %sub3A_1193 : i32 to index
        %swap3A_1195 = arith.constant 176 : index
        %swap3A_1196 = tpu.vector_load %arg7[%swap3A_1194, %swap3A_1195] {strides = array<i32>} : memref<352x256xf32, #tpu.memory_space<vmem>>, vector<16xf32>,
        tpu.vector_store %arg7[%swap3A_1194, %swap3A_1195], %gather3A_1058 {strides = array<i32>} : memref<352x256xf32, #tpu.memory_space<vmem>>, vector<16xf32>,
        %gather3A_1197 = tpu.vector_load_idx %arg6[%gather3A_1100, %add3A_44] : memref<41x256xf32, #tpu.memory_space<vmem>>[vector<16xi32>, vector<16xi32>], vector<16xf32>,
        %add3A_1198 = arith.constant 8 : i32
        %add3A_1199 = arith.addi %add3A_164, %add3A_1198 : i32
        %sub3A_1200 = arith.constant 1 : i32
        %sub3A_1201 = arith.subi %add3A_1199, %sub3A_1200 : i32
        %swap3A_1202 = arith.index_cast %sub3A_1201 : i32 to index
        %swap3A_1203 = arith.constant 192 : index
        %swap3A_1204 = tpu.vector_load %arg7[%swap3A_1202, %swap3A_1203] {strides = array<i32>} : memref<352x256xf32, #tpu.memory_space<vmem>>, vector<16xf32>,
        tpu.vector_store %arg7[%swap3A_1202, %swap3A_1203], %gather3A_1066 {strides = array<i32>} : memref<352x256xf32, #tpu.memory_space<vmem>>, vector<16xf32>,
        %gather3A_1205 = tpu.vector_load_idx %arg6[%gather3A_1100, %add3A_47] : memref<41x256xf32, #tpu.memory_space<vmem>>[vector<16xi32>, vector<16xi32>], vector<16xf32>,
        %add3A_1206 = arith.constant 8 : i32
        %add3A_1207 = arith.addi %add3A_164, %add3A_1206 : i32
        %sub3A_1208 = arith.constant 1 : i32
        %sub3A_1209 = arith.subi %add3A_1207, %sub3A_1208 : i32
        %swap3A_1210 = arith.index_cast %sub3A_1209 : i32 to index
        %swap3A_1211 = arith.constant 208 : index
        %swap3A_1212 = tpu.vector_load %arg7[%swap3A_1210, %swap3A_1211] {strides = array<i32>} : memref<352x256xf32, #tpu.memory_space<vmem>>, vector<16xf32>,
        tpu.vector_store %arg7[%swap3A_1210, %swap3A_1211], %gather3A_1074 {strides = array<i32>} : memref<352x256xf32, #tpu.memory_space<vmem>>, vector<16xf32>,
        %gather3A_1213 = tpu.vector_load_idx %arg6[%gather3A_1100, %add3A_50] : memref<41x256xf32, #tpu.memory_space<vmem>>[vector<16xi32>, vector<16xi32>], vector<16xf32>,
        %add3A_1214 = arith.constant 8 : i32
        %add3A_1215 = arith.addi %add3A_164, %add3A_1214 : i32
        %sub3A_1216 = arith.constant 1 : i32
        %sub3A_1217 = arith.subi %add3A_1215, %sub3A_1216 : i32
        %swap3A_1218 = arith.index_cast %sub3A_1217 : i32 to index
        %swap3A_1219 = arith.constant 224 : index
        %swap3A_1220 = tpu.vector_load %arg7[%swap3A_1218, %swap3A_1219] {strides = array<i32>} : memref<352x256xf32, #tpu.memory_space<vmem>>, vector<16xf32>,
        tpu.vector_store %arg7[%swap3A_1218, %swap3A_1219], %gather3A_1082 {strides = array<i32>} : memref<352x256xf32, #tpu.memory_space<vmem>>, vector<16xf32>,
        %gather3A_1221 = tpu.vector_load_idx %arg6[%gather3A_1100, %add3A_53] : memref<41x256xf32, #tpu.memory_space<vmem>>[vector<16xi32>, vector<16xi32>], vector<16xf32>,
        %add3A_1222 = arith.constant 8 : i32
        %add3A_1223 = arith.addi %add3A_164, %add3A_1222 : i32
        %sub3A_1224 = arith.constant 1 : i32
        %sub3A_1225 = arith.subi %add3A_1223, %sub3A_1224 : i32
        %swap3A_1226 = arith.index_cast %sub3A_1225 : i32 to index
        %swap3A_1227 = arith.constant 240 : index
        %swap3A_1228 = tpu.vector_load %arg7[%swap3A_1226, %swap3A_1227] {strides = array<i32>} : memref<352x256xf32, #tpu.memory_space<vmem>>, vector<16xf32>,
        tpu.vector_store %arg7[%swap3A_1226, %swap3A_1227], %gather3A_1090 {strides = array<i32>} : memref<352x256xf32, #tpu.memory_space<vmem>>, vector<16xf32>,
        %broadcast_in_dim3A_1229 = vector.shape_cast %broadcast_in_dim3A_72 : vector<16xi32> to vector<16x1xi32>
        %gather3A_1230 = vector.shape_cast %broadcast_in_dim3A_1229 : vector<16x1xi32> to vector<16xi32>
        %gather3A_1231 = tpu.dynamic_gather %get3A_159[%gather3A_1230] in [0] : vector<16xi32>, vector<16xi32> -> vector<16xi32>
        %gather3A_1232 = tpu.vector_load_idx %arg6[%gather3A_1231, %add3A_8] : memref<41x256xf32, #tpu.memory_space<vmem>>[vector<16xi32>, vector<16xi32>], vector<16xf32>,
        %add3A_1233 = arith.constant 9 : i32
        %add3A_1234 = arith.addi %add3A_164, %add3A_1233 : i32
        %sub3A_1235 = arith.constant 1 : i32
        %sub3A_1236 = arith.subi %add3A_1234, %sub3A_1235 : i32
        %swap3A_1237 = arith.index_cast %sub3A_1236 : i32 to index
        %swap3A_1238 = arith.constant 0 : index
        %swap3A_1239 = tpu.vector_load %arg7[%swap3A_1237, %swap3A_1238] {strides = array<i32>} : memref<352x256xf32, #tpu.memory_space<vmem>>, vector<16xf32>,
        tpu.vector_store %arg7[%swap3A_1237, %swap3A_1238], %gather3A_1101 {strides = array<i32>} : memref<352x256xf32, #tpu.memory_space<vmem>>, vector<16xf32>,
        %gather3A_1240 = tpu.vector_load_idx %arg6[%gather3A_1231, %add3A_11] : memref<41x256xf32, #tpu.memory_space<vmem>>[vector<16xi32>, vector<16xi32>], vector<16xf32>,
        %add3A_1241 = arith.constant 9 : i32
        %add3A_1242 = arith.addi %add3A_164, %add3A_1241 : i32
        %sub3A_1243 = arith.constant 1 : i32
        %sub3A_1244 = arith.subi %add3A_1242, %sub3A_1243 : i32
        %swap3A_1245 = arith.index_cast %sub3A_1244 : i32 to index
        %swap3A_1246 = arith.constant 16 : index
        %swap3A_1247 = tpu.vector_load %arg7[%swap3A_1245, %swap3A_1246] {strides = array<i32>} : memref<352x256xf32, #tpu.memory_space<vmem>>, vector<16xf32>,
        tpu.vector_store %arg7[%swap3A_1245, %swap3A_1246], %gather3A_1109 {strides = array<i32>} : memref<352x256xf32, #tpu.memory_space<vmem>>, vector<16xf32>,
        %gather3A_1248 = tpu.vector_load_idx %arg6[%gather3A_1231, %add3A_14] : memref<41x256xf32, #tpu.memory_space<vmem>>[vector<16xi32>, vector<16xi32>], vector<16xf32>,
        %add3A_1249 = arith.constant 9 : i32
        %add3A_1250 = arith.addi %add3A_164, %add3A_1249 : i32
        %sub3A_1251 = arith.constant 1 : i32
        %sub3A_1252 = arith.subi %add3A_1250, %sub3A_1251 : i32
        %swap3A_1253 = arith.index_cast %sub3A_1252 : i32 to index
        %swap3A_1254 = arith.constant 32 : index
        %swap3A_1255 = tpu.vector_load %arg7[%swap3A_1253, %swap3A_1254] {strides = array<i32>} : memref<352x256xf32, #tpu.memory_space<vmem>>, vector<16xf32>,
        tpu.vector_store %arg7[%swap3A_1253, %swap3A_1254], %gather3A_1117 {strides = array<i32>} : memref<352x256xf32, #tpu.memory_space<vmem>>, vector<16xf32>,
        %gather3A_1256 = tpu.vector_load_idx %arg6[%gather3A_1231, %add3A_17] : memref<41x256xf32, #tpu.memory_space<vmem>>[vector<16xi32>, vector<16xi32>], vector<16xf32>,
        %add3A_1257 = arith.constant 9 : i32
        %add3A_1258 = arith.addi %add3A_164, %add3A_1257 : i32
        %sub3A_1259 = arith.constant 1 : i32
        %sub3A_1260 = arith.subi %add3A_1258, %sub3A_1259 : i32
        %swap3A_1261 = arith.index_cast %sub3A_1260 : i32 to index
        %swap3A_1262 = arith.constant 48 : index
        %swap3A_1263 = tpu.vector_load %arg7[%swap3A_1261, %swap3A_1262] {strides = array<i32>} : memref<352x256xf32, #tpu.memory_space<vmem>>, vector<16xf32>,
        tpu.vector_store %arg7[%swap3A_1261, %swap3A_1262], %gather3A_1125 {strides = array<i32>} : memref<352x256xf32, #tpu.memory_space<vmem>>, vector<16xf32>,
        %gather3A_1264 = tpu.vector_load_idx %arg6[%gather3A_1231, %add3A_20] : memref<41x256xf32, #tpu.memory_space<vmem>>[vector<16xi32>, vector<16xi32>], vector<16xf32>,
        %add3A_1265 = arith.constant 9 : i32
        %add3A_1266 = arith.addi %add3A_164, %add3A_1265 : i32
        %sub3A_1267 = arith.constant 1 : i32
        %sub3A_1268 = arith.subi %add3A_1266, %sub3A_1267 : i32
        %swap3A_1269 = arith.index_cast %sub3A_1268 : i32 to index
        %swap3A_1270 = arith.constant 64 : index
        %swap3A_1271 = tpu.vector_load %arg7[%swap3A_1269, %swap3A_1270] {strides = array<i32>} : memref<352x256xf32, #tpu.memory_space<vmem>>, vector<16xf32>,
        tpu.vector_store %arg7[%swap3A_1269, %swap3A_1270], %gather3A_1133 {strides = array<i32>} : memref<352x256xf32, #tpu.memory_space<vmem>>, vector<16xf32>,
        %gather3A_1272 = tpu.vector_load_idx %arg6[%gather3A_1231, %add3A_23] : memref<41x256xf32, #tpu.memory_space<vmem>>[vector<16xi32>, vector<16xi32>], vector<16xf32>,
        %add3A_1273 = arith.constant 9 : i32
        %add3A_1274 = arith.addi %add3A_164, %add3A_1273 : i32
        %sub3A_1275 = arith.constant 1 : i32
        %sub3A_1276 = arith.subi %add3A_1274, %sub3A_1275 : i32
        %swap3A_1277 = arith.index_cast %sub3A_1276 : i32 to index
        %swap3A_1278 = arith.constant 80 : index
        %swap3A_1279 = tpu.vector_load %arg7[%swap3A_1277, %swap3A_1278] {strides = array<i32>} : memref<352x256xf32, #tpu.memory_space<vmem>>, vector<16xf32>,
        tpu.vector_store %arg7[%swap3A_1277, %swap3A_1278], %gather3A_1141 {strides = array<i32>} : memref<352x256xf32, #tpu.memory_space<vmem>>, vector<16xf32>,
        %gather3A_1280 = tpu.vector_load_idx %arg6[%gather3A_1231, %add3A_26] : memref<41x256xf32, #tpu.memory_space<vmem>>[vector<16xi32>, vector<16xi32>], vector<16xf32>,
        %add3A_1281 = arith.constant 9 : i32
        %add3A_1282 = arith.addi %add3A_164, %add3A_1281 : i32
        %sub3A_1283 = arith.constant 1 : i32
        %sub3A_1284 = arith.subi %add3A_1282, %sub3A_1283 : i32
        %swap3A_1285 = arith.index_cast %sub3A_1284 : i32 to index
        %swap3A_1286 = arith.constant 96 : index
        %swap3A_1287 = tpu.vector_load %arg7[%swap3A_1285, %swap3A_1286] {strides = array<i32>} : memref<352x256xf32, #tpu.memory_space<vmem>>, vector<16xf32>,
        tpu.vector_store %arg7[%swap3A_1285, %swap3A_1286], %gather3A_1149 {strides = array<i32>} : memref<352x256xf32, #tpu.memory_space<vmem>>, vector<16xf32>,
        %gather3A_1288 = tpu.vector_load_idx %arg6[%gather3A_1231, %add3A_29] : memref<41x256xf32, #tpu.memory_space<vmem>>[vector<16xi32>, vector<16xi32>], vector<16xf32>,
        %add3A_1289 = arith.constant 9 : i32
        %add3A_1290 = arith.addi %add3A_164, %add3A_1289 : i32
        %sub3A_1291 = arith.constant 1 : i32
        %sub3A_1292 = arith.subi %add3A_1290, %sub3A_1291 : i32
        %swap3A_1293 = arith.index_cast %sub3A_1292 : i32 to index
        %swap3A_1294 = arith.constant 112 : index
        %swap3A_1295 = tpu.vector_load %arg7[%swap3A_1293, %swap3A_1294] {strides = array<i32>} : memref<352x256xf32, #tpu.memory_space<vmem>>, vector<16xf32>,
        tpu.vector_store %arg7[%swap3A_1293, %swap3A_1294], %gather3A_1157 {strides = array<i32>} : memref<352x256xf32, #tpu.memory_space<vmem>>, vector<16xf32>,
        %gather3A_1296 = tpu.vector_load_idx %arg6[%gather3A_1231, %add3A_32] : memref<41x256xf32, #tpu.memory_space<vmem>>[vector<16xi32>, vector<16xi32>], vector<16xf32>,
        %add3A_1297 = arith.constant 9 : i32
        %add3A_1298 = arith.addi %add3A_164, %add3A_1297 : i32
        %sub3A_1299 = arith.constant 1 : i32
        %sub3A_1300 = arith.subi %add3A_1298, %sub3A_1299 : i32
        %swap3A_1301 = arith.index_cast %sub3A_1300 : i32 to index
        %swap3A_1302 = arith.constant 128 : index
        %swap3A_1303 = tpu.vector_load %arg7[%swap3A_1301, %swap3A_1302] {strides = array<i32>} : memref<352x256xf32, #tpu.memory_space<vmem>>, vector<16xf32>,
        tpu.vector_store %arg7[%swap3A_1301, %swap3A_1302], %gather3A_1165 {strides = array<i32>} : memref<352x256xf32, #tpu.memory_space<vmem>>, vector<16xf32>,
        %gather3A_1304 = tpu.vector_load_idx %arg6[%gather3A_1231, %add3A_35] : memref<41x256xf32, #tpu.memory_space<vmem>>[vector<16xi32>, vector<16xi32>], vector<16xf32>,
        %add3A_1305 = arith.constant 9 : i32
        %add3A_1306 = arith.addi %add3A_164, %add3A_1305 : i32
        %sub3A_1307 = arith.constant 1 : i32
        %sub3A_1308 = arith.subi %add3A_1306, %sub3A_1307 : i32
        %swap3A_1309 = arith.index_cast %sub3A_1308 : i32 to index
        %swap3A_1310 = arith.constant 144 : index
        %swap3A_1311 = tpu.vector_load %arg7[%swap3A_1309, %swap3A_1310] {strides = array<i32>} : memref<352x256xf32, #tpu.memory_space<vmem>>, vector<16xf32>,
        tpu.vector_store %arg7[%swap3A_1309, %swap3A_1310], %gather3A_1173 {strides = array<i32>} : memref<352x256xf32, #tpu.memory_space<vmem>>, vector<16xf32>,
        %gather3A_1312 = tpu.vector_load_idx %arg6[%gather3A_1231, %add3A_38] : memref<41x256xf32, #tpu.memory_space<vmem>>[vector<16xi32>, vector<16xi32>], vector<16xf32>,
        %add3A_1313 = arith.constant 9 : i32
        %add3A_1314 = arith.addi %add3A_164, %add3A_1313 : i32
        %sub3A_1315 = arith.constant 1 : i32
        %sub3A_1316 = arith.subi %add3A_1314, %sub3A_1315 : i32
        %swap3A_1317 = arith.index_cast %sub3A_1316 : i32 to index
        %swap3A_1318 = arith.constant 160 : index
        %swap3A_1319 = tpu.vector_load %arg7[%swap3A_1317, %swap3A_1318] {strides = array<i32>} : memref<352x256xf32, #tpu.memory_space<vmem>>, vector<16xf32>,
        tpu.vector_store %arg7[%swap3A_1317, %swap3A_1318], %gather3A_1181 {strides = array<i32>} : memref<352x256xf32, #tpu.memory_space<vmem>>, vector<16xf32>,
        %gather3A_1320 = tpu.vector_load_idx %arg6[%gather3A_1231, %add3A_41] : memref<41x256xf32, #tpu.memory_space<vmem>>[vector<16xi32>, vector<16xi32>], vector<16xf32>,
        %add3A_1321 = arith.constant 9 : i32
        %add3A_1322 = arith.addi %add3A_164, %add3A_1321 : i32
        %sub3A_1323 = arith.constant 1 : i32
        %sub3A_1324 = arith.subi %add3A_1322, %sub3A_1323 : i32
        %swap3A_1325 = arith.index_cast %sub3A_1324 : i32 to index
        %swap3A_1326 = arith.constant 176 : index
        %swap3A_1327 = tpu.vector_load %arg7[%swap3A_1325, %swap3A_1326] {strides = array<i32>} : memref<352x256xf32, #tpu.memory_space<vmem>>, vector<16xf32>,
        tpu.vector_store %arg7[%swap3A_1325, %swap3A_1326], %gather3A_1189 {strides = array<i32>} : memref<352x256xf32, #tpu.memory_space<vmem>>, vector<16xf32>,
        %gather3A_1328 = tpu.vector_load_idx %arg6[%gather3A_1231, %add3A_44] : memref<41x256xf32, #tpu.memory_space<vmem>>[vector<16xi32>, vector<16xi32>], vector<16xf32>,
        %add3A_1329 = arith.constant 9 : i32
        %add3A_1330 = arith.addi %add3A_164, %add3A_1329 : i32
        %sub3A_1331 = arith.constant 1 : i32
        %sub3A_1332 = arith.subi %add3A_1330, %sub3A_1331 : i32
        %swap3A_1333 = arith.index_cast %sub3A_1332 : i32 to index
        %swap3A_1334 = arith.constant 192 : index
        %swap3A_1335 = tpu.vector_load %arg7[%swap3A_1333, %swap3A_1334] {strides = array<i32>} : memref<352x256xf32, #tpu.memory_space<vmem>>, vector<16xf32>,
        tpu.vector_store %arg7[%swap3A_1333, %swap3A_1334], %gather3A_1197 {strides = array<i32>} : memref<352x256xf32, #tpu.memory_space<vmem>>, vector<16xf32>,
        %gather3A_1336 = tpu.vector_load_idx %arg6[%gather3A_1231, %add3A_47] : memref<41x256xf32, #tpu.memory_space<vmem>>[vector<16xi32>, vector<16xi32>], vector<16xf32>,
        %add3A_1337 = arith.constant 9 : i32
        %add3A_1338 = arith.addi %add3A_164, %add3A_1337 : i32
        %sub3A_1339 = arith.constant 1 : i32
        %sub3A_1340 = arith.subi %add3A_1338, %sub3A_1339 : i32
        %swap3A_1341 = arith.index_cast %sub3A_1340 : i32 to index
        %swap3A_1342 = arith.constant 208 : index
        %swap3A_1343 = tpu.vector_load %arg7[%swap3A_1341, %swap3A_1342] {strides = array<i32>} : memref<352x256xf32, #tpu.memory_space<vmem>>, vector<16xf32>,
        tpu.vector_store %arg7[%swap3A_1341, %swap3A_1342], %gather3A_1205 {strides = array<i32>} : memref<352x256xf32, #tpu.memory_space<vmem>>, vector<16xf32>,
        %gather3A_1344 = tpu.vector_load_idx %arg6[%gather3A_1231, %add3A_50] : memref<41x256xf32, #tpu.memory_space<vmem>>[vector<16xi32>, vector<16xi32>], vector<16xf32>,
        %add3A_1345 = arith.constant 9 : i32
        %add3A_1346 = arith.addi %add3A_164, %add3A_1345 : i32
        %sub3A_1347 = arith.constant 1 : i32
        %sub3A_1348 = arith.subi %add3A_1346, %sub3A_1347 : i32
        %swap3A_1349 = arith.index_cast %sub3A_1348 : i32 to index
        %swap3A_1350 = arith.constant 224 : index
        %swap3A_1351 = tpu.vector_load %arg7[%swap3A_1349, %swap3A_1350] {strides = array<i32>} : memref<352x256xf32, #tpu.memory_space<vmem>>, vector<16xf32>,
        tpu.vector_store %arg7[%swap3A_1349, %swap3A_1350], %gather3A_1213 {strides = array<i32>} : memref<352x256xf32, #tpu.memory_space<vmem>>, vector<16xf32>,
        %gather3A_1352 = tpu.vector_load_idx %arg6[%gather3A_1231, %add3A_53] : memref<41x256xf32, #tpu.memory_space<vmem>>[vector<16xi32>, vector<16xi32>], vector<16xf32>,
        %add3A_1353 = arith.constant 9 : i32
        %add3A_1354 = arith.addi %add3A_164, %add3A_1353 : i32
        %sub3A_1355 = arith.constant 1 : i32
        %sub3A_1356 = arith.subi %add3A_1354, %sub3A_1355 : i32
        %swap3A_1357 = arith.index_cast %sub3A_1356 : i32 to index
        %swap3A_1358 = arith.constant 240 : index
        %swap3A_1359 = tpu.vector_load %arg7[%swap3A_1357, %swap3A_1358] {strides = array<i32>} : memref<352x256xf32, #tpu.memory_space<vmem>>, vector<16xf32>,
        tpu.vector_store %arg7[%swap3A_1357, %swap3A_1358], %gather3A_1221 {strides = array<i32>} : memref<352x256xf32, #tpu.memory_space<vmem>>, vector<16xf32>,
        %broadcast_in_dim3A_1360 = vector.shape_cast %broadcast_in_dim3A_74 : vector<16xi32> to vector<16x1xi32>
        %gather3A_1361 = vector.shape_cast %broadcast_in_dim3A_1360 : vector<16x1xi32> to vector<16xi32>
        %gather3A_1362 = tpu.dynamic_gather %get3A_159[%gather3A_1361] in [0] : vector<16xi32>, vector<16xi32> -> vector<16xi32>
        %gather3A_1363 = tpu.vector_load_idx %arg6[%gather3A_1362, %add3A_8] : memref<41x256xf32, #tpu.memory_space<vmem>>[vector<16xi32>, vector<16xi32>], vector<16xf32>,
        %add3A_1364 = arith.constant 10 : i32
        %add3A_1365 = arith.addi %add3A_164, %add3A_1364 : i32
        %sub3A_1366 = arith.constant 1 : i32
        %sub3A_1367 = arith.subi %add3A_1365, %sub3A_1366 : i32
        %swap3A_1368 = arith.index_cast %sub3A_1367 : i32 to index
        %swap3A_1369 = arith.constant 0 : index
        %swap3A_1370 = tpu.vector_load %arg7[%swap3A_1368, %swap3A_1369] {strides = array<i32>} : memref<352x256xf32, #tpu.memory_space<vmem>>, vector<16xf32>,
        tpu.vector_store %arg7[%swap3A_1368, %swap3A_1369], %gather3A_1232 {strides = array<i32>} : memref<352x256xf32, #tpu.memory_space<vmem>>, vector<16xf32>,
        %gather3A_1371 = tpu.vector_load_idx %arg6[%gather3A_1362, %add3A_11] : memref<41x256xf32, #tpu.memory_space<vmem>>[vector<16xi32>, vector<16xi32>], vector<16xf32>,
        %add3A_1372 = arith.constant 10 : i32
        %add3A_1373 = arith.addi %add3A_164, %add3A_1372 : i32
        %sub3A_1374 = arith.constant 1 : i32
        %sub3A_1375 = arith.subi %add3A_1373, %sub3A_1374 : i32
        %swap3A_1376 = arith.index_cast %sub3A_1375 : i32 to index
        %swap3A_1377 = arith.constant 16 : index
        %swap3A_1378 = tpu.vector_load %arg7[%swap3A_1376, %swap3A_1377] {strides = array<i32>} : memref<352x256xf32, #tpu.memory_space<vmem>>, vector<16xf32>,
        tpu.vector_store %arg7[%swap3A_1376, %swap3A_1377], %gather3A_1240 {strides = array<i32>} : memref<352x256xf32, #tpu.memory_space<vmem>>, vector<16xf32>,
        %gather3A_1379 = tpu.vector_load_idx %arg6[%gather3A_1362, %add3A_14] : memref<41x256xf32, #tpu.memory_space<vmem>>[vector<16xi32>, vector<16xi32>], vector<16xf32>,
        %add3A_1380 = arith.constant 10 : i32
        %add3A_1381 = arith.addi %add3A_164, %add3A_1380 : i32
        %sub3A_1382 = arith.constant 1 : i32
        %sub3A_1383 = arith.subi %add3A_1381, %sub3A_1382 : i32
        %swap3A_1384 = arith.index_cast %sub3A_1383 : i32 to index
        %swap3A_1385 = arith.constant 32 : index
        %swap3A_1386 = tpu.vector_load %arg7[%swap3A_1384, %swap3A_1385] {strides = array<i32>} : memref<352x256xf32, #tpu.memory_space<vmem>>, vector<16xf32>,
        tpu.vector_store %arg7[%swap3A_1384, %swap3A_1385], %gather3A_1248 {strides = array<i32>} : memref<352x256xf32, #tpu.memory_space<vmem>>, vector<16xf32>,
        %gather3A_1387 = tpu.vector_load_idx %arg6[%gather3A_1362, %add3A_17] : memref<41x256xf32, #tpu.memory_space<vmem>>[vector<16xi32>, vector<16xi32>], vector<16xf32>,
        %add3A_1388 = arith.constant 10 : i32
        %add3A_1389 = arith.addi %add3A_164, %add3A_1388 : i32
        %sub3A_1390 = arith.constant 1 : i32
        %sub3A_1391 = arith.subi %add3A_1389, %sub3A_1390 : i32
        %swap3A_1392 = arith.index_cast %sub3A_1391 : i32 to index
        %swap3A_1393 = arith.constant 48 : index
        %swap3A_1394 = tpu.vector_load %arg7[%swap3A_1392, %swap3A_1393] {strides = array<i32>} : memref<352x256xf32, #tpu.memory_space<vmem>>, vector<16xf32>,
        tpu.vector_store %arg7[%swap3A_1392, %swap3A_1393], %gather3A_1256 {strides = array<i32>} : memref<352x256xf32, #tpu.memory_space<vmem>>, vector<16xf32>,
        %gather3A_1395 = tpu.vector_load_idx %arg6[%gather3A_1362, %add3A_20] : memref<41x256xf32, #tpu.memory_space<vmem>>[vector<16xi32>, vector<16xi32>], vector<16xf32>,
        %add3A_1396 = arith.constant 10 : i32
        %add3A_1397 = arith.addi %add3A_164, %add3A_1396 : i32
        %sub3A_1398 = arith.constant 1 : i32
        %sub3A_1399 = arith.subi %add3A_1397, %sub3A_1398 : i32
        %swap3A_1400 = arith.index_cast %sub3A_1399 : i32 to index
        %swap3A_1401 = arith.constant 64 : index
        %swap3A_1402 = tpu.vector_load %arg7[%swap3A_1400, %swap3A_1401] {strides = array<i32>} : memref<352x256xf32, #tpu.memory_space<vmem>>, vector<16xf32>,
        tpu.vector_store %arg7[%swap3A_1400, %swap3A_1401], %gather3A_1264 {strides = array<i32>} : memref<352x256xf32, #tpu.memory_space<vmem>>, vector<16xf32>,
        %gather3A_1403 = tpu.vector_load_idx %arg6[%gather3A_1362, %add3A_23] : memref<41x256xf32, #tpu.memory_space<vmem>>[vector<16xi32>, vector<16xi32>], vector<16xf32>,
        %add3A_1404 = arith.constant 10 : i32
        %add3A_1405 = arith.addi %add3A_164, %add3A_1404 : i32
        %sub3A_1406 = arith.constant 1 : i32
        %sub3A_1407 = arith.subi %add3A_1405, %sub3A_1406 : i32
        %swap3A_1408 = arith.index_cast %sub3A_1407 : i32 to index
        %swap3A_1409 = arith.constant 80 : index
        %swap3A_1410 = tpu.vector_load %arg7[%swap3A_1408, %swap3A_1409] {strides = array<i32>} : memref<352x256xf32, #tpu.memory_space<vmem>>, vector<16xf32>,
        tpu.vector_store %arg7[%swap3A_1408, %swap3A_1409], %gather3A_1272 {strides = array<i32>} : memref<352x256xf32, #tpu.memory_space<vmem>>, vector<16xf32>,
        %gather3A_1411 = tpu.vector_load_idx %arg6[%gather3A_1362, %add3A_26] : memref<41x256xf32, #tpu.memory_space<vmem>>[vector<16xi32>, vector<16xi32>], vector<16xf32>,
        %add3A_1412 = arith.constant 10 : i32
        %add3A_1413 = arith.addi %add3A_164, %add3A_1412 : i32
        %sub3A_1414 = arith.constant 1 : i32
        %sub3A_1415 = arith.subi %add3A_1413, %sub3A_1414 : i32
        %swap3A_1416 = arith.index_cast %sub3A_1415 : i32 to index
        %swap3A_1417 = arith.constant 96 : index
        %swap3A_1418 = tpu.vector_load %arg7[%swap3A_1416, %swap3A_1417] {strides = array<i32>} : memref<352x256xf32, #tpu.memory_space<vmem>>, vector<16xf32>,
        tpu.vector_store %arg7[%swap3A_1416, %swap3A_1417], %gather3A_1280 {strides = array<i32>} : memref<352x256xf32, #tpu.memory_space<vmem>>, vector<16xf32>,
        %gather3A_1419 = tpu.vector_load_idx %arg6[%gather3A_1362, %add3A_29] : memref<41x256xf32, #tpu.memory_space<vmem>>[vector<16xi32>, vector<16xi32>], vector<16xf32>,
        %add3A_1420 = arith.constant 10 : i32
        %add3A_1421 = arith.addi %add3A_164, %add3A_1420 : i32
        %sub3A_1422 = arith.constant 1 : i32
        %sub3A_1423 = arith.subi %add3A_1421, %sub3A_1422 : i32
        %swap3A_1424 = arith.index_cast %sub3A_1423 : i32 to index
        %swap3A_1425 = arith.constant 112 : index
        %swap3A_1426 = tpu.vector_load %arg7[%swap3A_1424, %swap3A_1425] {strides = array<i32>} : memref<352x256xf32, #tpu.memory_space<vmem>>, vector<16xf32>,
        tpu.vector_store %arg7[%swap3A_1424, %swap3A_1425], %gather3A_1288 {strides = array<i32>} : memref<352x256xf32, #tpu.memory_space<vmem>>, vector<16xf32>,
        %gather3A_1427 = tpu.vector_load_idx %arg6[%gather3A_1362, %add3A_32] : memref<41x256xf32, #tpu.memory_space<vmem>>[vector<16xi32>, vector<16xi32>], vector<16xf32>,
        %add3A_1428 = arith.constant 10 : i32
        %add3A_1429 = arith.addi %add3A_164, %add3A_1428 : i32
        %sub3A_1430 = arith.constant 1 : i32
        %sub3A_1431 = arith.subi %add3A_1429, %sub3A_1430 : i32
        %swap3A_1432 = arith.index_cast %sub3A_1431 : i32 to index
        %swap3A_1433 = arith.constant 128 : index
        %swap3A_1434 = tpu.vector_load %arg7[%swap3A_1432, %swap3A_1433] {strides = array<i32>} : memref<352x256xf32, #tpu.memory_space<vmem>>, vector<16xf32>,
        tpu.vector_store %arg7[%swap3A_1432, %swap3A_1433], %gather3A_1296 {strides = array<i32>} : memref<352x256xf32, #tpu.memory_space<vmem>>, vector<16xf32>,
        %gather3A_1435 = tpu.vector_load_idx %arg6[%gather3A_1362, %add3A_35] : memref<41x256xf32, #tpu.memory_space<vmem>>[vector<16xi32>, vector<16xi32>], vector<16xf32>,
        %add3A_1436 = arith.constant 10 : i32
        %add3A_1437 = arith.addi %add3A_164, %add3A_1436 : i32
        %sub3A_1438 = arith.constant 1 : i32
        %sub3A_1439 = arith.subi %add3A_1437, %sub3A_1438 : i32
        %swap3A_1440 = arith.index_cast %sub3A_1439 : i32 to index
        %swap3A_1441 = arith.constant 144 : index
        %swap3A_1442 = tpu.vector_load %arg7[%swap3A_1440, %swap3A_1441] {strides = array<i32>} : memref<352x256xf32, #tpu.memory_space<vmem>>, vector<16xf32>,
        tpu.vector_store %arg7[%swap3A_1440, %swap3A_1441], %gather3A_1304 {strides = array<i32>} : memref<352x256xf32, #tpu.memory_space<vmem>>, vector<16xf32>,
        %gather3A_1443 = tpu.vector_load_idx %arg6[%gather3A_1362, %add3A_38] : memref<41x256xf32, #tpu.memory_space<vmem>>[vector<16xi32>, vector<16xi32>], vector<16xf32>,
        %add3A_1444 = arith.constant 10 : i32
        %add3A_1445 = arith.addi %add3A_164, %add3A_1444 : i32
        %sub3A_1446 = arith.constant 1 : i32
        %sub3A_1447 = arith.subi %add3A_1445, %sub3A_1446 : i32
        %swap3A_1448 = arith.index_cast %sub3A_1447 : i32 to index
        %swap3A_1449 = arith.constant 160 : index
        %swap3A_1450 = tpu.vector_load %arg7[%swap3A_1448, %swap3A_1449] {strides = array<i32>} : memref<352x256xf32, #tpu.memory_space<vmem>>, vector<16xf32>,
        tpu.vector_store %arg7[%swap3A_1448, %swap3A_1449], %gather3A_1312 {strides = array<i32>} : memref<352x256xf32, #tpu.memory_space<vmem>>, vector<16xf32>,
        %gather3A_1451 = tpu.vector_load_idx %arg6[%gather3A_1362, %add3A_41] : memref<41x256xf32, #tpu.memory_space<vmem>>[vector<16xi32>, vector<16xi32>], vector<16xf32>,
        %add3A_1452 = arith.constant 10 : i32
        %add3A_1453 = arith.addi %add3A_164, %add3A_1452 : i32
        %sub3A_1454 = arith.constant 1 : i32
        %sub3A_1455 = arith.subi %add3A_1453, %sub3A_1454 : i32
        %swap3A_1456 = arith.index_cast %sub3A_1455 : i32 to index
        %swap3A_1457 = arith.constant 176 : index
        %swap3A_1458 = tpu.vector_load %arg7[%swap3A_1456, %swap3A_1457] {strides = array<i32>} : memref<352x256xf32, #tpu.memory_space<vmem>>, vector<16xf32>,
        tpu.vector_store %arg7[%swap3A_1456, %swap3A_1457], %gather3A_1320 {strides = array<i32>} : memref<352x256xf32, #tpu.memory_space<vmem>>, vector<16xf32>,
        %gather3A_1459 = tpu.vector_load_idx %arg6[%gather3A_1362, %add3A_44] : memref<41x256xf32, #tpu.memory_space<vmem>>[vector<16xi32>, vector<16xi32>], vector<16xf32>,
        %add3A_1460 = arith.constant 10 : i32
        %add3A_1461 = arith.addi %add3A_164, %add3A_1460 : i32
        %sub3A_1462 = arith.constant 1 : i32
        %sub3A_1463 = arith.subi %add3A_1461, %sub3A_1462 : i32
        %swap3A_1464 = arith.index_cast %sub3A_1463 : i32 to index
        %swap3A_1465 = arith.constant 192 : index
        %swap3A_1466 = tpu.vector_load %arg7[%swap3A_1464, %swap3A_1465] {strides = array<i32>} : memref<352x256xf32, #tpu.memory_space<vmem>>, vector<16xf32>,
        tpu.vector_store %arg7[%swap3A_1464, %swap3A_1465], %gather3A_1328 {strides = array<i32>} : memref<352x256xf32, #tpu.memory_space<vmem>>, vector<16xf32>,
        %gather3A_1467 = tpu.vector_load_idx %arg6[%gather3A_1362, %add3A_47] : memref<41x256xf32, #tpu.memory_space<vmem>>[vector<16xi32>, vector<16xi32>], vector<16xf32>,
        %add3A_1468 = arith.constant 10 : i32
        %add3A_1469 = arith.addi %add3A_164, %add3A_1468 : i32
        %sub3A_1470 = arith.constant 1 : i32
        %sub3A_1471 = arith.subi %add3A_1469, %sub3A_1470 : i32
        %swap3A_1472 = arith.index_cast %sub3A_1471 : i32 to index
        %swap3A_1473 = arith.constant 208 : index
        %swap3A_1474 = tpu.vector_load %arg7[%swap3A_1472, %swap3A_1473] {strides = array<i32>} : memref<352x256xf32, #tpu.memory_space<vmem>>, vector<16xf32>,
        tpu.vector_store %arg7[%swap3A_1472, %swap3A_1473], %gather3A_1336 {strides = array<i32>} : memref<352x256xf32, #tpu.memory_space<vmem>>, vector<16xf32>,
        %gather3A_1475 = tpu.vector_load_idx %arg6[%gather3A_1362, %add3A_50] : memref<41x256xf32, #tpu.memory_space<vmem>>[vector<16xi32>, vector<16xi32>], vector<16xf32>,
        %add3A_1476 = arith.constant 10 : i32
        %add3A_1477 = arith.addi %add3A_164, %add3A_1476 : i32
        %sub3A_1478 = arith.constant 1 : i32
        %sub3A_1479 = arith.subi %add3A_1477, %sub3A_1478 : i32
        %swap3A_1480 = arith.index_cast %sub3A_1479 : i32 to index
        %swap3A_1481 = arith.constant 224 : index
        %swap3A_1482 = tpu.vector_load %arg7[%swap3A_1480, %swap3A_1481] {strides = array<i32>} : memref<352x256xf32, #tpu.memory_space<vmem>>, vector<16xf32>,
        tpu.vector_store %arg7[%swap3A_1480, %swap3A_1481], %gather3A_1344 {strides = array<i32>} : memref<352x256xf32, #tpu.memory_space<vmem>>, vector<16xf32>,
        %gather3A_1483 = tpu.vector_load_idx %arg6[%gather3A_1362, %add3A_53] : memref<41x256xf32, #tpu.memory_space<vmem>>[vector<16xi32>, vector<16xi32>], vector<16xf32>,
        %add3A_1484 = arith.constant 10 : i32
        %add3A_1485 = arith.addi %add3A_164, %add3A_1484 : i32
        %sub3A_1486 = arith.constant 1 : i32
        %sub3A_1487 = arith.subi %add3A_1485, %sub3A_1486 : i32
        %swap3A_1488 = arith.index_cast %sub3A_1487 : i32 to index
        %swap3A_1489 = arith.constant 240 : index
        %swap3A_1490 = tpu.vector_load %arg7[%swap3A_1488, %swap3A_1489] {strides = array<i32>} : memref<352x256xf32, #tpu.memory_space<vmem>>, vector<16xf32>,
        tpu.vector_store %arg7[%swap3A_1488, %swap3A_1489], %gather3A_1352 {strides = array<i32>} : memref<352x256xf32, #tpu.memory_space<vmem>>, vector<16xf32>,
        %broadcast_in_dim3A_1491 = vector.shape_cast %broadcast_in_dim3A_76 : vector<16xi32> to vector<16x1xi32>
        %gather3A_1492 = vector.shape_cast %broadcast_in_dim3A_1491 : vector<16x1xi32> to vector<16xi32>
        %gather3A_1493 = tpu.dynamic_gather %get3A_159[%gather3A_1492] in [0] : vector<16xi32>, vector<16xi32> -> vector<16xi32>
        %gather3A_1494 = tpu.vector_load_idx %arg6[%gather3A_1493, %add3A_8] : memref<41x256xf32, #tpu.memory_space<vmem>>[vector<16xi32>, vector<16xi32>], vector<16xf32>,
        %add3A_1495 = arith.constant 11 : i32
        %add3A_1496 = arith.addi %add3A_164, %add3A_1495 : i32
        %sub3A_1497 = arith.constant 1 : i32
        %sub3A_1498 = arith.subi %add3A_1496, %sub3A_1497 : i32
        %swap3A_1499 = arith.index_cast %sub3A_1498 : i32 to index
        %swap3A_1500 = arith.constant 0 : index
        %swap3A_1501 = tpu.vector_load %arg7[%swap3A_1499, %swap3A_1500] {strides = array<i32>} : memref<352x256xf32, #tpu.memory_space<vmem>>, vector<16xf32>,
        tpu.vector_store %arg7[%swap3A_1499, %swap3A_1500], %gather3A_1363 {strides = array<i32>} : memref<352x256xf32, #tpu.memory_space<vmem>>, vector<16xf32>,
        %gather3A_1502 = tpu.vector_load_idx %arg6[%gather3A_1493, %add3A_11] : memref<41x256xf32, #tpu.memory_space<vmem>>[vector<16xi32>, vector<16xi32>], vector<16xf32>,
        %add3A_1503 = arith.constant 11 : i32
        %add3A_1504 = arith.addi %add3A_164, %add3A_1503 : i32
        %sub3A_1505 = arith.constant 1 : i32
        %sub3A_1506 = arith.subi %add3A_1504, %sub3A_1505 : i32
        %swap3A_1507 = arith.index_cast %sub3A_1506 : i32 to index
        %swap3A_1508 = arith.constant 16 : index
        %swap3A_1509 = tpu.vector_load %arg7[%swap3A_1507, %swap3A_1508] {strides = array<i32>} : memref<352x256xf32, #tpu.memory_space<vmem>>, vector<16xf32>,
        tpu.vector_store %arg7[%swap3A_1507, %swap3A_1508], %gather3A_1371 {strides = array<i32>} : memref<352x256xf32, #tpu.memory_space<vmem>>, vector<16xf32>,
        %gather3A_1510 = tpu.vector_load_idx %arg6[%gather3A_1493, %add3A_14] : memref<41x256xf32, #tpu.memory_space<vmem>>[vector<16xi32>, vector<16xi32>], vector<16xf32>,
        %add3A_1511 = arith.constant 11 : i32
        %add3A_1512 = arith.addi %add3A_164, %add3A_1511 : i32
        %sub3A_1513 = arith.constant 1 : i32
        %sub3A_1514 = arith.subi %add3A_1512, %sub3A_1513 : i32
        %swap3A_1515 = arith.index_cast %sub3A_1514 : i32 to index
        %swap3A_1516 = arith.constant 32 : index
        %swap3A_1517 = tpu.vector_load %arg7[%swap3A_1515, %swap3A_1516] {strides = array<i32>} : memref<352x256xf32, #tpu.memory_space<vmem>>, vector<16xf32>,
        tpu.vector_store %arg7[%swap3A_1515, %swap3A_1516], %gather3A_1379 {strides = array<i32>} : memref<352x256xf32, #tpu.memory_space<vmem>>, vector<16xf32>,
        %gather3A_1518 = tpu.vector_load_idx %arg6[%gather3A_1493, %add3A_17] : memref<41x256xf32, #tpu.memory_space<vmem>>[vector<16xi32>, vector<16xi32>], vector<16xf32>,
        %add3A_1519 = arith.constant 11 : i32
        %add3A_1520 = arith.addi %add3A_164, %add3A_1519 : i32
        %sub3A_1521 = arith.constant 1 : i32
        %sub3A_1522 = arith.subi %add3A_1520, %sub3A_1521 : i32
        %swap3A_1523 = arith.index_cast %sub3A_1522 : i32 to index
        %swap3A_1524 = arith.constant 48 : index
        %swap3A_1525 = tpu.vector_load %arg7[%swap3A_1523, %swap3A_1524] {strides = array<i32>} : memref<352x256xf32, #tpu.memory_space<vmem>>, vector<16xf32>,
        tpu.vector_store %arg7[%swap3A_1523, %swap3A_1524], %gather3A_1387 {strides = array<i32>} : memref<352x256xf32, #tpu.memory_space<vmem>>, vector<16xf32>,
        %gather3A_1526 = tpu.vector_load_idx %arg6[%gather3A_1493, %add3A_20] : memref<41x256xf32, #tpu.memory_space<vmem>>[vector<16xi32>, vector<16xi32>], vector<16xf32>,
        %add3A_1527 = arith.constant 11 : i32
        %add3A_1528 = arith.addi %add3A_164, %add3A_1527 : i32
        %sub3A_1529 = arith.constant 1 : i32
        %sub3A_1530 = arith.subi %add3A_1528, %sub3A_1529 : i32
        %swap3A_1531 = arith.index_cast %sub3A_1530 : i32 to index
        %swap3A_1532 = arith.constant 64 : index
        %swap3A_1533 = tpu.vector_load %arg7[%swap3A_1531, %swap3A_1532] {strides = array<i32>} : memref<352x256xf32, #tpu.memory_space<vmem>>, vector<16xf32>,
        tpu.vector_store %arg7[%swap3A_1531, %swap3A_1532], %gather3A_1395 {strides = array<i32>} : memref<352x256xf32, #tpu.memory_space<vmem>>, vector<16xf32>,
        %gather3A_1534 = tpu.vector_load_idx %arg6[%gather3A_1493, %add3A_23] : memref<41x256xf32, #tpu.memory_space<vmem>>[vector<16xi32>, vector<16xi32>], vector<16xf32>,
        %add3A_1535 = arith.constant 11 : i32
        %add3A_1536 = arith.addi %add3A_164, %add3A_1535 : i32
        %sub3A_1537 = arith.constant 1 : i32
        %sub3A_1538 = arith.subi %add3A_1536, %sub3A_1537 : i32
        %swap3A_1539 = arith.index_cast %sub3A_1538 : i32 to index
        %swap3A_1540 = arith.constant 80 : index
        %swap3A_1541 = tpu.vector_load %arg7[%swap3A_1539, %swap3A_1540] {strides = array<i32>} : memref<352x256xf32, #tpu.memory_space<vmem>>, vector<16xf32>,
        tpu.vector_store %arg7[%swap3A_1539, %swap3A_1540], %gather3A_1403 {strides = array<i32>} : memref<352x256xf32, #tpu.memory_space<vmem>>, vector<16xf32>,
        %gather3A_1542 = tpu.vector_load_idx %arg6[%gather3A_1493, %add3A_26] : memref<41x256xf32, #tpu.memory_space<vmem>>[vector<16xi32>, vector<16xi32>], vector<16xf32>,
        %add3A_1543 = arith.constant 11 : i32
        %add3A_1544 = arith.addi %add3A_164, %add3A_1543 : i32
        %sub3A_1545 = arith.constant 1 : i32
        %sub3A_1546 = arith.subi %add3A_1544, %sub3A_1545 : i32
        %swap3A_1547 = arith.index_cast %sub3A_1546 : i32 to index
        %swap3A_1548 = arith.constant 96 : index
        %swap3A_1549 = tpu.vector_load %arg7[%swap3A_1547, %swap3A_1548] {strides = array<i32>} : memref<352x256xf32, #tpu.memory_space<vmem>>, vector<16xf32>,
        tpu.vector_store %arg7[%swap3A_1547, %swap3A_1548], %gather3A_1411 {strides = array<i32>} : memref<352x256xf32, #tpu.memory_space<vmem>>, vector<16xf32>,
        %gather3A_1550 = tpu.vector_load_idx %arg6[%gather3A_1493, %add3A_29] : memref<41x256xf32, #tpu.memory_space<vmem>>[vector<16xi32>, vector<16xi32>], vector<16xf32>,
        %add3A_1551 = arith.constant 11 : i32
        %add3A_1552 = arith.addi %add3A_164, %add3A_1551 : i32
        %sub3A_1553 = arith.constant 1 : i32
        %sub3A_1554 = arith.subi %add3A_1552, %sub3A_1553 : i32
        %swap3A_1555 = arith.index_cast %sub3A_1554 : i32 to index
        %swap3A_1556 = arith.constant 112 : index
        %swap3A_1557 = tpu.vector_load %arg7[%swap3A_1555, %swap3A_1556] {strides = array<i32>} : memref<352x256xf32, #tpu.memory_space<vmem>>, vector<16xf32>,
        tpu.vector_store %arg7[%swap3A_1555, %swap3A_1556], %gather3A_1419 {strides = array<i32>} : memref<352x256xf32, #tpu.memory_space<vmem>>, vector<16xf32>,
        %gather3A_1558 = tpu.vector_load_idx %arg6[%gather3A_1493, %add3A_32] : memref<41x256xf32, #tpu.memory_space<vmem>>[vector<16xi32>, vector<16xi32>], vector<16xf32>,
        %add3A_1559 = arith.constant 11 : i32
        %add3A_1560 = arith.addi %add3A_164, %add3A_1559 : i32
        %sub3A_1561 = arith.constant 1 : i32
        %sub3A_1562 = arith.subi %add3A_1560, %sub3A_1561 : i32
        %swap3A_1563 = arith.index_cast %sub3A_1562 : i32 to index
        %swap3A_1564 = arith.constant 128 : index
        %swap3A_1565 = tpu.vector_load %arg7[%swap3A_1563, %swap3A_1564] {strides = array<i32>} : memref<352x256xf32, #tpu.memory_space<vmem>>, vector<16xf32>,
        tpu.vector_store %arg7[%swap3A_1563, %swap3A_1564], %gather3A_1427 {strides = array<i32>} : memref<352x256xf32, #tpu.memory_space<vmem>>, vector<16xf32>,
        %gather3A_1566 = tpu.vector_load_idx %arg6[%gather3A_1493, %add3A_35] : memref<41x256xf32, #tpu.memory_space<vmem>>[vector<16xi32>, vector<16xi32>], vector<16xf32>,
        %add3A_1567 = arith.constant 11 : i32
        %add3A_1568 = arith.addi %add3A_164, %add3A_1567 : i32
        %sub3A_1569 = arith.constant 1 : i32
        %sub3A_1570 = arith.subi %add3A_1568, %sub3A_1569 : i32
        %swap3A_1571 = arith.index_cast %sub3A_1570 : i32 to index
        %swap3A_1572 = arith.constant 144 : index
        %swap3A_1573 = tpu.vector_load %arg7[%swap3A_1571, %swap3A_1572] {strides = array<i32>} : memref<352x256xf32, #tpu.memory_space<vmem>>, vector<16xf32>,
        tpu.vector_store %arg7[%swap3A_1571, %swap3A_1572], %gather3A_1435 {strides = array<i32>} : memref<352x256xf32, #tpu.memory_space<vmem>>, vector<16xf32>,
        %gather3A_1574 = tpu.vector_load_idx %arg6[%gather3A_1493, %add3A_38] : memref<41x256xf32, #tpu.memory_space<vmem>>[vector<16xi32>, vector<16xi32>], vector<16xf32>,
        %add3A_1575 = arith.constant 11 : i32
        %add3A_1576 = arith.addi %add3A_164, %add3A_1575 : i32
        %sub3A_1577 = arith.constant 1 : i32
        %sub3A_1578 = arith.subi %add3A_1576, %sub3A_1577 : i32
        %swap3A_1579 = arith.index_cast %sub3A_1578 : i32 to index
        %swap3A_1580 = arith.constant 160 : index
        %swap3A_1581 = tpu.vector_load %arg7[%swap3A_1579, %swap3A_1580] {strides = array<i32>} : memref<352x256xf32, #tpu.memory_space<vmem>>, vector<16xf32>,
        tpu.vector_store %arg7[%swap3A_1579, %swap3A_1580], %gather3A_1443 {strides = array<i32>} : memref<352x256xf32, #tpu.memory_space<vmem>>, vector<16xf32>,
        %gather3A_1582 = tpu.vector_load_idx %arg6[%gather3A_1493, %add3A_41] : memref<41x256xf32, #tpu.memory_space<vmem>>[vector<16xi32>, vector<16xi32>], vector<16xf32>,
        %add3A_1583 = arith.constant 11 : i32
        %add3A_1584 = arith.addi %add3A_164, %add3A_1583 : i32
        %sub3A_1585 = arith.constant 1 : i32
        %sub3A_1586 = arith.subi %add3A_1584, %sub3A_1585 : i32
        %swap3A_1587 = arith.index_cast %sub3A_1586 : i32 to index
        %swap3A_1588 = arith.constant 176 : index
        %swap3A_1589 = tpu.vector_load %arg7[%swap3A_1587, %swap3A_1588] {strides = array<i32>} : memref<352x256xf32, #tpu.memory_space<vmem>>, vector<16xf32>,
        tpu.vector_store %arg7[%swap3A_1587, %swap3A_1588], %gather3A_1451 {strides = array<i32>} : memref<352x256xf32, #tpu.memory_space<vmem>>, vector<16xf32>,
        %gather3A_1590 = tpu.vector_load_idx %arg6[%gather3A_1493, %add3A_44] : memref<41x256xf32, #tpu.memory_space<vmem>>[vector<16xi32>, vector<16xi32>], vector<16xf32>,
        %add3A_1591 = arith.constant 11 : i32
        %add3A_1592 = arith.addi %add3A_164, %add3A_1591 : i32
        %sub3A_1593 = arith.constant 1 : i32
        %sub3A_1594 = arith.subi %add3A_1592, %sub3A_1593 : i32
        %swap3A_1595 = arith.index_cast %sub3A_1594 : i32 to index
        %swap3A_1596 = arith.constant 192 : index
        %swap3A_1597 = tpu.vector_load %arg7[%swap3A_1595, %swap3A_1596] {strides = array<i32>} : memref<352x256xf32, #tpu.memory_space<vmem>>, vector<16xf32>,
        tpu.vector_store %arg7[%swap3A_1595, %swap3A_1596], %gather3A_1459 {strides = array<i32>} : memref<352x256xf32, #tpu.memory_space<vmem>>, vector<16xf32>,
        %gather3A_1598 = tpu.vector_load_idx %arg6[%gather3A_1493, %add3A_47] : memref<41x256xf32, #tpu.memory_space<vmem>>[vector<16xi32>, vector<16xi32>], vector<16xf32>,
        %add3A_1599 = arith.constant 11 : i32
        %add3A_1600 = arith.addi %add3A_164, %add3A_1599 : i32
        %sub3A_1601 = arith.constant 1 : i32
        %sub3A_1602 = arith.subi %add3A_1600, %sub3A_1601 : i32
        %swap3A_1603 = arith.index_cast %sub3A_1602 : i32 to index
        %swap3A_1604 = arith.constant 208 : index
        %swap3A_1605 = tpu.vector_load %arg7[%swap3A_1603, %swap3A_1604] {strides = array<i32>} : memref<352x256xf32, #tpu.memory_space<vmem>>, vector<16xf32>,
        tpu.vector_store %arg7[%swap3A_1603, %swap3A_1604], %gather3A_1467 {strides = array<i32>} : memref<352x256xf32, #tpu.memory_space<vmem>>, vector<16xf32>,
        %gather3A_1606 = tpu.vector_load_idx %arg6[%gather3A_1493, %add3A_50] : memref<41x256xf32, #tpu.memory_space<vmem>>[vector<16xi32>, vector<16xi32>], vector<16xf32>,
        %add3A_1607 = arith.constant 11 : i32
        %add3A_1608 = arith.addi %add3A_164, %add3A_1607 : i32
        %sub3A_1609 = arith.constant 1 : i32
        %sub3A_1610 = arith.subi %add3A_1608, %sub3A_1609 : i32
        %swap3A_1611 = arith.index_cast %sub3A_1610 : i32 to index
        %swap3A_1612 = arith.constant 224 : index
        %swap3A_1613 = tpu.vector_load %arg7[%swap3A_1611, %swap3A_1612] {strides = array<i32>} : memref<352x256xf32, #tpu.memory_space<vmem>>, vector<16xf32>,
        tpu.vector_store %arg7[%swap3A_1611, %swap3A_1612], %gather3A_1475 {strides = array<i32>} : memref<352x256xf32, #tpu.memory_space<vmem>>, vector<16xf32>,
        %gather3A_1614 = tpu.vector_load_idx %arg6[%gather3A_1493, %add3A_53] : memref<41x256xf32, #tpu.memory_space<vmem>>[vector<16xi32>, vector<16xi32>], vector<16xf32>,
        %add3A_1615 = arith.constant 11 : i32
        %add3A_1616 = arith.addi %add3A_164, %add3A_1615 : i32
        %sub3A_1617 = arith.constant 1 : i32
        %sub3A_1618 = arith.subi %add3A_1616, %sub3A_1617 : i32
        %swap3A_1619 = arith.index_cast %sub3A_1618 : i32 to index
        %swap3A_1620 = arith.constant 240 : index
        %swap3A_1621 = tpu.vector_load %arg7[%swap3A_1619, %swap3A_1620] {strides = array<i32>} : memref<352x256xf32, #tpu.memory_space<vmem>>, vector<16xf32>,
        tpu.vector_store %arg7[%swap3A_1619, %swap3A_1620], %gather3A_1483 {strides = array<i32>} : memref<352x256xf32, #tpu.memory_space<vmem>>, vector<16xf32>,
        %broadcast_in_dim3A_1622 = vector.shape_cast %broadcast_in_dim3A_78 : vector<16xi32> to vector<16x1xi32>
        %gather3A_1623 = vector.shape_cast %broadcast_in_dim3A_1622 : vector<16x1xi32> to vector<16xi32>
        %gather3A_1624 = tpu.dynamic_gather %get3A_159[%gather3A_1623] in [0] : vector<16xi32>, vector<16xi32> -> vector<16xi32>
        %gather3A_1625 = tpu.vector_load_idx %arg6[%gather3A_1624, %add3A_8] : memref<41x256xf32, #tpu.memory_space<vmem>>[vector<16xi32>, vector<16xi32>], vector<16xf32>,
        %add3A_1626 = arith.constant 12 : i32
        %add3A_1627 = arith.addi %add3A_164, %add3A_1626 : i32
        %sub3A_1628 = arith.constant 1 : i32
        %sub3A_1629 = arith.subi %add3A_1627, %sub3A_1628 : i32
        %swap3A_1630 = arith.index_cast %sub3A_1629 : i32 to index
        %swap3A_1631 = arith.constant 0 : index
        %swap3A_1632 = tpu.vector_load %arg7[%swap3A_1630, %swap3A_1631] {strides = array<i32>} : memref<352x256xf32, #tpu.memory_space<vmem>>, vector<16xf32>,
        tpu.vector_store %arg7[%swap3A_1630, %swap3A_1631], %gather3A_1494 {strides = array<i32>} : memref<352x256xf32, #tpu.memory_space<vmem>>, vector<16xf32>,
        %gather3A_1633 = tpu.vector_load_idx %arg6[%gather3A_1624, %add3A_11] : memref<41x256xf32, #tpu.memory_space<vmem>>[vector<16xi32>, vector<16xi32>], vector<16xf32>,
        %add3A_1634 = arith.constant 12 : i32
        %add3A_1635 = arith.addi %add3A_164, %add3A_1634 : i32
        %sub3A_1636 = arith.constant 1 : i32
        %sub3A_1637 = arith.subi %add3A_1635, %sub3A_1636 : i32
        %swap3A_1638 = arith.index_cast %sub3A_1637 : i32 to index
        %swap3A_1639 = arith.constant 16 : index
        %swap3A_1640 = tpu.vector_load %arg7[%swap3A_1638, %swap3A_1639] {strides = array<i32>} : memref<352x256xf32, #tpu.memory_space<vmem>>, vector<16xf32>,
        tpu.vector_store %arg7[%swap3A_1638, %swap3A_1639], %gather3A_1502 {strides = array<i32>} : memref<352x256xf32, #tpu.memory_space<vmem>>, vector<16xf32>,
        %gather3A_1641 = tpu.vector_load_idx %arg6[%gather3A_1624, %add3A_14] : memref<41x256xf32, #tpu.memory_space<vmem>>[vector<16xi32>, vector<16xi32>], vector<16xf32>,
        %add3A_1642 = arith.constant 12 : i32
        %add3A_1643 = arith.addi %add3A_164, %add3A_1642 : i32
        %sub3A_1644 = arith.constant 1 : i32
        %sub3A_1645 = arith.subi %add3A_1643, %sub3A_1644 : i32
        %swap3A_1646 = arith.index_cast %sub3A_1645 : i32 to index
        %swap3A_1647 = arith.constant 32 : index
        %swap3A_1648 = tpu.vector_load %arg7[%swap3A_1646, %swap3A_1647] {strides = array<i32>} : memref<352x256xf32, #tpu.memory_space<vmem>>, vector<16xf32>,
        tpu.vector_store %arg7[%swap3A_1646, %swap3A_1647], %gather3A_1510 {strides = array<i32>} : memref<352x256xf32, #tpu.memory_space<vmem>>, vector<16xf32>,
        %gather3A_1649 = tpu.vector_load_idx %arg6[%gather3A_1624, %add3A_17] : memref<41x256xf32, #tpu.memory_space<vmem>>[vector<16xi32>, vector<16xi32>], vector<16xf32>,
        %add3A_1650 = arith.constant 12 : i32
        %add3A_1651 = arith.addi %add3A_164, %add3A_1650 : i32
        %sub3A_1652 = arith.constant 1 : i32
        %sub3A_1653 = arith.subi %add3A_1651, %sub3A_1652 : i32
        %swap3A_1654 = arith.index_cast %sub3A_1653 : i32 to index
        %swap3A_1655 = arith.constant 48 : index
        %swap3A_1656 = tpu.vector_load %arg7[%swap3A_1654, %swap3A_1655] {strides = array<i32>} : memref<352x256xf32, #tpu.memory_space<vmem>>, vector<16xf32>,
        tpu.vector_store %arg7[%swap3A_1654, %swap3A_1655], %gather3A_1518 {strides = array<i32>} : memref<352x256xf32, #tpu.memory_space<vmem>>, vector<16xf32>,
        %gather3A_1657 = tpu.vector_load_idx %arg6[%gather3A_1624, %add3A_20] : memref<41x256xf32, #tpu.memory_space<vmem>>[vector<16xi32>, vector<16xi32>], vector<16xf32>,
        %add3A_1658 = arith.constant 12 : i32
        %add3A_1659 = arith.addi %add3A_164, %add3A_1658 : i32
        %sub3A_1660 = arith.constant 1 : i32
        %sub3A_1661 = arith.subi %add3A_1659, %sub3A_1660 : i32
        %swap3A_1662 = arith.index_cast %sub3A_1661 : i32 to index
        %swap3A_1663 = arith.constant 64 : index
        %swap3A_1664 = tpu.vector_load %arg7[%swap3A_1662, %swap3A_1663] {strides = array<i32>} : memref<352x256xf32, #tpu.memory_space<vmem>>, vector<16xf32>,
        tpu.vector_store %arg7[%swap3A_1662, %swap3A_1663], %gather3A_1526 {strides = array<i32>} : memref<352x256xf32, #tpu.memory_space<vmem>>, vector<16xf32>,
        %gather3A_1665 = tpu.vector_load_idx %arg6[%gather3A_1624, %add3A_23] : memref<41x256xf32, #tpu.memory_space<vmem>>[vector<16xi32>, vector<16xi32>], vector<16xf32>,
        %add3A_1666 = arith.constant 12 : i32
        %add3A_1667 = arith.addi %add3A_164, %add3A_1666 : i32
        %sub3A_1668 = arith.constant 1 : i32
        %sub3A_1669 = arith.subi %add3A_1667, %sub3A_1668 : i32
        %swap3A_1670 = arith.index_cast %sub3A_1669 : i32 to index
        %swap3A_1671 = arith.constant 80 : index
        %swap3A_1672 = tpu.vector_load %arg7[%swap3A_1670, %swap3A_1671] {strides = array<i32>} : memref<352x256xf32, #tpu.memory_space<vmem>>, vector<16xf32>,
        tpu.vector_store %arg7[%swap3A_1670, %swap3A_1671], %gather3A_1534 {strides = array<i32>} : memref<352x256xf32, #tpu.memory_space<vmem>>, vector<16xf32>,
        %gather3A_1673 = tpu.vector_load_idx %arg6[%gather3A_1624, %add3A_26] : memref<41x256xf32, #tpu.memory_space<vmem>>[vector<16xi32>, vector<16xi32>], vector<16xf32>,
        %add3A_1674 = arith.constant 12 : i32
        %add3A_1675 = arith.addi %add3A_164, %add3A_1674 : i32
        %sub3A_1676 = arith.constant 1 : i32
        %sub3A_1677 = arith.subi %add3A_1675, %sub3A_1676 : i32
        %swap3A_1678 = arith.index_cast %sub3A_1677 : i32 to index
        %swap3A_1679 = arith.constant 96 : index
        %swap3A_1680 = tpu.vector_load %arg7[%swap3A_1678, %swap3A_1679] {strides = array<i32>} : memref<352x256xf32, #tpu.memory_space<vmem>>, vector<16xf32>,
        tpu.vector_store %arg7[%swap3A_1678, %swap3A_1679], %gather3A_1542 {strides = array<i32>} : memref<352x256xf32, #tpu.memory_space<vmem>>, vector<16xf32>,
        %gather3A_1681 = tpu.vector_load_idx %arg6[%gather3A_1624, %add3A_29] : memref<41x256xf32, #tpu.memory_space<vmem>>[vector<16xi32>, vector<16xi32>], vector<16xf32>,
        %add3A_1682 = arith.constant 12 : i32
        %add3A_1683 = arith.addi %add3A_164, %add3A_1682 : i32
        %sub3A_1684 = arith.constant 1 : i32
        %sub3A_1685 = arith.subi %add3A_1683, %sub3A_1684 : i32
        %swap3A_1686 = arith.index_cast %sub3A_1685 : i32 to index
        %swap3A_1687 = arith.constant 112 : index
        %swap3A_1688 = tpu.vector_load %arg7[%swap3A_1686, %swap3A_1687] {strides = array<i32>} : memref<352x256xf32, #tpu.memory_space<vmem>>, vector<16xf32>,
        tpu.vector_store %arg7[%swap3A_1686, %swap3A_1687], %gather3A_1550 {strides = array<i32>} : memref<352x256xf32, #tpu.memory_space<vmem>>, vector<16xf32>,
        %gather3A_1689 = tpu.vector_load_idx %arg6[%gather3A_1624, %add3A_32] : memref<41x256xf32, #tpu.memory_space<vmem>>[vector<16xi32>, vector<16xi32>], vector<16xf32>,
        %add3A_1690 = arith.constant 12 : i32
        %add3A_1691 = arith.addi %add3A_164, %add3A_1690 : i32
        %sub3A_1692 = arith.constant 1 : i32
        %sub3A_1693 = arith.subi %add3A_1691, %sub3A_1692 : i32
        %swap3A_1694 = arith.index_cast %sub3A_1693 : i32 to index
        %swap3A_1695 = arith.constant 128 : index
        %swap3A_1696 = tpu.vector_load %arg7[%swap3A_1694, %swap3A_1695] {strides = array<i32>} : memref<352x256xf32, #tpu.memory_space<vmem>>, vector<16xf32>,
        tpu.vector_store %arg7[%swap3A_1694, %swap3A_1695], %gather3A_1558 {strides = array<i32>} : memref<352x256xf32, #tpu.memory_space<vmem>>, vector<16xf32>,
        %gather3A_1697 = tpu.vector_load_idx %arg6[%gather3A_1624, %add3A_35] : memref<41x256xf32, #tpu.memory_space<vmem>>[vector<16xi32>, vector<16xi32>], vector<16xf32>,
        %add3A_1698 = arith.constant 12 : i32
        %add3A_1699 = arith.addi %add3A_164, %add3A_1698 : i32
        %sub3A_1700 = arith.constant 1 : i32
        %sub3A_1701 = arith.subi %add3A_1699, %sub3A_1700 : i32
        %swap3A_1702 = arith.index_cast %sub3A_1701 : i32 to index
        %swap3A_1703 = arith.constant 144 : index
        %swap3A_1704 = tpu.vector_load %arg7[%swap3A_1702, %swap3A_1703] {strides = array<i32>} : memref<352x256xf32, #tpu.memory_space<vmem>>, vector<16xf32>,
        tpu.vector_store %arg7[%swap3A_1702, %swap3A_1703], %gather3A_1566 {strides = array<i32>} : memref<352x256xf32, #tpu.memory_space<vmem>>, vector<16xf32>,
        %gather3A_1705 = tpu.vector_load_idx %arg6[%gather3A_1624, %add3A_38] : memref<41x256xf32, #tpu.memory_space<vmem>>[vector<16xi32>, vector<16xi32>], vector<16xf32>,
        %add3A_1706 = arith.constant 12 : i32
        %add3A_1707 = arith.addi %add3A_164, %add3A_1706 : i32
        %sub3A_1708 = arith.constant 1 : i32
        %sub3A_1709 = arith.subi %add3A_1707, %sub3A_1708 : i32
        %swap3A_1710 = arith.index_cast %sub3A_1709 : i32 to index
        %swap3A_1711 = arith.constant 160 : index
        %swap3A_1712 = tpu.vector_load %arg7[%swap3A_1710, %swap3A_1711] {strides = array<i32>} : memref<352x256xf32, #tpu.memory_space<vmem>>, vector<16xf32>,
        tpu.vector_store %arg7[%swap3A_1710, %swap3A_1711], %gather3A_1574 {strides = array<i32>} : memref<352x256xf32, #tpu.memory_space<vmem>>, vector<16xf32>,
        %gather3A_1713 = tpu.vector_load_idx %arg6[%gather3A_1624, %add3A_41] : memref<41x256xf32, #tpu.memory_space<vmem>>[vector<16xi32>, vector<16xi32>], vector<16xf32>,
        %add3A_1714 = arith.constant 12 : i32
        %add3A_1715 = arith.addi %add3A_164, %add3A_1714 : i32
        %sub3A_1716 = arith.constant 1 : i32
        %sub3A_1717 = arith.subi %add3A_1715, %sub3A_1716 : i32
        %swap3A_1718 = arith.index_cast %sub3A_1717 : i32 to index
        %swap3A_1719 = arith.constant 176 : index
        %swap3A_1720 = tpu.vector_load %arg7[%swap3A_1718, %swap3A_1719] {strides = array<i32>} : memref<352x256xf32, #tpu.memory_space<vmem>>, vector<16xf32>,
        tpu.vector_store %arg7[%swap3A_1718, %swap3A_1719], %gather3A_1582 {strides = array<i32>} : memref<352x256xf32, #tpu.memory_space<vmem>>, vector<16xf32>,
        %gather3A_1721 = tpu.vector_load_idx %arg6[%gather3A_1624, %add3A_44] : memref<41x256xf32, #tpu.memory_space<vmem>>[vector<16xi32>, vector<16xi32>], vector<16xf32>,
        %add3A_1722 = arith.constant 12 : i32
        %add3A_1723 = arith.addi %add3A_164, %add3A_1722 : i32
        %sub3A_1724 = arith.constant 1 : i32
        %sub3A_1725 = arith.subi %add3A_1723, %sub3A_1724 : i32
        %swap3A_1726 = arith.index_cast %sub3A_1725 : i32 to index
        %swap3A_1727 = arith.constant 192 : index
        %swap3A_1728 = tpu.vector_load %arg7[%swap3A_1726, %swap3A_1727] {strides = array<i32>} : memref<352x256xf32, #tpu.memory_space<vmem>>, vector<16xf32>,
        tpu.vector_store %arg7[%swap3A_1726, %swap3A_1727], %gather3A_1590 {strides = array<i32>} : memref<352x256xf32, #tpu.memory_space<vmem>>, vector<16xf32>,
        %gather3A_1729 = tpu.vector_load_idx %arg6[%gather3A_1624, %add3A_47] : memref<41x256xf32, #tpu.memory_space<vmem>>[vector<16xi32>, vector<16xi32>], vector<16xf32>,
        %add3A_1730 = arith.constant 12 : i32
        %add3A_1731 = arith.addi %add3A_164, %add3A_1730 : i32
        %sub3A_1732 = arith.constant 1 : i32
        %sub3A_1733 = arith.subi %add3A_1731, %sub3A_1732 : i32
        %swap3A_1734 = arith.index_cast %sub3A_1733 : i32 to index
        %swap3A_1735 = arith.constant 208 : index
        %swap3A_1736 = tpu.vector_load %arg7[%swap3A_1734, %swap3A_1735] {strides = array<i32>} : memref<352x256xf32, #tpu.memory_space<vmem>>, vector<16xf32>,
        tpu.vector_store %arg7[%swap3A_1734, %swap3A_1735], %gather3A_1598 {strides = array<i32>} : memref<352x256xf32, #tpu.memory_space<vmem>>, vector<16xf32>,
        %gather3A_1737 = tpu.vector_load_idx %arg6[%gather3A_1624, %add3A_50] : memref<41x256xf32, #tpu.memory_space<vmem>>[vector<16xi32>, vector<16xi32>], vector<16xf32>,
        %add3A_1738 = arith.constant 12 : i32
        %add3A_1739 = arith.addi %add3A_164, %add3A_1738 : i32
        %sub3A_1740 = arith.constant 1 : i32
        %sub3A_1741 = arith.subi %add3A_1739, %sub3A_1740 : i32
        %swap3A_1742 = arith.index_cast %sub3A_1741 : i32 to index
        %swap3A_1743 = arith.constant 224 : index
        %swap3A_1744 = tpu.vector_load %arg7[%swap3A_1742, %swap3A_1743] {strides = array<i32>} : memref<352x256xf32, #tpu.memory_space<vmem>>, vector<16xf32>,
        tpu.vector_store %arg7[%swap3A_1742, %swap3A_1743], %gather3A_1606 {strides = array<i32>} : memref<352x256xf32, #tpu.memory_space<vmem>>, vector<16xf32>,
        %gather3A_1745 = tpu.vector_load_idx %arg6[%gather3A_1624, %add3A_53] : memref<41x256xf32, #tpu.memory_space<vmem>>[vector<16xi32>, vector<16xi32>], vector<16xf32>,
        %add3A_1746 = arith.constant 12 : i32
        %add3A_1747 = arith.addi %add3A_164, %add3A_1746 : i32
        %sub3A_1748 = arith.constant 1 : i32
        %sub3A_1749 = arith.subi %add3A_1747, %sub3A_1748 : i32
        %swap3A_1750 = arith.index_cast %sub3A_1749 : i32 to index
        %swap3A_1751 = arith.constant 240 : index
        %swap3A_1752 = tpu.vector_load %arg7[%swap3A_1750, %swap3A_1751] {strides = array<i32>} : memref<352x256xf32, #tpu.memory_space<vmem>>, vector<16xf32>,
        tpu.vector_store %arg7[%swap3A_1750, %swap3A_1751], %gather3A_1614 {strides = array<i32>} : memref<352x256xf32, #tpu.memory_space<vmem>>, vector<16xf32>,
        %broadcast_in_dim3A_1753 = vector.shape_cast %broadcast_in_dim3A_80 : vector<16xi32> to vector<16x1xi32>
        %gather3A_1754 = vector.shape_cast %broadcast_in_dim3A_1753 : vector<16x1xi32> to vector<16xi32>
        %gather3A_1755 = tpu.dynamic_gather %get3A_159[%gather3A_1754] in [0] : vector<16xi32>, vector<16xi32> -> vector<16xi32>
        %gather3A_1756 = tpu.vector_load_idx %arg6[%gather3A_1755, %add3A_8] : memref<41x256xf32, #tpu.memory_space<vmem>>[vector<16xi32>, vector<16xi32>], vector<16xf32>,
        %add3A_1757 = arith.constant 13 : i32
        %add3A_1758 = arith.addi %add3A_164, %add3A_1757 : i32
        %sub3A_1759 = arith.constant 1 : i32
        %sub3A_1760 = arith.subi %add3A_1758, %sub3A_1759 : i32
        %swap3A_1761 = arith.index_cast %sub3A_1760 : i32 to index
        %swap3A_1762 = arith.constant 0 : index
        %swap3A_1763 = tpu.vector_load %arg7[%swap3A_1761, %swap3A_1762] {strides = array<i32>} : memref<352x256xf32, #tpu.memory_space<vmem>>, vector<16xf32>,
        tpu.vector_store %arg7[%swap3A_1761, %swap3A_1762], %gather3A_1625 {strides = array<i32>} : memref<352x256xf32, #tpu.memory_space<vmem>>, vector<16xf32>,
        %gather3A_1764 = tpu.vector_load_idx %arg6[%gather3A_1755, %add3A_11] : memref<41x256xf32, #tpu.memory_space<vmem>>[vector<16xi32>, vector<16xi32>], vector<16xf32>,
        %add3A_1765 = arith.constant 13 : i32
        %add3A_1766 = arith.addi %add3A_164, %add3A_1765 : i32
        %sub3A_1767 = arith.constant 1 : i32
        %sub3A_1768 = arith.subi %add3A_1766, %sub3A_1767 : i32
        %swap3A_1769 = arith.index_cast %sub3A_1768 : i32 to index
        %swap3A_1770 = arith.constant 16 : index
        %swap3A_1771 = tpu.vector_load %arg7[%swap3A_1769, %swap3A_1770] {strides = array<i32>} : memref<352x256xf32, #tpu.memory_space<vmem>>, vector<16xf32>,
        tpu.vector_store %arg7[%swap3A_1769, %swap3A_1770], %gather3A_1633 {strides = array<i32>} : memref<352x256xf32, #tpu.memory_space<vmem>>, vector<16xf32>,
        %gather3A_1772 = tpu.vector_load_idx %arg6[%gather3A_1755, %add3A_14] : memref<41x256xf32, #tpu.memory_space<vmem>>[vector<16xi32>, vector<16xi32>], vector<16xf32>,
        %add3A_1773 = arith.constant 13 : i32
        %add3A_1774 = arith.addi %add3A_164, %add3A_1773 : i32
        %sub3A_1775 = arith.constant 1 : i32
        %sub3A_1776 = arith.subi %add3A_1774, %sub3A_1775 : i32
        %swap3A_1777 = arith.index_cast %sub3A_1776 : i32 to index
        %swap3A_1778 = arith.constant 32 : index
        %swap3A_1779 = tpu.vector_load %arg7[%swap3A_1777, %swap3A_1778] {strides = array<i32>} : memref<352x256xf32, #tpu.memory_space<vmem>>, vector<16xf32>,
        tpu.vector_store %arg7[%swap3A_1777, %swap3A_1778], %gather3A_1641 {strides = array<i32>} : memref<352x256xf32, #tpu.memory_space<vmem>>, vector<16xf32>,
        %gather3A_1780 = tpu.vector_load_idx %arg6[%gather3A_1755, %add3A_17] : memref<41x256xf32, #tpu.memory_space<vmem>>[vector<16xi32>, vector<16xi32>], vector<16xf32>,
        %add3A_1781 = arith.constant 13 : i32
        %add3A_1782 = arith.addi %add3A_164, %add3A_1781 : i32
        %sub3A_1783 = arith.constant 1 : i32
        %sub3A_1784 = arith.subi %add3A_1782, %sub3A_1783 : i32
        %swap3A_1785 = arith.index_cast %sub3A_1784 : i32 to index
        %swap3A_1786 = arith.constant 48 : index
        %swap3A_1787 = tpu.vector_load %arg7[%swap3A_1785, %swap3A_1786] {strides = array<i32>} : memref<352x256xf32, #tpu.memory_space<vmem>>, vector<16xf32>,
        tpu.vector_store %arg7[%swap3A_1785, %swap3A_1786], %gather3A_1649 {strides = array<i32>} : memref<352x256xf32, #tpu.memory_space<vmem>>, vector<16xf32>,
        %gather3A_1788 = tpu.vector_load_idx %arg6[%gather3A_1755, %add3A_20] : memref<41x256xf32, #tpu.memory_space<vmem>>[vector<16xi32>, vector<16xi32>], vector<16xf32>,
        %add3A_1789 = arith.constant 13 : i32
        %add3A_1790 = arith.addi %add3A_164, %add3A_1789 : i32
        %sub3A_1791 = arith.constant 1 : i32
        %sub3A_1792 = arith.subi %add3A_1790, %sub3A_1791 : i32
        %swap3A_1793 = arith.index_cast %sub3A_1792 : i32 to index
        %swap3A_1794 = arith.constant 64 : index
        %swap3A_1795 = tpu.vector_load %arg7[%swap3A_1793, %swap3A_1794] {strides = array<i32>} : memref<352x256xf32, #tpu.memory_space<vmem>>, vector<16xf32>,
        tpu.vector_store %arg7[%swap3A_1793, %swap3A_1794], %gather3A_1657 {strides = array<i32>} : memref<352x256xf32, #tpu.memory_space<vmem>>, vector<16xf32>,
        %gather3A_1796 = tpu.vector_load_idx %arg6[%gather3A_1755, %add3A_23] : memref<41x256xf32, #tpu.memory_space<vmem>>[vector<16xi32>, vector<16xi32>], vector<16xf32>,
        %add3A_1797 = arith.constant 13 : i32
        %add3A_1798 = arith.addi %add3A_164, %add3A_1797 : i32
        %sub3A_1799 = arith.constant 1 : i32
        %sub3A_1800 = arith.subi %add3A_1798, %sub3A_1799 : i32
        %swap3A_1801 = arith.index_cast %sub3A_1800 : i32 to index
        %swap3A_1802 = arith.constant 80 : index
        %swap3A_1803 = tpu.vector_load %arg7[%swap3A_1801, %swap3A_1802] {strides = array<i32>} : memref<352x256xf32, #tpu.memory_space<vmem>>, vector<16xf32>,
        tpu.vector_store %arg7[%swap3A_1801, %swap3A_1802], %gather3A_1665 {strides = array<i32>} : memref<352x256xf32, #tpu.memory_space<vmem>>, vector<16xf32>,
        %gather3A_1804 = tpu.vector_load_idx %arg6[%gather3A_1755, %add3A_26] : memref<41x256xf32, #tpu.memory_space<vmem>>[vector<16xi32>, vector<16xi32>], vector<16xf32>,
        %add3A_1805 = arith.constant 13 : i32
        %add3A_1806 = arith.addi %add3A_164, %add3A_1805 : i32
        %sub3A_1807 = arith.constant 1 : i32
        %sub3A_1808 = arith.subi %add3A_1806, %sub3A_1807 : i32
        %swap3A_1809 = arith.index_cast %sub3A_1808 : i32 to index
        %swap3A_1810 = arith.constant 96 : index
        %swap3A_1811 = tpu.vector_load %arg7[%swap3A_1809, %swap3A_1810] {strides = array<i32>} : memref<352x256xf32, #tpu.memory_space<vmem>>, vector<16xf32>,
        tpu.vector_store %arg7[%swap3A_1809, %swap3A_1810], %gather3A_1673 {strides = array<i32>} : memref<352x256xf32, #tpu.memory_space<vmem>>, vector<16xf32>,
        %gather3A_1812 = tpu.vector_load_idx %arg6[%gather3A_1755, %add3A_29] : memref<41x256xf32, #tpu.memory_space<vmem>>[vector<16xi32>, vector<16xi32>], vector<16xf32>,
        %add3A_1813 = arith.constant 13 : i32
        %add3A_1814 = arith.addi %add3A_164, %add3A_1813 : i32
        %sub3A_1815 = arith.constant 1 : i32
        %sub3A_1816 = arith.subi %add3A_1814, %sub3A_1815 : i32
        %swap3A_1817 = arith.index_cast %sub3A_1816 : i32 to index
        %swap3A_1818 = arith.constant 112 : index
        %swap3A_1819 = tpu.vector_load %arg7[%swap3A_1817, %swap3A_1818] {strides = array<i32>} : memref<352x256xf32, #tpu.memory_space<vmem>>, vector<16xf32>,
        tpu.vector_store %arg7[%swap3A_1817, %swap3A_1818], %gather3A_1681 {strides = array<i32>} : memref<352x256xf32, #tpu.memory_space<vmem>>, vector<16xf32>,
        %gather3A_1820 = tpu.vector_load_idx %arg6[%gather3A_1755, %add3A_32] : memref<41x256xf32, #tpu.memory_space<vmem>>[vector<16xi32>, vector<16xi32>], vector<16xf32>,
        %add3A_1821 = arith.constant 13 : i32
        %add3A_1822 = arith.addi %add3A_164, %add3A_1821 : i32
        %sub3A_1823 = arith.constant 1 : i32
        %sub3A_1824 = arith.subi %add3A_1822, %sub3A_1823 : i32
        %swap3A_1825 = arith.index_cast %sub3A_1824 : i32 to index
        %swap3A_1826 = arith.constant 128 : index
        %swap3A_1827 = tpu.vector_load %arg7[%swap3A_1825, %swap3A_1826] {strides = array<i32>} : memref<352x256xf32, #tpu.memory_space<vmem>>, vector<16xf32>,
        tpu.vector_store %arg7[%swap3A_1825, %swap3A_1826], %gather3A_1689 {strides = array<i32>} : memref<352x256xf32, #tpu.memory_space<vmem>>, vector<16xf32>,
        %gather3A_1828 = tpu.vector_load_idx %arg6[%gather3A_1755, %add3A_35] : memref<41x256xf32, #tpu.memory_space<vmem>>[vector<16xi32>, vector<16xi32>], vector<16xf32>,
        %add3A_1829 = arith.constant 13 : i32
        %add3A_1830 = arith.addi %add3A_164, %add3A_1829 : i32
        %sub3A_1831 = arith.constant 1 : i32
        %sub3A_1832 = arith.subi %add3A_1830, %sub3A_1831 : i32
        %swap3A_1833 = arith.index_cast %sub3A_1832 : i32 to index
        %swap3A_1834 = arith.constant 144 : index
        %swap3A_1835 = tpu.vector_load %arg7[%swap3A_1833, %swap3A_1834] {strides = array<i32>} : memref<352x256xf32, #tpu.memory_space<vmem>>, vector<16xf32>,
        tpu.vector_store %arg7[%swap3A_1833, %swap3A_1834], %gather3A_1697 {strides = array<i32>} : memref<352x256xf32, #tpu.memory_space<vmem>>, vector<16xf32>,
        %gather3A_1836 = tpu.vector_load_idx %arg6[%gather3A_1755, %add3A_38] : memref<41x256xf32, #tpu.memory_space<vmem>>[vector<16xi32>, vector<16xi32>], vector<16xf32>,
        %add3A_1837 = arith.constant 13 : i32
        %add3A_1838 = arith.addi %add3A_164, %add3A_1837 : i32
        %sub3A_1839 = arith.constant 1 : i32
        %sub3A_1840 = arith.subi %add3A_1838, %sub3A_1839 : i32
        %swap3A_1841 = arith.index_cast %sub3A_1840 : i32 to index
        %swap3A_1842 = arith.constant 160 : index
        %swap3A_1843 = tpu.vector_load %arg7[%swap3A_1841, %swap3A_1842] {strides = array<i32>} : memref<352x256xf32, #tpu.memory_space<vmem>>, vector<16xf32>,
        tpu.vector_store %arg7[%swap3A_1841, %swap3A_1842], %gather3A_1705 {strides = array<i32>} : memref<352x256xf32, #tpu.memory_space<vmem>>, vector<16xf32>,
        %gather3A_1844 = tpu.vector_load_idx %arg6[%gather3A_1755, %add3A_41] : memref<41x256xf32, #tpu.memory_space<vmem>>[vector<16xi32>, vector<16xi32>], vector<16xf32>,
        %add3A_1845 = arith.constant 13 : i32
        %add3A_1846 = arith.addi %add3A_164, %add3A_1845 : i32
        %sub3A_1847 = arith.constant 1 : i32
        %sub3A_1848 = arith.subi %add3A_1846, %sub3A_1847 : i32
        %swap3A_1849 = arith.index_cast %sub3A_1848 : i32 to index
        %swap3A_1850 = arith.constant 176 : index
        %swap3A_1851 = tpu.vector_load %arg7[%swap3A_1849, %swap3A_1850] {strides = array<i32>} : memref<352x256xf32, #tpu.memory_space<vmem>>, vector<16xf32>,
        tpu.vector_store %arg7[%swap3A_1849, %swap3A_1850], %gather3A_1713 {strides = array<i32>} : memref<352x256xf32, #tpu.memory_space<vmem>>, vector<16xf32>,
        %gather3A_1852 = tpu.vector_load_idx %arg6[%gather3A_1755, %add3A_44] : memref<41x256xf32, #tpu.memory_space<vmem>>[vector<16xi32>, vector<16xi32>], vector<16xf32>,
        %add3A_1853 = arith.constant 13 : i32
        %add3A_1854 = arith.addi %add3A_164, %add3A_1853 : i32
        %sub3A_1855 = arith.constant 1 : i32
        %sub3A_1856 = arith.subi %add3A_1854, %sub3A_1855 : i32
        %swap3A_1857 = arith.index_cast %sub3A_1856 : i32 to index
        %swap3A_1858 = arith.constant 192 : index
        %swap3A_1859 = tpu.vector_load %arg7[%swap3A_1857, %swap3A_1858] {strides = array<i32>} : memref<352x256xf32, #tpu.memory_space<vmem>>, vector<16xf32>,
        tpu.vector_store %arg7[%swap3A_1857, %swap3A_1858], %gather3A_1721 {strides = array<i32>} : memref<352x256xf32, #tpu.memory_space<vmem>>, vector<16xf32>,
        %gather3A_1860 = tpu.vector_load_idx %arg6[%gather3A_1755, %add3A_47] : memref<41x256xf32, #tpu.memory_space<vmem>>[vector<16xi32>, vector<16xi32>], vector<16xf32>,
        %add3A_1861 = arith.constant 13 : i32
        %add3A_1862 = arith.addi %add3A_164, %add3A_1861 : i32
        %sub3A_1863 = arith.constant 1 : i32
        %sub3A_1864 = arith.subi %add3A_1862, %sub3A_1863 : i32
        %swap3A_1865 = arith.index_cast %sub3A_1864 : i32 to index
        %swap3A_1866 = arith.constant 208 : index
        %swap3A_1867 = tpu.vector_load %arg7[%swap3A_1865, %swap3A_1866] {strides = array<i32>} : memref<352x256xf32, #tpu.memory_space<vmem>>, vector<16xf32>,
        tpu.vector_store %arg7[%swap3A_1865, %swap3A_1866], %gather3A_1729 {strides = array<i32>} : memref<352x256xf32, #tpu.memory_space<vmem>>, vector<16xf32>,
        %gather3A_1868 = tpu.vector_load_idx %arg6[%gather3A_1755, %add3A_50] : memref<41x256xf32, #tpu.memory_space<vmem>>[vector<16xi32>, vector<16xi32>], vector<16xf32>,
        %add3A_1869 = arith.constant 13 : i32
        %add3A_1870 = arith.addi %add3A_164, %add3A_1869 : i32
        %sub3A_1871 = arith.constant 1 : i32
        %sub3A_1872 = arith.subi %add3A_1870, %sub3A_1871 : i32
        %swap3A_1873 = arith.index_cast %sub3A_1872 : i32 to index
        %swap3A_1874 = arith.constant 224 : index
        %swap3A_1875 = tpu.vector_load %arg7[%swap3A_1873, %swap3A_1874] {strides = array<i32>} : memref<352x256xf32, #tpu.memory_space<vmem>>, vector<16xf32>,
        tpu.vector_store %arg7[%swap3A_1873, %swap3A_1874], %gather3A_1737 {strides = array<i32>} : memref<352x256xf32, #tpu.memory_space<vmem>>, vector<16xf32>,
        %gather3A_1876 = tpu.vector_load_idx %arg6[%gather3A_1755, %add3A_53] : memref<41x256xf32, #tpu.memory_space<vmem>>[vector<16xi32>, vector<16xi32>], vector<16xf32>,
        %add3A_1877 = arith.constant 13 : i32
        %add3A_1878 = arith.addi %add3A_164, %add3A_1877 : i32
        %sub3A_1879 = arith.constant 1 : i32
        %sub3A_1880 = arith.subi %add3A_1878, %sub3A_1879 : i32
        %swap3A_1881 = arith.index_cast %sub3A_1880 : i32 to index
        %swap3A_1882 = arith.constant 240 : index
        %swap3A_1883 = tpu.vector_load %arg7[%swap3A_1881, %swap3A_1882] {strides = array<i32>} : memref<352x256xf32, #tpu.memory_space<vmem>>, vector<16xf32>,
        tpu.vector_store %arg7[%swap3A_1881, %swap3A_1882], %gather3A_1745 {strides = array<i32>} : memref<352x256xf32, #tpu.memory_space<vmem>>, vector<16xf32>,
        %broadcast_in_dim3A_1884 = vector.shape_cast %broadcast_in_dim3A_82 : vector<16xi32> to vector<16x1xi32>
        %gather3A_1885 = vector.shape_cast %broadcast_in_dim3A_1884 : vector<16x1xi32> to vector<16xi32>
        %gather3A_1886 = tpu.dynamic_gather %get3A_159[%gather3A_1885] in [0] : vector<16xi32>, vector<16xi32> -> vector<16xi32>
        %gather3A_1887 = tpu.vector_load_idx %arg6[%gather3A_1886, %add3A_8] : memref<41x256xf32, #tpu.memory_space<vmem>>[vector<16xi32>, vector<16xi32>], vector<16xf32>,
        %add3A_1888 = arith.constant 14 : i32
        %add3A_1889 = arith.addi %add3A_164, %add3A_1888 : i32
        %sub3A_1890 = arith.constant 1 : i32
        %sub3A_1891 = arith.subi %add3A_1889, %sub3A_1890 : i32
        %swap3A_1892 = arith.index_cast %sub3A_1891 : i32 to index
        %swap3A_1893 = arith.constant 0 : index
        %swap3A_1894 = tpu.vector_load %arg7[%swap3A_1892, %swap3A_1893] {strides = array<i32>} : memref<352x256xf32, #tpu.memory_space<vmem>>, vector<16xf32>,
        tpu.vector_store %arg7[%swap3A_1892, %swap3A_1893], %gather3A_1756 {strides = array<i32>} : memref<352x256xf32, #tpu.memory_space<vmem>>, vector<16xf32>,
        %gather3A_1895 = tpu.vector_load_idx %arg6[%gather3A_1886, %add3A_11] : memref<41x256xf32, #tpu.memory_space<vmem>>[vector<16xi32>, vector<16xi32>], vector<16xf32>,
        %add3A_1896 = arith.constant 14 : i32
        %add3A_1897 = arith.addi %add3A_164, %add3A_1896 : i32
        %sub3A_1898 = arith.constant 1 : i32
        %sub3A_1899 = arith.subi %add3A_1897, %sub3A_1898 : i32
        %swap3A_1900 = arith.index_cast %sub3A_1899 : i32 to index
        %swap3A_1901 = arith.constant 16 : index
        %swap3A_1902 = tpu.vector_load %arg7[%swap3A_1900, %swap3A_1901] {strides = array<i32>} : memref<352x256xf32, #tpu.memory_space<vmem>>, vector<16xf32>,
        tpu.vector_store %arg7[%swap3A_1900, %swap3A_1901], %gather3A_1764 {strides = array<i32>} : memref<352x256xf32, #tpu.memory_space<vmem>>, vector<16xf32>,
        %gather3A_1903 = tpu.vector_load_idx %arg6[%gather3A_1886, %add3A_14] : memref<41x256xf32, #tpu.memory_space<vmem>>[vector<16xi32>, vector<16xi32>], vector<16xf32>,
        %add3A_1904 = arith.constant 14 : i32
        %add3A_1905 = arith.addi %add3A_164, %add3A_1904 : i32
        %sub3A_1906 = arith.constant 1 : i32
        %sub3A_1907 = arith.subi %add3A_1905, %sub3A_1906 : i32
        %swap3A_1908 = arith.index_cast %sub3A_1907 : i32 to index
        %swap3A_1909 = arith.constant 32 : index
        %swap3A_1910 = tpu.vector_load %arg7[%swap3A_1908, %swap3A_1909] {strides = array<i32>} : memref<352x256xf32, #tpu.memory_space<vmem>>, vector<16xf32>,
        tpu.vector_store %arg7[%swap3A_1908, %swap3A_1909], %gather3A_1772 {strides = array<i32>} : memref<352x256xf32, #tpu.memory_space<vmem>>, vector<16xf32>,
        %gather3A_1911 = tpu.vector_load_idx %arg6[%gather3A_1886, %add3A_17] : memref<41x256xf32, #tpu.memory_space<vmem>>[vector<16xi32>, vector<16xi32>], vector<16xf32>,
        %add3A_1912 = arith.constant 14 : i32
        %add3A_1913 = arith.addi %add3A_164, %add3A_1912 : i32
        %sub3A_1914 = arith.constant 1 : i32
        %sub3A_1915 = arith.subi %add3A_1913, %sub3A_1914 : i32
        %swap3A_1916 = arith.index_cast %sub3A_1915 : i32 to index
        %swap3A_1917 = arith.constant 48 : index
        %swap3A_1918 = tpu.vector_load %arg7[%swap3A_1916, %swap3A_1917] {strides = array<i32>} : memref<352x256xf32, #tpu.memory_space<vmem>>, vector<16xf32>,
        tpu.vector_store %arg7[%swap3A_1916, %swap3A_1917], %gather3A_1780 {strides = array<i32>} : memref<352x256xf32, #tpu.memory_space<vmem>>, vector<16xf32>,
        %gather3A_1919 = tpu.vector_load_idx %arg6[%gather3A_1886, %add3A_20] : memref<41x256xf32, #tpu.memory_space<vmem>>[vector<16xi32>, vector<16xi32>], vector<16xf32>,
        %add3A_1920 = arith.constant 14 : i32
        %add3A_1921 = arith.addi %add3A_164, %add3A_1920 : i32
        %sub3A_1922 = arith.constant 1 : i32
        %sub3A_1923 = arith.subi %add3A_1921, %sub3A_1922 : i32
        %swap3A_1924 = arith.index_cast %sub3A_1923 : i32 to index
        %swap3A_1925 = arith.constant 64 : index
        %swap3A_1926 = tpu.vector_load %arg7[%swap3A_1924, %swap3A_1925] {strides = array<i32>} : memref<352x256xf32, #tpu.memory_space<vmem>>, vector<16xf32>,
        tpu.vector_store %arg7[%swap3A_1924, %swap3A_1925], %gather3A_1788 {strides = array<i32>} : memref<352x256xf32, #tpu.memory_space<vmem>>, vector<16xf32>,
        %gather3A_1927 = tpu.vector_load_idx %arg6[%gather3A_1886, %add3A_23] : memref<41x256xf32, #tpu.memory_space<vmem>>[vector<16xi32>, vector<16xi32>], vector<16xf32>,
        %add3A_1928 = arith.constant 14 : i32
        %add3A_1929 = arith.addi %add3A_164, %add3A_1928 : i32
        %sub3A_1930 = arith.constant 1 : i32
        %sub3A_1931 = arith.subi %add3A_1929, %sub3A_1930 : i32
        %swap3A_1932 = arith.index_cast %sub3A_1931 : i32 to index
        %swap3A_1933 = arith.constant 80 : index
        %swap3A_1934 = tpu.vector_load %arg7[%swap3A_1932, %swap3A_1933] {strides = array<i32>} : memref<352x256xf32, #tpu.memory_space<vmem>>, vector<16xf32>,
        tpu.vector_store %arg7[%swap3A_1932, %swap3A_1933], %gather3A_1796 {strides = array<i32>} : memref<352x256xf32, #tpu.memory_space<vmem>>, vector<16xf32>,
        %gather3A_1935 = tpu.vector_load_idx %arg6[%gather3A_1886, %add3A_26] : memref<41x256xf32, #tpu.memory_space<vmem>>[vector<16xi32>, vector<16xi32>], vector<16xf32>,
        %add3A_1936 = arith.constant 14 : i32
        %add3A_1937 = arith.addi %add3A_164, %add3A_1936 : i32
        %sub3A_1938 = arith.constant 1 : i32
        %sub3A_1939 = arith.subi %add3A_1937, %sub3A_1938 : i32
        %swap3A_1940 = arith.index_cast %sub3A_1939 : i32 to index
        %swap3A_1941 = arith.constant 96 : index
        %swap3A_1942 = tpu.vector_load %arg7[%swap3A_1940, %swap3A_1941] {strides = array<i32>} : memref<352x256xf32, #tpu.memory_space<vmem>>, vector<16xf32>,
        tpu.vector_store %arg7[%swap3A_1940, %swap3A_1941], %gather3A_1804 {strides = array<i32>} : memref<352x256xf32, #tpu.memory_space<vmem>>, vector<16xf32>,
        %gather3A_1943 = tpu.vector_load_idx %arg6[%gather3A_1886, %add3A_29] : memref<41x256xf32, #tpu.memory_space<vmem>>[vector<16xi32>, vector<16xi32>], vector<16xf32>,
        %add3A_1944 = arith.constant 14 : i32
        %add3A_1945 = arith.addi %add3A_164, %add3A_1944 : i32
        %sub3A_1946 = arith.constant 1 : i32
        %sub3A_1947 = arith.subi %add3A_1945, %sub3A_1946 : i32
        %swap3A_1948 = arith.index_cast %sub3A_1947 : i32 to index
        %swap3A_1949 = arith.constant 112 : index
        %swap3A_1950 = tpu.vector_load %arg7[%swap3A_1948, %swap3A_1949] {strides = array<i32>} : memref<352x256xf32, #tpu.memory_space<vmem>>, vector<16xf32>,
        tpu.vector_store %arg7[%swap3A_1948, %swap3A_1949], %gather3A_1812 {strides = array<i32>} : memref<352x256xf32, #tpu.memory_space<vmem>>, vector<16xf32>,
        %gather3A_1951 = tpu.vector_load_idx %arg6[%gather3A_1886, %add3A_32] : memref<41x256xf32, #tpu.memory_space<vmem>>[vector<16xi32>, vector<16xi32>], vector<16xf32>,
        %add3A_1952 = arith.constant 14 : i32
        %add3A_1953 = arith.addi %add3A_164, %add3A_1952 : i32
        %sub3A_1954 = arith.constant 1 : i32
        %sub3A_1955 = arith.subi %add3A_1953, %sub3A_1954 : i32
        %swap3A_1956 = arith.index_cast %sub3A_1955 : i32 to index
        %swap3A_1957 = arith.constant 128 : index
        %swap3A_1958 = tpu.vector_load %arg7[%swap3A_1956, %swap3A_1957] {strides = array<i32>} : memref<352x256xf32, #tpu.memory_space<vmem>>, vector<16xf32>,
        tpu.vector_store %arg7[%swap3A_1956, %swap3A_1957], %gather3A_1820 {strides = array<i32>} : memref<352x256xf32, #tpu.memory_space<vmem>>, vector<16xf32>,
        %gather3A_1959 = tpu.vector_load_idx %arg6[%gather3A_1886, %add3A_35] : memref<41x256xf32, #tpu.memory_space<vmem>>[vector<16xi32>, vector<16xi32>], vector<16xf32>,
        %add3A_1960 = arith.constant 14 : i32
        %add3A_1961 = arith.addi %add3A_164, %add3A_1960 : i32
        %sub3A_1962 = arith.constant 1 : i32
        %sub3A_1963 = arith.subi %add3A_1961, %sub3A_1962 : i32
        %swap3A_1964 = arith.index_cast %sub3A_1963 : i32 to index
        %swap3A_1965 = arith.constant 144 : index
        %swap3A_1966 = tpu.vector_load %arg7[%swap3A_1964, %swap3A_1965] {strides = array<i32>} : memref<352x256xf32, #tpu.memory_space<vmem>>, vector<16xf32>,
        tpu.vector_store %arg7[%swap3A_1964, %swap3A_1965], %gather3A_1828 {strides = array<i32>} : memref<352x256xf32, #tpu.memory_space<vmem>>, vector<16xf32>,
        %gather3A_1967 = tpu.vector_load_idx %arg6[%gather3A_1886, %add3A_38] : memref<41x256xf32, #tpu.memory_space<vmem>>[vector<16xi32>, vector<16xi32>], vector<16xf32>,
        %add3A_1968 = arith.constant 14 : i32
        %add3A_1969 = arith.addi %add3A_164, %add3A_1968 : i32
        %sub3A_1970 = arith.constant 1 : i32
        %sub3A_1971 = arith.subi %add3A_1969, %sub3A_1970 : i32
        %swap3A_1972 = arith.index_cast %sub3A_1971 : i32 to index
        %swap3A_1973 = arith.constant 160 : index
        %swap3A_1974 = tpu.vector_load %arg7[%swap3A_1972, %swap3A_1973] {strides = array<i32>} : memref<352x256xf32, #tpu.memory_space<vmem>>, vector<16xf32>,
        tpu.vector_store %arg7[%swap3A_1972, %swap3A_1973], %gather3A_1836 {strides = array<i32>} : memref<352x256xf32, #tpu.memory_space<vmem>>, vector<16xf32>,
        %gather3A_1975 = tpu.vector_load_idx %arg6[%gather3A_1886, %add3A_41] : memref<41x256xf32, #tpu.memory_space<vmem>>[vector<16xi32>, vector<16xi32>], vector<16xf32>,
        %add3A_1976 = arith.constant 14 : i32
        %add3A_1977 = arith.addi %add3A_164, %add3A_1976 : i32
        %sub3A_1978 = arith.constant 1 : i32
        %sub3A_1979 = arith.subi %add3A_1977, %sub3A_1978 : i32
        %swap3A_1980 = arith.index_cast %sub3A_1979 : i32 to index
        %swap3A_1981 = arith.constant 176 : index
        %swap3A_1982 = tpu.vector_load %arg7[%swap3A_1980, %swap3A_1981] {strides = array<i32>} : memref<352x256xf32, #tpu.memory_space<vmem>>, vector<16xf32>,
        tpu.vector_store %arg7[%swap3A_1980, %swap3A_1981], %gather3A_1844 {strides = array<i32>} : memref<352x256xf32, #tpu.memory_space<vmem>>, vector<16xf32>,
        %gather3A_1983 = tpu.vector_load_idx %arg6[%gather3A_1886, %add3A_44] : memref<41x256xf32, #tpu.memory_space<vmem>>[vector<16xi32>, vector<16xi32>], vector<16xf32>,
        %add3A_1984 = arith.constant 14 : i32
        %add3A_1985 = arith.addi %add3A_164, %add3A_1984 : i32
        %sub3A_1986 = arith.constant 1 : i32
        %sub3A_1987 = arith.subi %add3A_1985, %sub3A_1986 : i32
        %swap3A_1988 = arith.index_cast %sub3A_1987 : i32 to index
        %swap3A_1989 = arith.constant 192 : index
        %swap3A_1990 = tpu.vector_load %arg7[%swap3A_1988, %swap3A_1989] {strides = array<i32>} : memref<352x256xf32, #tpu.memory_space<vmem>>, vector<16xf32>,
        tpu.vector_store %arg7[%swap3A_1988, %swap3A_1989], %gather3A_1852 {strides = array<i32>} : memref<352x256xf32, #tpu.memory_space<vmem>>, vector<16xf32>,
        %gather3A_1991 = tpu.vector_load_idx %arg6[%gather3A_1886, %add3A_47] : memref<41x256xf32, #tpu.memory_space<vmem>>[vector<16xi32>, vector<16xi32>], vector<16xf32>,
        %add3A_1992 = arith.constant 14 : i32
        %add3A_1993 = arith.addi %add3A_164, %add3A_1992 : i32
        %sub3A_1994 = arith.constant 1 : i32
        %sub3A_1995 = arith.subi %add3A_1993, %sub3A_1994 : i32
        %swap3A_1996 = arith.index_cast %sub3A_1995 : i32 to index
        %swap3A_1997 = arith.constant 208 : index
        %swap3A_1998 = tpu.vector_load %arg7[%swap3A_1996, %swap3A_1997] {strides = array<i32>} : memref<352x256xf32, #tpu.memory_space<vmem>>, vector<16xf32>,
        tpu.vector_store %arg7[%swap3A_1996, %swap3A_1997], %gather3A_1860 {strides = array<i32>} : memref<352x256xf32, #tpu.memory_space<vmem>>, vector<16xf32>,
        %gather3A_1999 = tpu.vector_load_idx %arg6[%gather3A_1886, %add3A_50] : memref<41x256xf32, #tpu.memory_space<vmem>>[vector<16xi32>, vector<16xi32>], vector<16xf32>,
        %add3A_2000 = arith.constant 14 : i32
        %add3A_2001 = arith.addi %add3A_164, %add3A_2000 : i32
        %sub3A_2002 = arith.constant 1 : i32
        %sub3A_2003 = arith.subi %add3A_2001, %sub3A_2002 : i32
        %swap3A_2004 = arith.index_cast %sub3A_2003 : i32 to index
        %swap3A_2005 = arith.constant 224 : index
        %swap3A_2006 = tpu.vector_load %arg7[%swap3A_2004, %swap3A_2005] {strides = array<i32>} : memref<352x256xf32, #tpu.memory_space<vmem>>, vector<16xf32>,
        tpu.vector_store %arg7[%swap3A_2004, %swap3A_2005], %gather3A_1868 {strides = array<i32>} : memref<352x256xf32, #tpu.memory_space<vmem>>, vector<16xf32>,
        %gather3A_2007 = tpu.vector_load_idx %arg6[%gather3A_1886, %add3A_53] : memref<41x256xf32, #tpu.memory_space<vmem>>[vector<16xi32>, vector<16xi32>], vector<16xf32>,
        %add3A_2008 = arith.constant 14 : i32
        %add3A_2009 = arith.addi %add3A_164, %add3A_2008 : i32
        %sub3A_2010 = arith.constant 1 : i32
        %sub3A_2011 = arith.subi %add3A_2009, %sub3A_2010 : i32
        %swap3A_2012 = arith.index_cast %sub3A_2011 : i32 to index
        %swap3A_2013 = arith.constant 240 : index
        %swap3A_2014 = tpu.vector_load %arg7[%swap3A_2012, %swap3A_2013] {strides = array<i32>} : memref<352x256xf32, #tpu.memory_space<vmem>>, vector<16xf32>,
        tpu.vector_store %arg7[%swap3A_2012, %swap3A_2013], %gather3A_1876 {strides = array<i32>} : memref<352x256xf32, #tpu.memory_space<vmem>>, vector<16xf32>,
        %broadcast_in_dim3A_2015 = vector.shape_cast %broadcast_in_dim3A_84 : vector<16xi32> to vector<16x1xi32>
        %gather3A_2016 = vector.shape_cast %broadcast_in_dim3A_2015 : vector<16x1xi32> to vector<16xi32>
        %gather3A_2017 = tpu.dynamic_gather %get3A_159[%gather3A_2016] in [0] : vector<16xi32>, vector<16xi32> -> vector<16xi32>
        %gather3A_2018 = tpu.vector_load_idx %arg6[%gather3A_2017, %add3A_8] : memref<41x256xf32, #tpu.memory_space<vmem>>[vector<16xi32>, vector<16xi32>], vector<16xf32>,
        %add3A_2019 = arith.constant 15 : i32
        %add3A_2020 = arith.addi %add3A_164, %add3A_2019 : i32
        %sub3A_2021 = arith.constant 1 : i32
        %sub3A_2022 = arith.subi %add3A_2020, %sub3A_2021 : i32
        %swap3A_2023 = arith.index_cast %sub3A_2022 : i32 to index
        %swap3A_2024 = arith.constant 0 : index
        %swap3A_2025 = tpu.vector_load %arg7[%swap3A_2023, %swap3A_2024] {strides = array<i32>} : memref<352x256xf32, #tpu.memory_space<vmem>>, vector<16xf32>,
        tpu.vector_store %arg7[%swap3A_2023, %swap3A_2024], %gather3A_1887 {strides = array<i32>} : memref<352x256xf32, #tpu.memory_space<vmem>>, vector<16xf32>,
        %gather3A_2026 = tpu.vector_load_idx %arg6[%gather3A_2017, %add3A_11] : memref<41x256xf32, #tpu.memory_space<vmem>>[vector<16xi32>, vector<16xi32>], vector<16xf32>,
        %add3A_2027 = arith.constant 15 : i32
        %add3A_2028 = arith.addi %add3A_164, %add3A_2027 : i32
        %sub3A_2029 = arith.constant 1 : i32
        %sub3A_2030 = arith.subi %add3A_2028, %sub3A_2029 : i32
        %swap3A_2031 = arith.index_cast %sub3A_2030 : i32 to index
        %swap3A_2032 = arith.constant 16 : index
        %swap3A_2033 = tpu.vector_load %arg7[%swap3A_2031, %swap3A_2032] {strides = array<i32>} : memref<352x256xf32, #tpu.memory_space<vmem>>, vector<16xf32>,
        tpu.vector_store %arg7[%swap3A_2031, %swap3A_2032], %gather3A_1895 {strides = array<i32>} : memref<352x256xf32, #tpu.memory_space<vmem>>, vector<16xf32>,
        %gather3A_2034 = tpu.vector_load_idx %arg6[%gather3A_2017, %add3A_14] : memref<41x256xf32, #tpu.memory_space<vmem>>[vector<16xi32>, vector<16xi32>], vector<16xf32>,
        %add3A_2035 = arith.constant 15 : i32
        %add3A_2036 = arith.addi %add3A_164, %add3A_2035 : i32
        %sub3A_2037 = arith.constant 1 : i32
        %sub3A_2038 = arith.subi %add3A_2036, %sub3A_2037 : i32
        %swap3A_2039 = arith.index_cast %sub3A_2038 : i32 to index
        %swap3A_2040 = arith.constant 32 : index
        %swap3A_2041 = tpu.vector_load %arg7[%swap3A_2039, %swap3A_2040] {strides = array<i32>} : memref<352x256xf32, #tpu.memory_space<vmem>>, vector<16xf32>,
        tpu.vector_store %arg7[%swap3A_2039, %swap3A_2040], %gather3A_1903 {strides = array<i32>} : memref<352x256xf32, #tpu.memory_space<vmem>>, vector<16xf32>,
        %gather3A_2042 = tpu.vector_load_idx %arg6[%gather3A_2017, %add3A_17] : memref<41x256xf32, #tpu.memory_space<vmem>>[vector<16xi32>, vector<16xi32>], vector<16xf32>,
        %add3A_2043 = arith.constant 15 : i32
        %add3A_2044 = arith.addi %add3A_164, %add3A_2043 : i32
        %sub3A_2045 = arith.constant 1 : i32
        %sub3A_2046 = arith.subi %add3A_2044, %sub3A_2045 : i32
        %swap3A_2047 = arith.index_cast %sub3A_2046 : i32 to index
        %swap3A_2048 = arith.constant 48 : index
        %swap3A_2049 = tpu.vector_load %arg7[%swap3A_2047, %swap3A_2048] {strides = array<i32>} : memref<352x256xf32, #tpu.memory_space<vmem>>, vector<16xf32>,
        tpu.vector_store %arg7[%swap3A_2047, %swap3A_2048], %gather3A_1911 {strides = array<i32>} : memref<352x256xf32, #tpu.memory_space<vmem>>, vector<16xf32>,
        %gather3A_2050 = tpu.vector_load_idx %arg6[%gather3A_2017, %add3A_20] : memref<41x256xf32, #tpu.memory_space<vmem>>[vector<16xi32>, vector<16xi32>], vector<16xf32>,
        %add3A_2051 = arith.constant 15 : i32
        %add3A_2052 = arith.addi %add3A_164, %add3A_2051 : i32
        %sub3A_2053 = arith.constant 1 : i32
        %sub3A_2054 = arith.subi %add3A_2052, %sub3A_2053 : i32
        %swap3A_2055 = arith.index_cast %sub3A_2054 : i32 to index
        %swap3A_2056 = arith.constant 64 : index
        %swap3A_2057 = tpu.vector_load %arg7[%swap3A_2055, %swap3A_2056] {strides = array<i32>} : memref<352x256xf32, #tpu.memory_space<vmem>>, vector<16xf32>,
        tpu.vector_store %arg7[%swap3A_2055, %swap3A_2056], %gather3A_1919 {strides = array<i32>} : memref<352x256xf32, #tpu.memory_space<vmem>>, vector<16xf32>,
        %gather3A_2058 = tpu.vector_load_idx %arg6[%gather3A_2017, %add3A_23] : memref<41x256xf32, #tpu.memory_space<vmem>>[vector<16xi32>, vector<16xi32>], vector<16xf32>,
        %add3A_2059 = arith.constant 15 : i32
        %add3A_2060 = arith.addi %add3A_164, %add3A_2059 : i32
        %sub3A_2061 = arith.constant 1 : i32
        %sub3A_2062 = arith.subi %add3A_2060, %sub3A_2061 : i32
        %swap3A_2063 = arith.index_cast %sub3A_2062 : i32 to index
        %swap3A_2064 = arith.constant 80 : index
        %swap3A_2065 = tpu.vector_load %arg7[%swap3A_2063, %swap3A_2064] {strides = array<i32>} : memref<352x256xf32, #tpu.memory_space<vmem>>, vector<16xf32>,
        tpu.vector_store %arg7[%swap3A_2063, %swap3A_2064], %gather3A_1927 {strides = array<i32>} : memref<352x256xf32, #tpu.memory_space<vmem>>, vector<16xf32>,
        %gather3A_2066 = tpu.vector_load_idx %arg6[%gather3A_2017, %add3A_26] : memref<41x256xf32, #tpu.memory_space<vmem>>[vector<16xi32>, vector<16xi32>], vector<16xf32>,
        %add3A_2067 = arith.constant 15 : i32
        %add3A_2068 = arith.addi %add3A_164, %add3A_2067 : i32
        %sub3A_2069 = arith.constant 1 : i32
        %sub3A_2070 = arith.subi %add3A_2068, %sub3A_2069 : i32
        %swap3A_2071 = arith.index_cast %sub3A_2070 : i32 to index
        %swap3A_2072 = arith.constant 96 : index
        %swap3A_2073 = tpu.vector_load %arg7[%swap3A_2071, %swap3A_2072] {strides = array<i32>} : memref<352x256xf32, #tpu.memory_space<vmem>>, vector<16xf32>,
        tpu.vector_store %arg7[%swap3A_2071, %swap3A_2072], %gather3A_1935 {strides = array<i32>} : memref<352x256xf32, #tpu.memory_space<vmem>>, vector<16xf32>,
        %gather3A_2074 = tpu.vector_load_idx %arg6[%gather3A_2017, %add3A_29] : memref<41x256xf32, #tpu.memory_space<vmem>>[vector<16xi32>, vector<16xi32>], vector<16xf32>,
        %add3A_2075 = arith.constant 15 : i32
        %add3A_2076 = arith.addi %add3A_164, %add3A_2075 : i32
        %sub3A_2077 = arith.constant 1 : i32
        %sub3A_2078 = arith.subi %add3A_2076, %sub3A_2077 : i32
        %swap3A_2079 = arith.index_cast %sub3A_2078 : i32 to index
        %swap3A_2080 = arith.constant 112 : index
        %swap3A_2081 = tpu.vector_load %arg7[%swap3A_2079, %swap3A_2080] {strides = array<i32>} : memref<352x256xf32, #tpu.memory_space<vmem>>, vector<16xf32>,
        tpu.vector_store %arg7[%swap3A_2079, %swap3A_2080], %gather3A_1943 {strides = array<i32>} : memref<352x256xf32, #tpu.memory_space<vmem>>, vector<16xf32>,
        %gather3A_2082 = tpu.vector_load_idx %arg6[%gather3A_2017, %add3A_32] : memref<41x256xf32, #tpu.memory_space<vmem>>[vector<16xi32>, vector<16xi32>], vector<16xf32>,
        %add3A_2083 = arith.constant 15 : i32
        %add3A_2084 = arith.addi %add3A_164, %add3A_2083 : i32
        %sub3A_2085 = arith.constant 1 : i32
        %sub3A_2086 = arith.subi %add3A_2084, %sub3A_2085 : i32
        %swap3A_2087 = arith.index_cast %sub3A_2086 : i32 to index
        %swap3A_2088 = arith.constant 128 : index
        %swap3A_2089 = tpu.vector_load %arg7[%swap3A_2087, %swap3A_2088] {strides = array<i32>} : memref<352x256xf32, #tpu.memory_space<vmem>>, vector<16xf32>,
        tpu.vector_store %arg7[%swap3A_2087, %swap3A_2088], %gather3A_1951 {strides = array<i32>} : memref<352x256xf32, #tpu.memory_space<vmem>>, vector<16xf32>,
        %gather3A_2090 = tpu.vector_load_idx %arg6[%gather3A_2017, %add3A_35] : memref<41x256xf32, #tpu.memory_space<vmem>>[vector<16xi32>, vector<16xi32>], vector<16xf32>,
        %add3A_2091 = arith.constant 15 : i32
        %add3A_2092 = arith.addi %add3A_164, %add3A_2091 : i32
        %sub3A_2093 = arith.constant 1 : i32
        %sub3A_2094 = arith.subi %add3A_2092, %sub3A_2093 : i32
        %swap3A_2095 = arith.index_cast %sub3A_2094 : i32 to index
        %swap3A_2096 = arith.constant 144 : index
        %swap3A_2097 = tpu.vector_load %arg7[%swap3A_2095, %swap3A_2096] {strides = array<i32>} : memref<352x256xf32, #tpu.memory_space<vmem>>, vector<16xf32>,
        tpu.vector_store %arg7[%swap3A_2095, %swap3A_2096], %gather3A_1959 {strides = array<i32>} : memref<352x256xf32, #tpu.memory_space<vmem>>, vector<16xf32>,
        %gather3A_2098 = tpu.vector_load_idx %arg6[%gather3A_2017, %add3A_38] : memref<41x256xf32, #tpu.memory_space<vmem>>[vector<16xi32>, vector<16xi32>], vector<16xf32>,
        %add3A_2099 = arith.constant 15 : i32
        %add3A_2100 = arith.addi %add3A_164, %add3A_2099 : i32
        %sub3A_2101 = arith.constant 1 : i32
        %sub3A_2102 = arith.subi %add3A_2100, %sub3A_2101 : i32
        %swap3A_2103 = arith.index_cast %sub3A_2102 : i32 to index
        %swap3A_2104 = arith.constant 160 : index
        %swap3A_2105 = tpu.vector_load %arg7[%swap3A_2103, %swap3A_2104] {strides = array<i32>} : memref<352x256xf32, #tpu.memory_space<vmem>>, vector<16xf32>,
        tpu.vector_store %arg7[%swap3A_2103, %swap3A_2104], %gather3A_1967 {strides = array<i32>} : memref<352x256xf32, #tpu.memory_space<vmem>>, vector<16xf32>,
        %gather3A_2106 = tpu.vector_load_idx %arg6[%gather3A_2017, %add3A_41] : memref<41x256xf32, #tpu.memory_space<vmem>>[vector<16xi32>, vector<16xi32>], vector<16xf32>,
        %add3A_2107 = arith.constant 15 : i32
        %add3A_2108 = arith.addi %add3A_164, %add3A_2107 : i32
        %sub3A_2109 = arith.constant 1 : i32
        %sub3A_2110 = arith.subi %add3A_2108, %sub3A_2109 : i32
        %swap3A_2111 = arith.index_cast %sub3A_2110 : i32 to index
        %swap3A_2112 = arith.constant 176 : index
        %swap3A_2113 = tpu.vector_load %arg7[%swap3A_2111, %swap3A_2112] {strides = array<i32>} : memref<352x256xf32, #tpu.memory_space<vmem>>, vector<16xf32>,
        tpu.vector_store %arg7[%swap3A_2111, %swap3A_2112], %gather3A_1975 {strides = array<i32>} : memref<352x256xf32, #tpu.memory_space<vmem>>, vector<16xf32>,
        %gather3A_2114 = tpu.vector_load_idx %arg6[%gather3A_2017, %add3A_44] : memref<41x256xf32, #tpu.memory_space<vmem>>[vector<16xi32>, vector<16xi32>], vector<16xf32>,
        %add3A_2115 = arith.constant 15 : i32
        %add3A_2116 = arith.addi %add3A_164, %add3A_2115 : i32
        %sub3A_2117 = arith.constant 1 : i32
        %sub3A_2118 = arith.subi %add3A_2116, %sub3A_2117 : i32
        %swap3A_2119 = arith.index_cast %sub3A_2118 : i32 to index
        %swap3A_2120 = arith.constant 192 : index
        %swap3A_2121 = tpu.vector_load %arg7[%swap3A_2119, %swap3A_2120] {strides = array<i32>} : memref<352x256xf32, #tpu.memory_space<vmem>>, vector<16xf32>,
        tpu.vector_store %arg7[%swap3A_2119, %swap3A_2120], %gather3A_1983 {strides = array<i32>} : memref<352x256xf32, #tpu.memory_space<vmem>>, vector<16xf32>,
        %gather3A_2122 = tpu.vector_load_idx %arg6[%gather3A_2017, %add3A_47] : memref<41x256xf32, #tpu.memory_space<vmem>>[vector<16xi32>, vector<16xi32>], vector<16xf32>,
        %add3A_2123 = arith.constant 15 : i32
        %add3A_2124 = arith.addi %add3A_164, %add3A_2123 : i32
        %sub3A_2125 = arith.constant 1 : i32
        %sub3A_2126 = arith.subi %add3A_2124, %sub3A_2125 : i32
        %swap3A_2127 = arith.index_cast %sub3A_2126 : i32 to index
        %swap3A_2128 = arith.constant 208 : index
        %swap3A_2129 = tpu.vector_load %arg7[%swap3A_2127, %swap3A_2128] {strides = array<i32>} : memref<352x256xf32, #tpu.memory_space<vmem>>, vector<16xf32>,
        tpu.vector_store %arg7[%swap3A_2127, %swap3A_2128], %gather3A_1991 {strides = array<i32>} : memref<352x256xf32, #tpu.memory_space<vmem>>, vector<16xf32>,
        %gather3A_2130 = tpu.vector_load_idx %arg6[%gather3A_2017, %add3A_50] : memref<41x256xf32, #tpu.memory_space<vmem>>[vector<16xi32>, vector<16xi32>], vector<16xf32>,
        %add3A_2131 = arith.constant 15 : i32
        %add3A_2132 = arith.addi %add3A_164, %add3A_2131 : i32
        %sub3A_2133 = arith.constant 1 : i32
        %sub3A_2134 = arith.subi %add3A_2132, %sub3A_2133 : i32
        %swap3A_2135 = arith.index_cast %sub3A_2134 : i32 to index
        %swap3A_2136 = arith.constant 224 : index
        %swap3A_2137 = tpu.vector_load %arg7[%swap3A_2135, %swap3A_2136] {strides = array<i32>} : memref<352x256xf32, #tpu.memory_space<vmem>>, vector<16xf32>,
        tpu.vector_store %arg7[%swap3A_2135, %swap3A_2136], %gather3A_1999 {strides = array<i32>} : memref<352x256xf32, #tpu.memory_space<vmem>>, vector<16xf32>,
        %gather3A_2138 = tpu.vector_load_idx %arg6[%gather3A_2017, %add3A_53] : memref<41x256xf32, #tpu.memory_space<vmem>>[vector<16xi32>, vector<16xi32>], vector<16xf32>,
        %add3A_2139 = arith.constant 15 : i32
        %add3A_2140 = arith.addi %add3A_164, %add3A_2139 : i32
        %sub3A_2141 = arith.constant 1 : i32
        %sub3A_2142 = arith.subi %add3A_2140, %sub3A_2141 : i32
        %swap3A_2143 = arith.index_cast %sub3A_2142 : i32 to index
        %swap3A_2144 = arith.constant 240 : index
        %swap3A_2145 = tpu.vector_load %arg7[%swap3A_2143, %swap3A_2144] {strides = array<i32>} : memref<352x256xf32, #tpu.memory_space<vmem>>, vector<16xf32>,
        tpu.vector_store %arg7[%swap3A_2143, %swap3A_2144], %gather3A_2007 {strides = array<i32>} : memref<352x256xf32, #tpu.memory_space<vmem>>, vector<16xf32>,
        %add3A_2146 = arith.constant 15 : i32
        %add3A_2147 = arith.addi %add3A_164, %add3A_2146 : i32
        %swap3A_2148 = arith.index_cast %add3A_2147 : i32 to index
        %swap3A_2149 = arith.constant 0 : index
        %swap3A_2150 = tpu.vector_load %arg7[%swap3A_2148, %swap3A_2149] {strides = array<i32>} : memref<352x256xf32, #tpu.memory_space<vmem>>, vector<16xf32>,
        tpu.vector_store %arg7[%swap3A_2148, %swap3A_2149], %gather3A_2018 {strides = array<i32>} : memref<352x256xf32, #tpu.memory_space<vmem>>, vector<16xf32>,
        %add3A_2151 = arith.constant 15 : i32
        %add3A_2152 = arith.addi %add3A_164, %add3A_2151 : i32
        %swap3A_2153 = arith.index_cast %add3A_2152 : i32 to index
        %swap3A_2154 = arith.constant 16 : index
        %swap3A_2155 = tpu.vector_load %arg7[%swap3A_2153, %swap3A_2154] {strides = array<i32>} : memref<352x256xf32, #tpu.memory_space<vmem>>, vector<16xf32>,
        tpu.vector_store %arg7[%swap3A_2153, %swap3A_2154], %gather3A_2026 {strides = array<i32>} : memref<352x256xf32, #tpu.memory_space<vmem>>, vector<16xf32>,
        %add3A_2156 = arith.constant 15 : i32
        %add3A_2157 = arith.addi %add3A_164, %add3A_2156 : i32
        %swap3A_2158 = arith.index_cast %add3A_2157 : i32 to index
        %swap3A_2159 = arith.constant 32 : index
        %swap3A_2160 = tpu.vector_load %arg7[%swap3A_2158, %swap3A_2159] {strides = array<i32>} : memref<352x256xf32, #tpu.memory_space<vmem>>, vector<16xf32>,
        tpu.vector_store %arg7[%swap3A_2158, %swap3A_2159], %gather3A_2034 {strides = array<i32>} : memref<352x256xf32, #tpu.memory_space<vmem>>, vector<16xf32>,
        %add3A_2161 = arith.constant 15 : i32
        %add3A_2162 = arith.addi %add3A_164, %add3A_2161 : i32
        %swap3A_2163 = arith.index_cast %add3A_2162 : i32 to index
        %swap3A_2164 = arith.constant 48 : index
        %swap3A_2165 = tpu.vector_load %arg7[%swap3A_2163, %swap3A_2164] {strides = array<i32>} : memref<352x256xf32, #tpu.memory_space<vmem>>, vector<16xf32>,
        tpu.vector_store %arg7[%swap3A_2163, %swap3A_2164], %gather3A_2042 {strides = array<i32>} : memref<352x256xf32, #tpu.memory_space<vmem>>, vector<16xf32>,
        %add3A_2166 = arith.constant 15 : i32
        %add3A_2167 = arith.addi %add3A_164, %add3A_2166 : i32
        %swap3A_2168 = arith.index_cast %add3A_2167 : i32 to index
        %swap3A_2169 = arith.constant 64 : index
        %swap3A_2170 = tpu.vector_load %arg7[%swap3A_2168, %swap3A_2169] {strides = array<i32>} : memref<352x256xf32, #tpu.memory_space<vmem>>, vector<16xf32>,
        tpu.vector_store %arg7[%swap3A_2168, %swap3A_2169], %gather3A_2050 {strides = array<i32>} : memref<352x256xf32, #tpu.memory_space<vmem>>, vector<16xf32>,
        %add3A_2171 = arith.constant 15 : i32
        %add3A_2172 = arith.addi %add3A_164, %add3A_2171 : i32
        %swap3A_2173 = arith.index_cast %add3A_2172 : i32 to index
        %swap3A_2174 = arith.constant 80 : index
        %swap3A_2175 = tpu.vector_load %arg7[%swap3A_2173, %swap3A_2174] {strides = array<i32>} : memref<352x256xf32, #tpu.memory_space<vmem>>, vector<16xf32>,
        tpu.vector_store %arg7[%swap3A_2173, %swap3A_2174], %gather3A_2058 {strides = array<i32>} : memref<352x256xf32, #tpu.memory_space<vmem>>, vector<16xf32>,
        %add3A_2176 = arith.constant 15 : i32
        %add3A_2177 = arith.addi %add3A_164, %add3A_2176 : i32
        %swap3A_2178 = arith.index_cast %add3A_2177 : i32 to index
        %swap3A_2179 = arith.constant 96 : index
        %swap3A_2180 = tpu.vector_load %arg7[%swap3A_2178, %swap3A_2179] {strides = array<i32>} : memref<352x256xf32, #tpu.memory_space<vmem>>, vector<16xf32>,
        tpu.vector_store %arg7[%swap3A_2178, %swap3A_2179], %gather3A_2066 {strides = array<i32>} : memref<352x256xf32, #tpu.memory_space<vmem>>, vector<16xf32>,
        %add3A_2181 = arith.constant 15 : i32
        %add3A_2182 = arith.addi %add3A_164, %add3A_2181 : i32
        %swap3A_2183 = arith.index_cast %add3A_2182 : i32 to index
        %swap3A_2184 = arith.constant 112 : index
        %swap3A_2185 = tpu.vector_load %arg7[%swap3A_2183, %swap3A_2184] {strides = array<i32>} : memref<352x256xf32, #tpu.memory_space<vmem>>, vector<16xf32>,
        tpu.vector_store %arg7[%swap3A_2183, %swap3A_2184], %gather3A_2074 {strides = array<i32>} : memref<352x256xf32, #tpu.memory_space<vmem>>, vector<16xf32>,
        %add3A_2186 = arith.constant 15 : i32
        %add3A_2187 = arith.addi %add3A_164, %add3A_2186 : i32
        %swap3A_2188 = arith.index_cast %add3A_2187 : i32 to index
        %swap3A_2189 = arith.constant 128 : index
        %swap3A_2190 = tpu.vector_load %arg7[%swap3A_2188, %swap3A_2189] {strides = array<i32>} : memref<352x256xf32, #tpu.memory_space<vmem>>, vector<16xf32>,
        tpu.vector_store %arg7[%swap3A_2188, %swap3A_2189], %gather3A_2082 {strides = array<i32>} : memref<352x256xf32, #tpu.memory_space<vmem>>, vector<16xf32>,
        %add3A_2191 = arith.constant 15 : i32
        %add3A_2192 = arith.addi %add3A_164, %add3A_2191 : i32
        %swap3A_2193 = arith.index_cast %add3A_2192 : i32 to index
        %swap3A_2194 = arith.constant 144 : index
        %swap3A_2195 = tpu.vector_load %arg7[%swap3A_2193, %swap3A_2194] {strides = array<i32>} : memref<352x256xf32, #tpu.memory_space<vmem>>, vector<16xf32>,
        tpu.vector_store %arg7[%swap3A_2193, %swap3A_2194], %gather3A_2090 {strides = array<i32>} : memref<352x256xf32, #tpu.memory_space<vmem>>, vector<16xf32>,
        %add3A_2196 = arith.constant 15 : i32
        %add3A_2197 = arith.addi %add3A_164, %add3A_2196 : i32
        %swap3A_2198 = arith.index_cast %add3A_2197 : i32 to index
        %swap3A_2199 = arith.constant 160 : index
        %swap3A_2200 = tpu.vector_load %arg7[%swap3A_2198, %swap3A_2199] {strides = array<i32>} : memref<352x256xf32, #tpu.memory_space<vmem>>, vector<16xf32>,
        tpu.vector_store %arg7[%swap3A_2198, %swap3A_2199], %gather3A_2098 {strides = array<i32>} : memref<352x256xf32, #tpu.memory_space<vmem>>, vector<16xf32>,
        %add3A_2201 = arith.constant 15 : i32
        %add3A_2202 = arith.addi %add3A_164, %add3A_2201 : i32
        %swap3A_2203 = arith.index_cast %add3A_2202 : i32 to index
        %swap3A_2204 = arith.constant 176 : index
        %swap3A_2205 = tpu.vector_load %arg7[%swap3A_2203, %swap3A_2204] {strides = array<i32>} : memref<352x256xf32, #tpu.memory_space<vmem>>, vector<16xf32>,
        tpu.vector_store %arg7[%swap3A_2203, %swap3A_2204], %gather3A_2106 {strides = array<i32>} : memref<352x256xf32, #tpu.memory_space<vmem>>, vector<16xf32>,
        %add3A_2206 = arith.constant 15 : i32
        %add3A_2207 = arith.addi %add3A_164, %add3A_2206 : i32
        %swap3A_2208 = arith.index_cast %add3A_2207 : i32 to index
        %swap3A_2209 = arith.constant 192 : index
        %swap3A_2210 = tpu.vector_load %arg7[%swap3A_2208, %swap3A_2209] {strides = array<i32>} : memref<352x256xf32, #tpu.memory_space<vmem>>, vector<16xf32>,
        tpu.vector_store %arg7[%swap3A_2208, %swap3A_2209], %gather3A_2114 {strides = array<i32>} : memref<352x256xf32, #tpu.memory_space<vmem>>, vector<16xf32>,
        %add3A_2211 = arith.constant 15 : i32
        %add3A_2212 = arith.addi %add3A_164, %add3A_2211 : i32
        %swap3A_2213 = arith.index_cast %add3A_2212 : i32 to index
        %swap3A_2214 = arith.constant 208 : index
        %swap3A_2215 = tpu.vector_load %arg7[%swap3A_2213, %swap3A_2214] {strides = array<i32>} : memref<352x256xf32, #tpu.memory_space<vmem>>, vector<16xf32>,
        tpu.vector_store %arg7[%swap3A_2213, %swap3A_2214], %gather3A_2122 {strides = array<i32>} : memref<352x256xf32, #tpu.memory_space<vmem>>, vector<16xf32>,
        %add3A_2216 = arith.constant 15 : i32
        %add3A_2217 = arith.addi %add3A_164, %add3A_2216 : i32
        %swap3A_2218 = arith.index_cast %add3A_2217 : i32 to index
        %swap3A_2219 = arith.constant 224 : index
        %swap3A_2220 = tpu.vector_load %arg7[%swap3A_2218, %swap3A_2219] {strides = array<i32>} : memref<352x256xf32, #tpu.memory_space<vmem>>, vector<16xf32>,
        tpu.vector_store %arg7[%swap3A_2218, %swap3A_2219], %gather3A_2130 {strides = array<i32>} : memref<352x256xf32, #tpu.memory_space<vmem>>, vector<16xf32>,
        %add3A_2221 = arith.constant 15 : i32
        %add3A_2222 = arith.addi %add3A_164, %add3A_2221 : i32
        %swap3A_2223 = arith.index_cast %add3A_2222 : i32 to index
        %swap3A_2224 = arith.constant 240 : index
        %swap3A_2225 = tpu.vector_load %arg7[%swap3A_2223, %swap3A_2224] {strides = array<i32>} : memref<352x256xf32, #tpu.memory_space<vmem>>, vector<16xf32>,
        tpu.vector_store %arg7[%swap3A_2223, %swap3A_2224], %gather3A_2138 {strides = array<i32>} : memref<352x256xf32, #tpu.memory_space<vmem>>, vector<16xf32>,
      }
      %scan3A_142 = arith.constant 11 : i32
      %eq3A_143 = arith.constant 0 : i32
      %eq3A_144 = arith.cmpi eq, %select_n3A_123, %eq3A_143 : i32
      %convert_element_type3A_145 = arith.extui %eq3A_144 : i1 to i32
      %cond3A_146 = arith.constant 0 : i32
      %cond3A_147 = arith.cmpi ne, %convert_element_type3A_145, %cond3A_146 : i32
      scf.if %cond3A_147 {
        %mul3A_153 = arith.constant 176 : i32
        %mul3A_154 = arith.muli %scan3A_114, %mul3A_153 : i32
        %add3A_155 = arith.addi %min3A_3, %mul3A_154 : i32
        %dma_start3A_156 = arith.constant 0 : i32
        %dma_start3A_157 = arith.constant 0 : i32
        %dma_start3A_158 = tpu.memref_slice %arg7[%dma_start3A_156, %dma_start3A_157] : memref<352x256xf32, #tpu.memory_space<vmem>> -> memref<176x256xf32, #tpu.memory_space<vmem>>
        %dma_start3A_159 = arith.constant 0 : i32
        %dma_start3A_160 = tpu.memref_slice %arg4[%add3A_155, %dma_start3A_159] : memref<100000x256xf32, #tpu.memory_space<hbm>> -> memref<176x256xf32, #tpu.memory_space<hbm>>
        %dma_start3A_161 = arith.constant 0 : i32
        %dma_start3A_162 = tpu.memref_slice %arg4[%add3A_155, %dma_start3A_161] : memref<100000x256xf32, #tpu.memory_space<hbm>> -> memref<176x256xf32, #tpu.memory_space<hbm>>
        %dma_start3A_163 = arith.constant 0 : i32
        %dma_start3A_164 = arith.constant 0 : i32
        %dma_start3A_165 = tpu.memref_slice %arg7[%dma_start3A_163, %dma_start3A_164] : memref<352x256xf32, #tpu.memory_space<vmem>> -> memref<176x256xf32, #tpu.memory_space<vmem>>
        tpu.enqueue_dma source(%dma_start3A_165 : memref<176x256xf32, #tpu.memory_space<vmem>>) target(%dma_start3A_162 : memref<176x256xf32, #tpu.memory_space<hbm>>) target_semaphore(%arg8 : memref<!tpu.dma_semaphore, #tpu.memory_space<semaphore_mem>>)
      } else {
      }
      %eq3A_148 = arith.constant 1 : i32
      %eq3A_149 = arith.cmpi eq, %select_n3A_123, %eq3A_148 : i32
      %convert_element_type3A_150 = arith.extui %eq3A_149 : i1 to i32
      %cond3A_151 = arith.constant 0 : i32
      %cond3A_152 = arith.cmpi ne, %convert_element_type3A_150, %cond3A_151 : i32
      scf.if %cond3A_152 {
        %mul3A_153 = arith.constant 176 : i32
        %mul3A_154 = arith.muli %scan3A_114, %mul3A_153 : i32
        %add3A_155 = arith.addi %min3A_3, %mul3A_154 : i32
        %dma_start3A_156 = arith.constant 176 : i32
        %dma_start3A_157 = arith.constant 0 : i32
        %dma_start3A_158 = tpu.memref_slice %arg7[%dma_start3A_156, %dma_start3A_157] : memref<352x256xf32, #tpu.memory_space<vmem>> -> memref<176x256xf32, #tpu.memory_space<vmem>>
        %dma_start3A_159 = arith.constant 0 : i32
        %dma_start3A_160 = tpu.memref_slice %arg4[%add3A_155, %dma_start3A_159] : memref<100000x256xf32, #tpu.memory_space<hbm>> -> memref<176x256xf32, #tpu.memory_space<hbm>>
        %dma_start3A_161 = arith.constant 0 : i32
        %dma_start3A_162 = tpu.memref_slice %arg4[%add3A_155, %dma_start3A_161] : memref<100000x256xf32, #tpu.memory_space<hbm>> -> memref<176x256xf32, #tpu.memory_space<hbm>>
        %dma_start3A_163 = arith.constant 176 : i32
        %dma_start3A_164 = arith.constant 0 : i32
        %dma_start3A_165 = tpu.memref_slice %arg7[%dma_start3A_163, %dma_start3A_164] : memref<352x256xf32, #tpu.memory_space<vmem>> -> memref<176x256xf32, #tpu.memory_space<vmem>>
        tpu.enqueue_dma source(%dma_start3A_165 : memref<176x256xf32, #tpu.memory_space<vmem>>) target(%dma_start3A_162 : memref<176x256xf32, #tpu.memory_space<hbm>>) target_semaphore(%arg9 : memref<!tpu.dma_semaphore, #tpu.memory_space<semaphore_mem>>)
      } else {
      }
    }
    %scan3A_89 = arith.constant 18 : i32
    %dma_wait3A_90 = arith.constant 0 : i32
    %dma_wait3A_91 = arith.constant 0 : i32
    %dma_wait3A_92 = tpu.memref_slice %arg7[%dma_wait3A_90, %dma_wait3A_91] : memref<352x256xf32, #tpu.memory_space<vmem>> -> memref<176x256xf32, #tpu.memory_space<vmem>>
    %dma_wait3A_93 = arith.constant 0 : i32
    %dma_wait3A_94 = arith.constant 0 : i32
    %dma_wait3A_95 = tpu.memref_slice %arg4[%dma_wait3A_93, %dma_wait3A_94] : memref<100000x256xf32, #tpu.memory_space<hbm>> -> memref<176x256xf32, #tpu.memory_space<hbm>>
    %dma_wait3A_96 = arith.constant 0 : i32
    %dma_wait3A_97 = arith.constant 0 : i32
    %dma_wait3A_98 = tpu.memref_slice %arg4[%dma_wait3A_96, %dma_wait3A_97] : memref<100000x256xf32, #tpu.memory_space<hbm>> -> memref<176x256xf32, #tpu.memory_space<hbm>>
    %dma_wait3A_99 = arith.constant 0 : i32
    %dma_wait3A_100 = arith.constant 0 : i32
    %dma_wait3A_101 = tpu.memref_slice %arg7[%dma_wait3A_99, %dma_wait3A_100] : memref<352x256xf32, #tpu.memory_space<vmem>> -> memref<176x256xf32, #tpu.memory_space<vmem>>
    tpu.wait_dma2 semaphore(%arg8 : memref<!tpu.dma_semaphore, #tpu.memory_space<semaphore_mem>>) src(%dma_wait3A_101 : memref<176x256xf32, #tpu.memory_space<vmem>>) dst(%dma_wait3A_98 : memref<176x256xf32, #tpu.memory_space<hbm>>)
    %dma_wait3A_102 = arith.constant 176 : i32
    %dma_wait3A_103 = arith.constant 0 : i32
    %dma_wait3A_104 = tpu.memref_slice %arg7[%dma_wait3A_102, %dma_wait3A_103] : memref<352x256xf32, #tpu.memory_space<vmem>> -> memref<176x256xf32, #tpu.memory_space<vmem>>
    %dma_wait3A_105 = arith.constant 0 : i32
    %dma_wait3A_106 = arith.constant 0 : i32
    %dma_wait3A_107 = tpu.memref_slice %arg4[%dma_wait3A_105, %dma_wait3A_106] : memref<100000x256xf32, #tpu.memory_space<hbm>> -> memref<176x256xf32, #tpu.memory_space<hbm>>
    %dma_wait3A_108 = arith.constant 0 : i32
    %dma_wait3A_109 = arith.constant 0 : i32
    %dma_wait3A_110 = tpu.memref_slice %arg4[%dma_wait3A_108, %dma_wait3A_109] : memref<100000x256xf32, #tpu.memory_space<hbm>> -> memref<176x256xf32, #tpu.memory_space<hbm>>
    %dma_wait3A_111 = arith.constant 176 : i32
    %dma_wait3A_112 = arith.constant 0 : i32
    %dma_wait3A_113 = tpu.memref_slice %arg7[%dma_wait3A_111, %dma_wait3A_112] : memref<352x256xf32, #tpu.memory_space<vmem>> -> memref<176x256xf32, #tpu.memory_space<vmem>>
    tpu.wait_dma2 semaphore(%arg9 : memref<!tpu.dma_semaphore, #tpu.memory_space<semaphore_mem>>) src(%dma_wait3A_113 : memref<176x256xf32, #tpu.memory_space<vmem>>) dst(%dma_wait3A_110 : memref<176x256xf32, #tpu.memory_space<hbm>>)
    return
  }
}

</mosaic_0001>

<sc_bundles>
// kernel: kernel.3.cloned.1.call-start
scs
__scs_entry_jumppad:
0x0: {  	(pc) =	sbr.rel $0x88, $3  }
0x1: {  	(tag) =	ssettag $0x0;
	lr =	simm.s32 $0x1  }
0x2: {  	[smem:$0x3F9F] =	sst lr;
	_ =	strace $0xD0000000  }
0x3: {  	_ = 	snop  }
0x4: {  	_ = 	snop  }
0x5: {  	_ = 	snop  }
0x6: {  	_ = 	snop  }
0x7: {  	_ = 	snop  }
__scs_overlays_trampoline_lowered:
0x8: {  	[smem:$0x3FAE] =	sst s0  }
0x9: {  	[smem:$0x3FAF] =	sst s1  }
0xa: {  	[smem:$0x3FB0] =	sst s2  }
0xb: {  	[smem:$0x3FB1] =	sst s3  }
0xc: {  	[smem:$0x3FB2] =	sst s4  }
0xd: {  	[smem:$0x3FB3] =	sst s5  }
0xe: {  	[smem:$0x3FB4] =	sst s6  }
0xf: {  	[smem:$0x3FB5] =	sst s7  }
0x10: {  	[smem:$0x3FB6] =	sst s8  }
0x11: {  	[smem:$0x3FB7] =	sst s9;
	s0 =	simm.s32 @!p0 $0x0  }
0x12: {  	s1 =	sld [smem:$0x3F9D];
	s0 =	simm.s32 @p0 $0x1  }
0x13: {  	[smem:$0x3FB8] =	sst s0;
	s0 =	simm.s32 @!p1 $0x0  }
0x14: {  	s2 =	sld [smem:$0x3F9C];
	s0 =	simm.s32 @p1 $0x1  }
0x15: {  	[smem:$0x3FB9] =	sst s0;
	s0 =	simm.s32 @!p2 $0x0  }
0x16: {  	s3 =	sld [smem:$0x3FDB];
	s0 =	simm.s32 @p2 $0x1  }
0x17: {  	s4 =	simm.s32 $0x1BF5;
	[smem:$0x3FBB] =	sst s0  }
0x18: {  	s0 =	sld [smem:$0x3F9E];
	_ =	swait.ge [sflag:s4], $0x0  }
0x19: {  	s7 =	sld [smem:$0x3F9F]  }
0x1a: {  	s8 =	sadd.s32 $0xFFFFE003, lr  }
0x1b: {  	s9 =	sadd.s32 $0xFFFFFEF7, lr;
	s5 =	simm.s32 $0xFFFFFFFF;
	p2 =	slt.u32 s8, $0xFFFFF086  }
0x1c: {  	p1 =	slt.u32 s9, $0xF7A;
	s5 =	simm.s32 @!p2 $0x0  }
0x1d: {  	s5 =	simm.s32 @p1 $0x1;
	p0 =	seq.s32 s7, s2  }
0x1e: {  	s7 =	smul.u32 @!p0 $0xF7A, s2;
	p2 =	seq.s32 @!p0 s5, $0x0  }
0x1f: {  	s9 =	smul.u32 $0xF7A, s1;
	s8 =	simm.s32 @!p0 $0x1BF5;
	p2 =	por !p2, p0  }
0x20: {  	[sflag:s8] =	ssyncset.s32 @!p0 $0xFFFFF086;
	s6 =	sadd.s32 @!p0 s3, s7;
	s7 =	simm.s32 @!p0 $0x108  }
0x21: {  	s3 =	sadd.s32 s3, s9;
	s6 =	sadd.s32 @!p0 $0x88, s6;
	s7 =	simm.s32 @p2 $0x1082  }
0x22: {  	[simem:s7], [sflag:s8] =	dma.local @!p0 [hbm:s6], $0xF7A  }
0x23: {  	s9 =	sor.u32 $0xD0000000, s2;
	s6 =	simm.s32 $0x108;
	_ =	swait.ge @!p0 [sflag:s8], $0x0  }
0x24: {  	s3 =	sadd.s32 $0x88, s3;
	s6 =	simm.s32 @!p1 $0x1082;
	[sflag:s4] =	ssyncset.s32 $0xFFFFF086  }
0x25: {  	[simem:s6], [sflag:s4] =	dma.local [hbm:s3], $0xF7A  }
0x26: {  	[smem:$0x3F9F] =	sst s1;
	(tag) =	ssettag s2;
	_ =	strace s9  }
0x27: {  	s1 =	sld [smem:$0x3FAF]  }
0x28: {  	s2 =	sld [smem:$0x3FB0]  }
0x29: {  	s4 =	sld [smem:$0x3FB2]  }
0x2a: {  	p0 =	seq.s32 s5, $0x0;
	s5 =	sld [smem:$0x3FB3]  }
0x2b: {  	s6 =	sld [smem:$0x3FB4]  }
0x2c: {  	s7 =	sld [smem:$0x3FB5]  }
0x2d: {  	s3 =	simm.s32 $0x108;
	s8 =	sld [smem:$0x3FB6]  }
0x2e: {  	s3 =	simm.s32 @!p0 $0x1082;
	s9 =	sld [smem:$0x3FB7]  }
0x2f: {  	lr =	sadd.s32 s0, s3;
	s0 =	sld [smem:$0x3FAE]  }
0x30: {  	s3 =	sld [smem:$0x3FB1]  }
0x31: {  	[smem:$0x3FBA] =	sst s10  }
0x32: {  	s10 =	sld [smem:$0x3FB8];
	_ =	sdelay $0x3  }
0x33: {  	p0 =	seq.s32 s10, $0x1;
	s10 =	sld [smem:$0x3FBA];
	_ =	sdelay $0x3  }
0x34: {  	[smem:$0x3FBA] =	sst s10  }
0x35: {  	s10 =	sld [smem:$0x3FB9];
	_ =	sdelay $0x3  }
0x36: {  	p1 =	seq.s32 s10, $0x1;
	s10 =	sld [smem:$0x3FBA];
	_ =	sdelay $0x3  }
0x37: {  	[smem:$0x3FBA] =	sst s10  }
0x38: {  	s10 =	sld [smem:$0x3FBB]  }
0x39: {  	_ = 	snop;
	(pc) =	sbr.ind lr, $3  }
0x3a: {  	_ = 	snop  }
0x3b: {  	_ = 	snop  }
0x3c: {  	p2 =	seq.s32 s10, $0x1;
	s10 =	sld [smem:$0x3FBA]  }
0x3d: {  	_ =	shalt  }
0x3e: {  	_ =	shalt  }
0x3f: {  	_ =	shalt  }
0x40: {  	_ =	shalt  }
0x41: {  	_ =	shalt  }
0x42: {  	_ =	shalt  }
0x43: {  	_ =	shalt  }
0x44: {  	_ =	shalt  }
0x45: {  	_ =	shalt  }
0x46: {  	_ =	shalt  }
0x47: {  	_ =	shalt  }
0x48: {  	_ =	shalt  }
0x49: {  	_ =	shalt  }
0x4a: {  	_ =	shalt  }
0x4b: {  	_ =	shalt  }
0x4c: {  	_ =	shalt  }
0x4d: {  	_ =	shalt  }
0x4e: {  	_ =	shalt  }
0x4f: {  	_ =	shalt  }
0x50: {  	_ =	shalt  }
0x51: {  	_ =	shalt  }
0x52: {  	_ =	shalt  }
0x53: {  	_ =	shalt  }
0x54: {  	_ =	shalt  }
0x55: {  	_ =	shalt  }
0x56: {  	_ =	shalt  }
0x57: {  	_ =	shalt  }
0x58: {  	_ =	shalt  }
0x59: {  	_ =	shalt  }
0x5a: {  	_ =	shalt  }
0x5b: {  	_ =	shalt  }
0x5c: {  	_ =	shalt  }
0x5d: {  	_ =	shalt  }
0x5e: {  	_ =	shalt  }
0x5f: {  	_ =	shalt  }
0x60: {  	_ =	shalt  }
0x61: {  	_ =	shalt  }
0x62: {  	_ =	shalt  }
0x63: {  	_ =	shalt  }
0x64: {  	_ =	shalt  }
0x65: {  	_ =	shalt  }
0x66: {  	_ =	shalt  }
0x67: {  	_ =	shalt  }
0x68: {  	_ =	shalt  }
0x69: {  	_ =	shalt  }
0x6a: {  	_ =	shalt  }
0x6b: {  	_ =	shalt  }
0x6c: {  	_ =	shalt  }
0x6d: {  	_ =	shalt  }
0x6e: {  	_ =	shalt  }
0x6f: {  	_ =	shalt  }
0x70: {  	_ =	shalt  }
0x71: {  	_ =	shalt  }
0x72: {  	_ =	shalt  }
0x73: {  	_ =	shalt  }
0x74: {  	_ =	shalt  }
0x75: {  	_ =	shalt  }
0x76: {  	_ =	shalt  }
0x77: {  	_ =	shalt  }
0x78: {  	_ =	shalt  }
0x79: {  	_ =	shalt  }
0x7a: {  	_ =	shalt  }
0x7b: {  	_ =	shalt  }
0x7c: {  	_ =	shalt  }
0x7d: {  	_ =	shalt  }
0x7e: {  	_ =	shalt  }
0x7f: {  	_ =	shalt  }
0x80: {  	_ =	shalt  }
0x81: {  	_ =	shalt  }
0x82: {  	_ =	shalt  }
0x83: {  	_ =	shalt  }
0x84: {  	_ =	shalt  }
0x85: {  	_ =	shalt  }
0x86: {  	_ =	shalt  }
0x87: {  	_ =	shalt  }
.Lfunc_end0:
.L_simem_size_0:
called_computation_lowered:
.L_overlay_start_0:
0x88: {  	s2 =	sld [smem:$0x3FD9]  }
0x89: {  	s3 =	sld [smem:$0x3FFE];
	_ =	sdelay $0x1  }
0x8a: {  	s1 =	srdreg.scid  }
0x8b: {  	s0 =	sand.u32 $0x1, s1  }
0x8c: {  	s17 =	sshll.u32 s0, $0xA;
	s2 =	sadd.s32 s3, s2  }
0x8d: {  	s2 =	sadd.s32 s2, s17  }
0x8e: {  	[smem:$0x3FC6] =	sst s2  }
0x8f: {  	_ = 	snop  }
0x90: {  	s2 =	sld [smem:$0x3FC9]  }
0x91: {  	s18 =	sld [smem:$0x3FD0];
	(tm) =	ssettm $0x1  }
0x92: {  	s4 =	sld [smem:$0x3FFB];
	_ =	sdelay $0x3  }
0x93: {  	_ =	strace s4  }
0x94: {  	s4 =	sld [smem:$0x3FFC];
	_ =	sdelay $0x3  }
0x95: {  	_ =	strace s4  }
0x96: {  	s4 =	sld [smem:$0x3FFD];
	_ =	sdelay $0x3  }
0x97: {  	_ =	strace s4  }
0x98: {  	_ =	strace $0x8FFFFFFF  }
0x99: {  	s19 =	sld [smem:$0x3FDB];
	_ =	sdelay $0x1  }
0x9a: {  	s5 =	simm.s32 $_scs_section_size  }
0x9b: {  	s6 =	simm.s32 $_size__tile_overlayer_lowered;
	s7 =	simm.s32 $_tile_overlayer_lowered  }
0x9c: {  	s22 =	simm.s32 $0x1BFF;
	s21 =	sshll.u32 s7, $0x1;
	s4 =	sadd.s32 s5, s19  }
0x9d: {  	s8 =	simm.s32 $0x0;
	s20 =	sshll.u32 s6, $0x1;
	s6 =	sadd.s32 s21, s4  }
0x9e: {  	[timem:s8], [sflag:s22] =	dma.local [hbm:s6], s20  }
0x9f: {  	_ =	swait.ge [sflag:s22], s20  }
0xa0: {  	s5 =	ssub.s32 $0x0, s20;
	[sflag:s22] =	ssyncset.done $0x0  }
0xa1: {  	[sflag:s22] =	ssyncadd.s32 s5;
	_ =	sdelay $0x1  }
0xa2: {  	s23 =	simm.s32 $0x1B8B  }
0xa3: {  	_ =	swait.ge [sflag:s23], $0x1  }
0xa4: {  	[sflag:s23] =	ssyncset.done $0x0  }
0xa5: {  	s25 =	simm.s32 $0x1B8E;
	s24 =	sld [smem:$0x3FFE];
	[sflag:s23] =	ssyncadd.s32 $0xFFFFFFFF  }
0xa6: {  	s26 =	simm.s32 $execute0_lowered;
	[smem:$0x3FD2] =	sst s25  }
0xa7: {  	s6 =	sshll.u32 s26, $0x1;
	_ =	strace $0x80000046;
	[dreg:$0x1] =	wrdreg $0xFFFFFFFF  }
0xa8: {  	s28 =	simm.s32 $_size_execute0_lowered;
	s4 =	sadd.s32 s4, s6;
	[dreg:$0x0] =	wrdreg $0x0  }
0xa9: {  	s6 =	sshll.u32 s28, $0x1;
	[dreg:$0x2] =	wrdreg s4  }
0xaa: {  	[dreg:$0x3] =	wrdreg s6  }
0xab: {  	[dreg:$0x4] =	wrdreg $0xC0  }
0xac: {  	_ =	task [dreg:s8], $0x5FFFF  }
0xad: {  	[dreg:$0x1] =	wrdreg $0xFFFFFFFF  }
0xae: {  	[dreg:$0x0] =	wrdreg $0x60  }
0xaf: {  	[dreg:$0x2] =	wrdreg s2  }
0xb0: {  	[dreg:$0x3] =	wrdreg s24  }
0xb1: {  	[dreg:$0x4] =	wrdreg s18  }
0xb2: {  	[dreg:$0x5] =	wrdreg $0x9  }
0xb3: {  	_ =	task.clear_ibuf [dreg:s8], $0x6FFFF;
	_ =	strace $0x90000046  }
0xb4: {  	s29 =	simm.s32 $0x9;
	_ =	strace $0x80000048  }
0xb5: {  	_ =	swait.ge [sflag:s29], $0x1  }
0xb6: {  	[sflag:s29] =	ssyncadd.s32 $0xFFFFFFFF  }
0xb7: {  	_ =	strace $0x90000048  }
0xb8: {  	_ =	sfence  }
0xb9: {  	s30 =	sld [smem:$0x0];
	_ =	sdelay $0x2  }
0xba: {  	s31 =	sshll.u32 s1, $0xD;
	s1 =	sshrl.u32 s1, $0x2  }
0xbb: {  	s3 =	sand.u32 $0x4000, s31;
	s1 =	sadd.s32 s1, s30  }
0xbc: {  	s0 =	sor.u32 s3, s0;
	s1 =	sshll.u32 s1, $0x11  }
0xbd: {  	s0 =	sor.u32 s1, s0  }
0xbe: {  	s0 =	sadd.s32 $0x8F2B, s0  }
0xbf: {  	[sflag:s0] =	ssyncadd.remote.s32 $0x1  }
0xc0: {  	_ =	sfence.sel $0xFFFF  }
0xc1: {  	[dreg:$0x0] =	wrdreg $0xFFFFFFFF;
	(pc) =	sbr.abs _section_cstart, $3  }
0xc2: {  	[dreg:$0x1] =	wrdreg $0xFFFFFFFF  }
0xc3: {  	_ =	task.clear_ibuf [dreg:s8], $0x2FFFF;
	_ =	strace $0x9FFFFFFF  }
0xc4: {  	(tm) =	ssettm $0x7FFFFFFF  }
0xc5: {  	_ =	shalt  }
tec
execute0_lowered:
.L_overlay_start_1:
0x0: {  	(tag) =	ssettag $0x1  }
0x1: {  	v0 =	vimm.s32 $0x0;
	v1 =	vlaneseq.u32  }
0x2: {  	v2 =	vimm.s32 $0x8;
	v3 =	vimm.s32 $0x7;
	v19 =	vimm.s32 $0x1  }
0x3: {  	s2 =	srdreg.scid;
	v20 =	vimm.s32 $0x2;
	v21 =	vimm.s32 $0x3;
	v22 =	vimm.s32 $0x4  }
0x4: {  	s0 =	stileid.u32;
	s1 =	rddreg [dreg:$0x0];
	v23 =	vimm.s32 $0x5;
	v24 =	vimm.s32 $0x6;
	v25 =	vimm.s32 $0x9  }
0x5: {  	s6 =	rddreg [dreg:$0x1];
	v26 =	vimm.s32 $0xA;
	v27 =	vimm.s32 $0xB;
	v28 =	vimm.s32 $0xC;
	s5 =	sand.u32 $0x1, s2;
	s29 =	sshll.u32 s0, $0x1  }
0x6: {  	s3 =	rddreg [dreg:$0x2];
	s4 =	simm.s32 $0x0;
	v29 =	vimm.s32 $0xD;
	v30 =	vimm.s32 $0xE;
	v31 =	vimm.s32 $0xF;
	s2 =	sor.u32 s5, s29  }
0x7: {  	s10 =	simm.s32 $0x2;
	v4 =	vor.u32 $0x10, v1;
	v5 =	vor.u32 $0x20, v1;
	v6 =	vor.u32 $0x30, v1;
	[smem:$0x7FF] =	sst s4;
	s7 =	smul.u32 $0xC60, s2  }
0x8: {  	s11 =	simm.s32 $0x0;
	v7 =	vor.u32 $0x40, v1;
	v8 =	vor.u32 $0x50, v1;
	v9 =	vor.u32 $0x60, v1;
	s8 =	ssub.s32 $0x2, s5;
	s2 =	rddreg [dreg:$0x3]  }
0x9: {  	v10 =	vor.u32 $0x70, v1;
	v11 =	vor.u32 $0x400, v1;
	v12 =	vor.u32 $0x410, v1;
	s9 =	sshrl.u32 s8, $0x1;
	_ =	strace $0x80000047;
	s5 =	smin.u32 s7, $0x17A40  }
0xa: {  	v13 =	vor.u32 $0x420, v1;
	v14 =	vor.u32 $0x430, v1;
	v15 =	vor.u32 $0x440, v1;
	s30 =	ssub.s32 s8, s9;
	s8 =	simm.s32 $0xC80;
	s31 =	sshrl.u32 s5, $0x3  }
0xb: {  	v16 =	vor.u32 $0x450, v1;
	v17 =	vor.u32 $0x460, v1;
	v18 =	vor.u32 $0x470, v1;
	s9 =	simm.s32 $0x1;
	s7 =	smax.u32 s30, $0x1;
	s6 =	sadd.s32 s6, s31  }
.LBB2_1:
0xc: {  	[tilespmem:s8], [sflag:$0x1] =	stream.linear.gather [hbm4b:s1+s4], $0x3000, $0x38;
	[tilespmem:$0x19C80] =	vst v63  }
0xd: {  	_ = 	snop  }
0xe: {  	[tilespmem:s4], [sflag:$0x2] =	stream.linear.gather [hbm4b:s6+s4], $0xC60, $0x38;
	[tilespmem:$0x19C80] =	vst v63  }
0xf: {  	_ =	swait.ge [sflag:s9], $0x3000  }
0x10: {  	[sflag:s9] =	ssyncset.done $0x0  }
0x11: {  	[sflag:s9] =	ssyncadd.s32 $0xFFFFD000  }
0x12: {  	_ =	swait.ge [sflag:s10], $0xC60  }
0x13: {  	[sflag:s10] =	ssyncset.done $0x0  }
0x14: {  	s12 =	simm.s32 $0x0;
	[sflag:s10] =	ssyncadd.s32 $0xFFFFF3A0  }
.LBB2_2:
0x15: {  	s13 =	sand.u32 $0x1, s12;
	p1 =	slt.u32 s12, $0x2  }
0x16: {  	p0 =	sne.s32 @!p1 s13, $0x0  }
0x17: {  	p2 =	por p0, p1  }
0x18: {  	s15 =	smul.u32 $0x2C0, s12;
	s14 =	simm.s32 @!p2 $0x1  }
0x19: {  	p0 =	seq.s32 s13, $0x1;
	_ =	swait.ge @!p2 [sflag:s14], $0xB000  }
0x1a: {  	s16 =	sshra.s32 s15, $0x2;
	p1 =	por !p0, p1;
	[sflag:s14] =	ssyncset.done @!p2 $0x0  }
0x1b: {  	v32 =	vmov s16;
	[sflag:s14] =	ssyncadd.s32 @!p2 $0xFFFF5000;
	s14 =	simm.s32 @!p1 $0x2  }
0x1c: {  	_ =	swait.ge @!p1 [sflag:s14], $0xB000  }
0x1d: {  	[sflag:s14] =	ssyncset.done @!p1 $0x0  }
0x1e: {  	s15 =	simm.s32 $0x0;
	[sflag:s14] =	ssyncadd.s32 @!p1 $0xFFFF5000;
	s14 =	smul.u32 $0xB0, s13  }
.LBB2_3:
0x1f: {  	s16 =	sshll.u32 s15, $0x4  }
0x20: {  	v33 =	vld.idx.msk [tilespmem:v32+s16+$0x0 ss:$0x1], $0xffff;
	_ =	sdelay $0x4  }
0x21: {  	v34 =	vperm.xlane v33, v0;
	_ =	sdelay $0x1  }
0x22: {  	v35 =	vshll.u32 v34, $0x8;
	v34 =	vshll.u32 v34, $0x7  }
0x23: {  	v35 =	vand.u32 $0xFFFFF800, v35;
	v34 =	vand.u32 $0x380, v34  }
0x24: {  	v34 =	vor.u32 v34, v35  }
0x25: {  	v35 =	vor.u32 v1, v34  }
0x26: {  	v36 =	vor.u32 v4, v34  }
0x27: {  	v37 =	vor.u32 v5, v34  }
0x28: {  	v38 =	vor.u32 v6, v34  }
0x29: {  	v39 =	vor.u32 v7, v34  }
0x2a: {  	v40 =	vor.u32 v8, v34;
	v35 =	vld.idx.msk [tilespmem:v35+s8+$0x0], $0xffff  }
0x2b: {  	v41 =	vor.u32 v9, v34;
	v36 =	vld.idx.msk [tilespmem:v36+s8+$0x0], $0xffff  }
0x2c: {  	v42 =	vor.u32 v10, v34;
	v37 =	vld.idx.msk [tilespmem:v37+s8+$0x0], $0xffff  }
0x2d: {  	v43 =	vor.u32 v11, v34;
	v38 =	vld.idx.msk [tilespmem:v38+s8+$0x0], $0xffff  }
0x2e: {  	v44 =	vor.u32 v12, v34;
	v39 =	vld.idx.msk [tilespmem:v39+s8+$0x0], $0xffff  }
0x2f: {  	v45 =	vor.u32 v13, v34;
	v40 =	vld.idx.msk [tilespmem:v40+s8+$0x0], $0xffff  }
0x30: {  	v47 =	vperm.xlane v33, v19;
	v46 =	vor.u32 v14, v34;
	v41 =	vld.idx.msk [tilespmem:v41+s8+$0x0], $0xffff  }
0x31: {  	v48 =	vor.u32 v15, v34;
	v42 =	vld.idx.msk [tilespmem:v42+s8+$0x0], $0xffff  }
0x32: {  	v50 =	vshll.u32 v47, $0x8;
	v47 =	vshll.u32 v47, $0x7;
	v49 =	vor.u32 v16, v34;
	v43 =	vld.idx.msk [tilespmem:v43+s8+$0x0], $0xffff  }
0x33: {  	v50 =	vand.u32 $0xFFFFF800, v50;
	v47 =	vand.u32 $0x380, v47;
	v51 =	vor.u32 v17, v34;
	v44 =	vld.idx.msk [tilespmem:v44+s8+$0x0], $0xffff  }
0x34: {  	v47 =	vor.u32 v47, v50;
	v34 =	vor.u32 v18, v34;
	v45 =	vld.idx.msk [tilespmem:v45+s8+$0x0], $0xffff  }
0x35: {  	v50 =	vor.u32 v1, v47;
	v46 =	vld.idx.msk [tilespmem:v46+s8+$0x0], $0xffff  }
0x36: {  	v52 =	vor.u32 v4, v47;
	v48 =	vld.idx.msk [tilespmem:v48+s8+$0x0], $0xffff  }
0x37: {  	s16 =	sadd.s32 s14, s16;
	v53 =	vor.u32 v5, v47;
	v49 =	vld.idx.msk [tilespmem:v49+s8+$0x0], $0xffff  }
0x38: {  	s16 =	sshll.u32 s16, $0x8;
	v61 =	vor.u32 v6, v47;
	v51 =	vld.idx.msk [tilespmem:v51+s8+$0x0], $0xffff  }
0x39: {  	s16 =	sand.u32 $0x3FFFFF00, s16;
	v62 =	vor.u32 v7, v47;
	v34 =	vld.idx.msk [tilespmem:v34+s8+$0x0], $0xffff  }
0x3a: {  	v63 =	vor.u32 v8, v47;
	v50 =	vld.idx.msk [tilespmem:v50+s8+$0x0], $0xffff;
	[tilespmem:s16+$0x3C80] =	vst v35  }
0x3b: {  	v54 =	vor.u32 v9, v47;
	v52 =	vld.idx.msk [tilespmem:v52+s8+$0x0], $0xffff;
	[tilespmem:s16+$0x3C90] =	vst v36  }
0x3c: {  	v55 =	vor.u32 v10, v47;
	v53 =	vld.idx.msk [tilespmem:v53+s8+$0x0], $0xffff;
	[tilespmem:s16+$0x3CA0] =	vst v37  }
0x3d: {  	v56 =	vor.u32 v11, v47;
	v35 =	vld.idx.msk [tilespmem:v61+s8+$0x0], $0xffff;
	[tilespmem:s16+$0x3CB0] =	vst v38  }
0x3e: {  	v57 =	vor.u32 v12, v47;
	v36 =	vld.idx.msk [tilespmem:v62+s8+$0x0], $0xffff;
	[tilespmem:s16+$0x3CC0] =	vst v39  }
0x3f: {  	v58 =	vor.u32 v13, v47;
	v37 =	vld.idx.msk [tilespmem:v63+s8+$0x0], $0xffff;
	[tilespmem:s16+$0x3CD0] =	vst v40  }
0x40: {  	v59 =	vor.u32 v14, v47;
	v38 =	vld.idx.msk [tilespmem:v54+s8+$0x0], $0xffff;
	[tilespmem:s16+$0x3CE0] =	vst v41  }
0x41: {  	v60 =	vor.u32 v15, v47;
	v39 =	vld.idx.msk [tilespmem:v55+s8+$0x0], $0xffff;
	[tilespmem:s16+$0x3CF0] =	vst v42  }
0x42: {  	v54 =	vperm.xlane v33, v20;
	v40 =	vld.idx.msk [tilespmem:v56+s8+$0x0], $0xffff;
	[tilespmem:s16+$0x4080] =	vst v43  }
0x43: {  	v41 =	vld.idx.msk [tilespmem:v57+s8+$0x0], $0xffff;
	[tilespmem:s16+$0x4090] =	vst v44  }
0x44: {  	v61 =	vor.u32 v16, v47;
	v55 =	vshll.u32 v54, $0x8;
	v54 =	vshll.u32 v54, $0x7;
	v42 =	vld.idx.msk [tilespmem:v58+s8+$0x0], $0xffff;
	[tilespmem:s16+$0x40A0] =	vst v45  }
0x45: {  	v62 =	vor.u32 v17, v47;
	v63 =	vand.u32 $0xFFFFF800, v55;
	v54 =	vand.u32 $0x380, v54;
	v43 =	vld.idx.msk [tilespmem:v59+s8+$0x0], $0xffff;
	[tilespmem:s16+$0x40B0] =	vst v46  }
0x46: {  	v47 =	vor.u32 v18, v47;
	v44 =	vld.idx.msk [tilespmem:v60+s8+$0x0], $0xffff;
	[tilespmem:s16+$0x40C0] =	vst v48;
	v48 =	vor.u32 v54, v63  }
0x47: {  	v55 =	vor.u32 v1, v48  }
0x48: {  	v56 =	vor.u32 v4, v48  }
0x49: {  	v45 =	vld.idx.msk [tilespmem:v61+s8+$0x0], $0xffff;
	[tilespmem:s16+$0x40D0] =	vst v49;
	v57 =	vor.u32 v5, v48  }
0x4a: {  	v58 =	vor.u32 v6, v48;
	v46 =	vld.idx.msk [tilespmem:v62+s8+$0x0], $0xffff;
	[tilespmem:s16+$0x40E0] =	vst v51  }
0x4b: {  	v59 =	vor.u32 v7, v48;
	v47 =	vld.idx.msk [tilespmem:v47+s8+$0x0], $0xffff;
	[tilespmem:s16+$0x40F0] =	vst v34  }
0x4c: {  	v60 =	vor.u32 v8, v48;
	v49 =	vld.idx.msk [tilespmem:v55+s8+$0x0], $0xffff;
	[tilespmem:s16+$0x3D00] =	vst v50  }
0x4d: {  	v61 =	vor.u32 v9, v48;
	v51 =	vld.idx.msk [tilespmem:v56+s8+$0x0], $0xffff;
	[tilespmem:s16+$0x3D10] =	vst v52  }
0x4e: {  	v62 =	vor.u32 v10, v48;
	v34 =	vld.idx.msk [tilespmem:v57+s8+$0x0], $0xffff;
	[tilespmem:s16+$0x3D20] =	vst v53  }
0x4f: {  	v63 =	vor.u32 v11, v48;
	v50 =	vld.idx.msk [tilespmem:v58+s8+$0x0], $0xffff;
	[tilespmem:s16+$0x3D30] =	vst v35  }
0x50: {  	v54 =	vor.u32 v12, v48;
	v52 =	vld.idx.msk [tilespmem:v59+s8+$0x0], $0xffff;
	[tilespmem:s16+$0x3D40] =	vst v36  }
0x51: {  	v53 =	vld.idx.msk [tilespmem:v60+s8+$0x0], $0xffff;
	[tilespmem:s16+$0x3D50] =	vst v37  }
0x52: {  	v55 =	vor.u32 v13, v48;
	v35 =	vld.idx.msk [tilespmem:v61+s8+$0x0], $0xffff;
	[tilespmem:s16+$0x3D60] =	vst v38  }
0x53: {  	v56 =	vor.u32 v14, v48;
	v59 =	vperm.xlane v33, v21;
	v36 =	vld.idx.msk [tilespmem:v62+s8+$0x0], $0xffff;
	[tilespmem:s16+$0x3D70] =	vst v39  }
0x54: {  	v57 =	vor.u32 v15, v48;
	v37 =	vld.idx.msk [tilespmem:v63+s8+$0x0], $0xffff;
	[tilespmem:s16+$0x4100] =	vst v40  }
0x55: {  	v58 =	vor.u32 v16, v48;
	v61 =	vshll.u32 v59, $0x8;
	v38 =	vld.idx.msk [tilespmem:v54+s8+$0x0], $0xffff;
	v54 =	vshll.u32 v59, $0x7  }
0x56: {  	v60 =	vor.u32 v17, v48;
	v63 =	vand.u32 $0xFFFFF800, v61;
	[tilespmem:s16+$0x4110] =	vst v41;
	v54 =	vand.u32 $0x380, v54  }
0x57: {  	v62 =	vor.u32 v18, v48;
	v39 =	vld.idx.msk [tilespmem:v55+s8+$0x0], $0xffff;
	[tilespmem:s16+$0x4120] =	vst v42;
	v48 =	vor.u32 v54, v63  }
0x58: {  	v40 =	vld.idx.msk [tilespmem:v56+s8+$0x0], $0xffff;
	[tilespmem:s16+$0x4130] =	vst v43;
	v55 =	vor.u32 v1, v48  }
0x59: {  	v41 =	vld.idx.msk [tilespmem:v57+s8+$0x0], $0xffff;
	[tilespmem:s16+$0x4140] =	vst v44;
	v56 =	vor.u32 v4, v48  }
0x5a: {  	v57 =	vor.u32 v5, v48;
	v42 =	vld.idx.msk [tilespmem:v58+s8+$0x0], $0xffff;
	[tilespmem:s16+$0x4150] =	vst v45  }
0x5b: {  	v58 =	vor.u32 v6, v48;
	v43 =	vld.idx.msk [tilespmem:v60+s8+$0x0], $0xffff;
	[tilespmem:s16+$0x4160] =	vst v46  }
0x5c: {  	v59 =	vor.u32 v7, v48;
	v44 =	vld.idx.msk [tilespmem:v62+s8+$0x0], $0xffff;
	[tilespmem:s16+$0x4170] =	vst v47  }
0x5d: {  	v60 =	vor.u32 v8, v48;
	v45 =	vld.idx.msk [tilespmem:v55+s8+$0x0], $0xffff;
	[tilespmem:s16+$0x3D80] =	vst v49  }
0x5e: {  	v61 =	vor.u32 v9, v48;
	v46 =	vld.idx.msk [tilespmem:v56+s8+$0x0], $0xffff;
	[tilespmem:s16+$0x3D90] =	vst v51  }
0x5f: {  	v62 =	vor.u32 v10, v48;
	v47 =	vld.idx.msk [tilespmem:v57+s8+$0x0], $0xffff;
	[tilespmem:s16+$0x3DA0] =	vst v34  }
0x60: {  	v63 =	vor.u32 v11, v48;
	v49 =	vld.idx.msk [tilespmem:v58+s8+$0x0], $0xffff;
	[tilespmem:s16+$0x3DB0] =	vst v50  }
0x61: {  	v56 =	vor.u32 v12, v48;
	v51 =	vld.idx.msk [tilespmem:v59+s8+$0x0], $0xffff;
	[tilespmem:s16+$0x3DC0] =	vst v52  }
0x62: {  	v57 =	vor.u32 v13, v48;
	v34 =	vld.idx.msk [tilespmem:v60+s8+$0x0], $0xffff;
	[tilespmem:s16+$0x3DD0] =	vst v53  }
0x63: {  	v58 =	vor.u32 v14, v48;
	v50 =	vld.idx.msk [tilespmem:v61+s8+$0x0], $0xffff;
	[tilespmem:s16+$0x3DE0] =	vst v35  }
0x64: {  	v52 =	vld.idx.msk [tilespmem:v62+s8+$0x0], $0xffff;
	[tilespmem:s16+$0x3DF0] =	vst v36  }
0x65: {  	v59 =	vor.u32 v15, v48;
	v61 =	vperm.xlane v33, v22;
	v53 =	vld.idx.msk [tilespmem:v63+s8+$0x0], $0xffff;
	[tilespmem:s16+$0x4180] =	vst v37  }
0x66: {  	v60 =	vor.u32 v16, v48;
	v35 =	vld.idx.msk [tilespmem:v56+s8+$0x0], $0xffff;
	[tilespmem:s16+$0x4190] =	vst v38  }
0x67: {  	v63 =	vshll.u32 v61, $0x8;
	v54 =	vshll.u32 v61, $0x7;
	v36 =	vld.idx.msk [tilespmem:v57+s8+$0x0], $0xffff;
	[tilespmem:s16+$0x41A0] =	vst v39  }
0x68: {  	v62 =	vor.u32 v17, v48;
	v54 =	vand.u32 $0x380, v54;
	v37 =	vld.idx.msk [tilespmem:v58+s8+$0x0], $0xffff;
	v58 =	vand.u32 $0xFFFFF800, v63  }
0x69: {  	v57 =	vor.u32 v18, v48;
	[tilespmem:s16+$0x41B0] =	vst v40;
	v48 =	vor.u32 v54, v58  }
0x6a: {  	v38 =	vld.idx.msk [tilespmem:v59+s8+$0x0], $0xffff;
	[tilespmem:s16+$0x41C0] =	vst v41;
	v59 =	vor.u32 v1, v48  }
0x6b: {  	v39 =	vld.idx.msk [tilespmem:v60+s8+$0x0], $0xffff;
	v60 =	vor.u32 v4, v48  }
0x6c: {  	[tilespmem:s16+$0x41D0] =	vst v42;
	v61 =	vor.u32 v5, v48  }
0x6d: {  	v40 =	vld.idx.msk [tilespmem:v62+s8+$0x0], $0xffff;
	[tilespmem:s16+$0x41E0] =	vst v43;
	v62 =	vor.u32 v6, v48  }
0x6e: {  	v63 =	vor.u32 v7, v48;
	v41 =	vld.idx.msk [tilespmem:v57+s8+$0x0], $0xffff;
	[tilespmem:s16+$0x41F0] =	vst v44  }
0x6f: {  	v54 =	vor.u32 v8, v48;
	v42 =	vld.idx.msk [tilespmem:v59+s8+$0x0], $0xffff;
	[tilespmem:s16+$0x3E00] =	vst v45  }
0x70: {  	v55 =	vor.u32 v9, v48;
	v43 =	vld.idx.msk [tilespmem:v60+s8+$0x0], $0xffff;
	[tilespmem:s16+$0x3E10] =	vst v46  }
0x71: {  	v56 =	vor.u32 v10, v48;
	v44 =	vld.idx.msk [tilespmem:v61+s8+$0x0], $0xffff;
	[tilespmem:s16+$0x3E20] =	vst v47  }
0x72: {  	v57 =	vor.u32 v11, v48;
	v45 =	vld.idx.msk [tilespmem:v62+s8+$0x0], $0xffff;
	[tilespmem:s16+$0x3E30] =	vst v49  }
0x73: {  	v58 =	vor.u32 v12, v48;
	v46 =	vld.idx.msk [tilespmem:v63+s8+$0x0], $0xffff;
	[tilespmem:s16+$0x3E40] =	vst v51  }
0x74: {  	v59 =	vor.u32 v13, v48;
	v47 =	vld.idx.msk [tilespmem:v54+s8+$0x0], $0xffff;
	[tilespmem:s16+$0x3E50] =	vst v34  }
0x75: {  	v60 =	vor.u32 v14, v48;
	v49 =	vld.idx.msk [tilespmem:v55+s8+$0x0], $0xffff;
	[tilespmem:s16+$0x3E60] =	vst v50  }
0x76: {  	v51 =	vld.idx.msk [tilespmem:v56+s8+$0x0], $0xffff;
	[tilespmem:s16+$0x3E70] =	vst v52  }
0x77: {  	v61 =	vor.u32 v15, v48;
	v63 =	vperm.xlane v33, v23;
	v34 =	vld.idx.msk [tilespmem:v57+s8+$0x0], $0xffff;
	[tilespmem:s16+$0x4200] =	vst v53  }
0x78: {  	v62 =	vor.u32 v16, v48;
	v50 =	vld.idx.msk [tilespmem:v58+s8+$0x0], $0xffff;
	[tilespmem:s16+$0x4210] =	vst v35  }
0x79: {  	v54 =	vshll.u32 v63, $0x7;
	v58 =	vshll.u32 v63, $0x8;
	v52 =	vld.idx.msk [tilespmem:v59+s8+$0x0], $0xffff;
	[tilespmem:s16+$0x4220] =	vst v36  }
0x7a: {  	v54 =	vand.u32 $0x380, v54;
	v57 =	vor.u32 v17, v48;
	v53 =	vld.idx.msk [tilespmem:v60+s8+$0x0], $0xffff;
	v60 =	vand.u32 $0xFFFFF800, v58  }
0x7b: {  	v59 =	vor.u32 v18, v48;
	[tilespmem:s16+$0x4230] =	vst v37;
	v48 =	vor.u32 v54, v60  }
0x7c: {  	v35 =	vld.idx.msk [tilespmem:v61+s8+$0x0], $0xffff;
	[tilespmem:s16+$0x4240] =	vst v38;
	v61 =	vor.u32 v1, v48  }
0x7d: {  	v36 =	vld.idx.msk [tilespmem:v62+s8+$0x0], $0xffff;
	v62 =	vor.u32 v4, v48  }
0x7e: {  	[tilespmem:s16+$0x4250] =	vst v39;
	v63 =	vor.u32 v5, v48  }
0x7f: {  	v54 =	vor.u32 v6, v48;
	v37 =	vld.idx.msk [tilespmem:v57+s8+$0x0], $0xffff;
	[tilespmem:s16+$0x4260] =	vst v40  }
0x80: {  	v55 =	vor.u32 v7, v48;
	v38 =	vld.idx.msk [tilespmem:v59+s8+$0x0], $0xffff;
	[tilespmem:s16+$0x4270] =	vst v41  }
0x81: {  	v56 =	vor.u32 v8, v48;
	v39 =	vld.idx.msk [tilespmem:v61+s8+$0x0], $0xffff;
	[tilespmem:s16+$0x3E80] =	vst v42  }
0x82: {  	v57 =	vor.u32 v9, v48;
	v40 =	vld.idx.msk [tilespmem:v62+s8+$0x0], $0xffff;
	[tilespmem:s16+$0x3E90] =	vst v43  }
0x83: {  	v58 =	vor.u32 v10, v48;
	v41 =	vld.idx.msk [tilespmem:v63+s8+$0x0], $0xffff;
	[tilespmem:s16+$0x3EA0] =	vst v44  }
0x84: {  	v59 =	vor.u32 v11, v48;
	v42 =	vld.idx.msk [tilespmem:v54+s8+$0x0], $0xffff;
	[tilespmem:s16+$0x3EB0] =	vst v45  }
0x85: {  	v60 =	vor.u32 v12, v48;
	v43 =	vld.idx.msk [tilespmem:v55+s8+$0x0], $0xffff;
	[tilespmem:s16+$0x3EC0] =	vst v46  }
0x86: {  	v61 =	vor.u32 v13, v48;
	v44 =	vld.idx.msk [tilespmem:v56+s8+$0x0], $0xffff;
	[tilespmem:s16+$0x3ED0] =	vst v47  }
0x87: {  	v62 =	vor.u32 v14, v48;
	v45 =	vld.idx.msk [tilespmem:v57+s8+$0x0], $0xffff;
	[tilespmem:s16+$0x3EE0] =	vst v49  }
0x88: {  	v46 =	vld.idx.msk [tilespmem:v58+s8+$0x0], $0xffff;
	[tilespmem:s16+$0x3EF0] =	vst v51  }
0x89: {  	v63 =	vor.u32 v15, v48;
	v58 =	vperm.xlane v33, v24;
	v47 =	vld.idx.msk [tilespmem:v59+s8+$0x0], $0xffff;
	[tilespmem:s16+$0x4280] =	vst v34  }
0x8a: {  	v49 =	vld.idx.msk [tilespmem:v60+s8+$0x0], $0xffff;
	[tilespmem:s16+$0x4290] =	vst v50  }
0x8b: {  	v57 =	vor.u32 v16, v48;
	v60 =	vshll.u32 v58, $0x8;
	v54 =	vshll.u32 v58, $0x7;
	v51 =	vld.idx.msk [tilespmem:v61+s8+$0x0], $0xffff;
	[tilespmem:s16+$0x42A0] =	vst v52  }
0x8c: {  	v59 =	vor.u32 v17, v48;
	v54 =	vand.u32 $0x380, v54;
	v34 =	vld.idx.msk [tilespmem:v62+s8+$0x0], $0xffff;
	v62 =	vand.u32 $0xFFFFF800, v60  }
0x8d: {  	v61 =	vor.u32 v18, v48;
	[tilespmem:s16+$0x42B0] =	vst v53;
	v48 =	vor.u32 v54, v62  }
0x8e: {  	v50 =	vld.idx.msk [tilespmem:v63+s8+$0x0], $0xffff;
	v63 =	vor.u32 v1, v48  }
0x8f: {  	[tilespmem:s16+$0x42C0] =	vst v35;
	v56 =	vor.u32 v4, v48  }
0x90: {  	v52 =	vld.idx.msk [tilespmem:v57+s8+$0x0], $0xffff;
	[tilespmem:s16+$0x42D0] =	vst v36;
	v57 =	vor.u32 v5, v48  }
0x91: {  	v58 =	vor.u32 v6, v48;
	v53 =	vld.idx.msk [tilespmem:v59+s8+$0x0], $0xffff;
	[tilespmem:s16+$0x42E0] =	vst v37  }
0x92: {  	v59 =	vor.u32 v7, v48;
	v35 =	vld.idx.msk [tilespmem:v61+s8+$0x0], $0xffff;
	[tilespmem:s16+$0x42F0] =	vst v38  }
0x93: {  	v60 =	vor.u32 v8, v48;
	v36 =	vld.idx.msk [tilespmem:v63+s8+$0x0], $0xffff;
	[tilespmem:s16+$0x3F00] =	vst v39  }
0x94: {  	v61 =	vor.u32 v9, v48;
	v37 =	vld.idx.msk [tilespmem:v56+s8+$0x0], $0xffff;
	[tilespmem:s16+$0x3F10] =	vst v40  }
0x95: {  	v62 =	vor.u32 v10, v48;
	v38 =	vld.idx.msk [tilespmem:v57+s8+$0x0], $0xffff;
	[tilespmem:s16+$0x3F20] =	vst v41  }
0x96: {  	v63 =	vor.u32 v11, v48;
	v39 =	vld.idx.msk [tilespmem:v58+s8+$0x0], $0xffff;
	[tilespmem:s16+$0x3F30] =	vst v42  }
0x97: {  	v54 =	vor.u32 v12, v48;
	v40 =	vld.idx.msk [tilespmem:v59+s8+$0x0], $0xffff;
	[tilespmem:s16+$0x3F40] =	vst v43  }
0x98: {  	v55 =	vor.u32 v13, v48;
	v41 =	vld.idx.msk [tilespmem:v60+s8+$0x0], $0xffff;
	[tilespmem:s16+$0x3F50] =	vst v44  }
0x99: {  	v56 =	vor.u32 v14, v48;
	v42 =	vld.idx.msk [tilespmem:v61+s8+$0x0], $0xffff;
	[tilespmem:s16+$0x3F60] =	vst v45  }
0x9a: {  	v57 =	vor.u32 v15, v48;
	v43 =	vld.idx.msk [tilespmem:v62+s8+$0x0], $0xffff;
	[tilespmem:s16+$0x3F70] =	vst v46  }
0x9b: {  	v59 =	vperm.xlane v33, v3;
	v44 =	vld.idx.msk [tilespmem:v63+s8+$0x0], $0xffff;
	[tilespmem:s16+$0x4300] =	vst v47  }
0x9c: {  	v45 =	vld.idx.msk [tilespmem:v54+s8+$0x0], $0xffff;
	[tilespmem:s16+$0x4310] =	vst v49  }
0x9d: {  	v58 =	vor.u32 v16, v48;
	v61 =	vshll.u32 v59, $0x8;
	v54 =	vshll.u32 v59, $0x7;
	v46 =	vld.idx.msk [tilespmem:v55+s8+$0x0], $0xffff;
	[tilespmem:s16+$0x4320] =	vst v51  }
0x9e: {  	v60 =	vor.u32 v17, v48;
	v62 =	vand.u32 $0xFFFFF800, v61;
	v54 =	vand.u32 $0x380, v54;
	v47 =	vld.idx.msk [tilespmem:v56+s8+$0x0], $0xffff;
	[tilespmem:s16+$0x4330] =	vst v34  }
0x9f: {  	v48 =	vor.u32 v18, v48;
	v49 =	vld.idx.msk [tilespmem:v57+s8+$0x0], $0xffff;
	[tilespmem:s16+$0x4340] =	vst v50;
	v50 =	vor.u32 v54, v62  }
0xa0: {  	v63 =	vor.u32 v1, v50  }
0xa1: {  	v56 =	vor.u32 v4, v50  }
0xa2: {  	v51 =	vld.idx.msk [tilespmem:v58+s8+$0x0], $0xffff;
	[tilespmem:s16+$0x4350] =	vst v52;
	v57 =	vor.u32 v5, v50  }
0xa3: {  	v58 =	vor.u32 v6, v50;
	v34 =	vld.idx.msk [tilespmem:v60+s8+$0x0], $0xffff;
	[tilespmem:s16+$0x4360] =	vst v53  }
0xa4: {  	v59 =	vor.u32 v7, v50;
	v48 =	vld.idx.msk [tilespmem:v48+s8+$0x0], $0xffff;
	[tilespmem:s16+$0x4370] =	vst v35  }
0xa5: {  	v60 =	vor.u32 v8, v50;
	v52 =	vld.idx.msk [tilespmem:v63+s8+$0x0], $0xffff;
	[tilespmem:s16+$0x3F80] =	vst v36  }
0xa6: {  	v61 =	vor.u32 v9, v50;
	v53 =	vld.idx.msk [tilespmem:v56+s8+$0x0], $0xffff;
	[tilespmem:s16+$0x3F90] =	vst v37  }
0xa7: {  	v62 =	vor.u32 v10, v50;
	v35 =	vld.idx.msk [tilespmem:v57+s8+$0x0], $0xffff;
	[tilespmem:s16+$0x3FA0] =	vst v38  }
0xa8: {  	v63 =	vor.u32 v11, v50;
	v36 =	vld.idx.msk [tilespmem:v58+s8+$0x0], $0xffff;
	[tilespmem:s16+$0x3FB0] =	vst v39  }
0xa9: {  	v54 =	vor.u32 v12, v50;
	v37 =	vld.idx.msk [tilespmem:v59+s8+$0x0], $0xffff;
	[tilespmem:s16+$0x3FC0] =	vst v40  }
0xaa: {  	v38 =	vld.idx.msk [tilespmem:v60+s8+$0x0], $0xffff;
	[tilespmem:s16+$0x3FD0] =	vst v41  }
0xab: {  	v55 =	vor.u32 v13, v50;
	v39 =	vld.idx.msk [tilespmem:v61+s8+$0x0], $0xffff;
	[tilespmem:s16+$0x3FE0] =	vst v42  }
0xac: {  	v56 =	vor.u32 v14, v50;
	v59 =	vperm.xlane v33, v2;
	v40 =	vld.idx.msk [tilespmem:v62+s8+$0x0], $0xffff;
	[tilespmem:s16+$0x3FF0] =	vst v43  }
0xad: {  	v57 =	vor.u32 v15, v50;
	v41 =	vld.idx.msk [tilespmem:v63+s8+$0x0], $0xffff;
	[tilespmem:s16+$0x4380] =	vst v44  }
0xae: {  	v58 =	vor.u32 v16, v50;
	v61 =	vshll.u32 v59, $0x8;
	v42 =	vld.idx.msk [tilespmem:v54+s8+$0x0], $0xffff;
	v54 =	vshll.u32 v59, $0x7  }
0xaf: {  	v60 =	vor.u32 v17, v50;
	v63 =	vand.u32 $0xFFFFF800, v61;
	[tilespmem:s16+$0x4390] =	vst v45;
	v54 =	vand.u32 $0x380, v54  }
0xb0: {  	v62 =	vor.u32 v18, v50;
	v43 =	vld.idx.msk [tilespmem:v55+s8+$0x0], $0xffff;
	[tilespmem:s16+$0x43A0] =	vst v46;
	v50 =	vor.u32 v54, v63  }
0xb1: {  	v44 =	vld.idx.msk [tilespmem:v56+s8+$0x0], $0xffff;
	[tilespmem:s16+$0x43B0] =	vst v47;
	v55 =	vor.u32 v1, v50  }
0xb2: {  	v45 =	vld.idx.msk [tilespmem:v57+s8+$0x0], $0xffff;
	[tilespmem:s16+$0x43C0] =	vst v49;
	v56 =	vor.u32 v4, v50  }
0xb3: {  	v57 =	vor.u32 v5, v50;
	v46 =	vld.idx.msk [tilespmem:v58+s8+$0x0], $0xffff;
	[tilespmem:s16+$0x43D0] =	vst v51  }
0xb4: {  	v58 =	vor.u32 v6, v50;
	v47 =	vld.idx.msk [tilespmem:v60+s8+$0x0], $0xffff;
	[tilespmem:s16+$0x43E0] =	vst v34  }
0xb5: {  	v59 =	vor.u32 v7, v50;
	v49 =	vld.idx.msk [tilespmem:v62+s8+$0x0], $0xffff;
	[tilespmem:s16+$0x43F0] =	vst v48  }
0xb6: {  	v60 =	vor.u32 v8, v50;
	v51 =	vld.idx.msk [tilespmem:v55+s8+$0x0], $0xffff;
	[tilespmem:s16+$0x4000] =	vst v52  }
0xb7: {  	v61 =	vor.u32 v9, v50;
	v34 =	vld.idx.msk [tilespmem:v56+s8+$0x0], $0xffff;
	[tilespmem:s16+$0x4010] =	vst v53  }
0xb8: {  	v62 =	vor.u32 v10, v50;
	v48 =	vld.idx.msk [tilespmem:v57+s8+$0x0], $0xffff;
	[tilespmem:s16+$0x4020] =	vst v35  }
0xb9: {  	v63 =	vor.u32 v11, v50;
	v52 =	vld.idx.msk [tilespmem:v58+s8+$0x0], $0xffff;
	[tilespmem:s16+$0x4030] =	vst v36  }
0xba: {  	v54 =	vor.u32 v12, v50;
	v53 =	vld.idx.msk [tilespmem:v59+s8+$0x0], $0xffff;
	[tilespmem:s16+$0x4040] =	vst v37  }
0xbb: {  	v55 =	vor.u32 v13, v50;
	v35 =	vld.idx.msk [tilespmem:v60+s8+$0x0], $0xffff;
	[tilespmem:s16+$0x4050] =	vst v38  }
0xbc: {  	v56 =	vor.u32 v14, v50;
	v36 =	vld.idx.msk [tilespmem:v61+s8+$0x0], $0xffff;
	[tilespmem:s16+$0x4060] =	vst v39  }
0xbd: {  	v57 =	vor.u32 v15, v50;
	v59 =	vperm.xlane v33, v25;
	v37 =	vld.idx.msk [tilespmem:v62+s8+$0x0], $0xffff;
	[tilespmem:s16+$0x4070] =	vst v40  }
0xbe: {  	v58 =	vor.u32 v16, v50;
	v38 =	vld.idx.msk [tilespmem:v63+s8+$0x0], $0xffff;
	[tilespmem:s16+$0x4400] =	vst v41  }
0xbf: {  	v61 =	vshll.u32 v59, $0x8;
	v39 =	vld.idx.msk [tilespmem:v54+s8+$0x0], $0xffff;
	[tilespmem:s16+$0x4410] =	vst v42;
	v54 =	vshll.u32 v59, $0x7  }
0xc0: {  	v60 =	vor.u32 v17, v50;
	v63 =	vand.u32 $0xFFFFF800, v61;
	v40 =	vld.idx.msk [tilespmem:v55+s8+$0x0], $0xffff;
	[tilespmem:s16+$0x4420] =	vst v43;
	v54 =	vand.u32 $0x380, v54  }
0xc1: {  	v62 =	vor.u32 v18, v50;
	v41 =	vld.idx.msk [tilespmem:v56+s8+$0x0], $0xffff;
	[tilespmem:s16+$0x4430] =	vst v44;
	v50 =	vor.u32 v54, v63  }
0xc2: {  	v42 =	vld.idx.msk [tilespmem:v57+s8+$0x0], $0xffff;
	[tilespmem:s16+$0x4440] =	vst v45;
	v57 =	vor.u32 v1, v50  }
0xc3: {  	v43 =	vld.idx.msk [tilespmem:v58+s8+$0x0], $0xffff;
	v58 =	vor.u32 v4, v50  }
0xc4: {  	v59 =	vor.u32 v5, v50;
	[tilespmem:s16+$0x4450] =	vst v46  }
0xc5: {  	v44 =	vld.idx.msk [tilespmem:v60+s8+$0x0], $0xffff;
	[tilespmem:s16+$0x4460] =	vst v47;
	v60 =	vor.u32 v6, v50  }
0xc6: {  	v61 =	vor.u32 v7, v50;
	v45 =	vld.idx.msk [tilespmem:v62+s8+$0x0], $0xffff;
	[tilespmem:s16+$0x4470] =	vst v49  }
0xc7: {  	v62 =	vor.u32 v8, v50;
	v46 =	vld.idx.msk [tilespmem:v57+s8+$0x0], $0xffff;
	[tilespmem:s16+$0x4480] =	vst v51  }
0xc8: {  	v63 =	vor.u32 v9, v50;
	v47 =	vld.idx.msk [tilespmem:v58+s8+$0x0], $0xffff;
	[tilespmem:s16+$0x4490] =	vst v34  }
0xc9: {  	v56 =	vor.u32 v10, v50;
	v49 =	vld.idx.msk [tilespmem:v59+s8+$0x0], $0xffff;
	[tilespmem:s16+$0x44A0] =	vst v48  }
0xca: {  	v57 =	vor.u32 v11, v50;
	v51 =	vld.idx.msk [tilespmem:v60+s8+$0x0], $0xffff;
	[tilespmem:s16+$0x44B0] =	vst v52  }
0xcb: {  	v58 =	vor.u32 v12, v50;
	v34 =	vld.idx.msk [tilespmem:v61+s8+$0x0], $0xffff;
	[tilespmem:s16+$0x44C0] =	vst v53  }
0xcc: {  	v59 =	vor.u32 v13, v50;
	v48 =	vld.idx.msk [tilespmem:v62+s8+$0x0], $0xffff;
	[tilespmem:s16+$0x44D0] =	vst v35  }
0xcd: {  	v60 =	vor.u32 v14, v50;
	v52 =	vld.idx.msk [tilespmem:v63+s8+$0x0], $0xffff;
	[tilespmem:s16+$0x44E0] =	vst v36  }
0xce: {  	v53 =	vld.idx.msk [tilespmem:v56+s8+$0x0], $0xffff;
	[tilespmem:s16+$0x44F0] =	vst v37  }
0xcf: {  	v61 =	vor.u32 v15, v50;
	v63 =	vperm.xlane v33, v26;
	v35 =	vld.idx.msk [tilespmem:v57+s8+$0x0], $0xffff;
	[tilespmem:s16+$0x4880] =	vst v38  }
0xd0: {  	v62 =	vor.u32 v16, v50;
	v36 =	vld.idx.msk [tilespmem:v58+s8+$0x0], $0xffff;
	[tilespmem:s16+$0x4890] =	vst v39  }
0xd1: {  	v54 =	vshll.u32 v63, $0x7;
	v58 =	vshll.u32 v63, $0x8;
	v37 =	vld.idx.msk [tilespmem:v59+s8+$0x0], $0xffff;
	[tilespmem:s16+$0x48A0] =	vst v40  }
0xd2: {  	v57 =	vor.u32 v17, v50;
	v54 =	vand.u32 $0x380, v54;
	v38 =	vld.idx.msk [tilespmem:v60+s8+$0x0], $0xffff;
	v60 =	vand.u32 $0xFFFFF800, v58  }
0xd3: {  	v59 =	vor.u32 v18, v50;
	[tilespmem:s16+$0x48B0] =	vst v41;
	v50 =	vor.u32 v54, v60  }
0xd4: {  	v39 =	vld.idx.msk [tilespmem:v61+s8+$0x0], $0xffff;
	[tilespmem:s16+$0x48C0] =	vst v42;
	v61 =	vor.u32 v1, v50  }
0xd5: {  	v40 =	vld.idx.msk [tilespmem:v62+s8+$0x0], $0xffff;
	v62 =	vor.u32 v4, v50  }
0xd6: {  	[tilespmem:s16+$0x48D0] =	vst v43;
	v63 =	vor.u32 v5, v50  }
0xd7: {  	v54 =	vor.u32 v6, v50;
	v41 =	vld.idx.msk [tilespmem:v57+s8+$0x0], $0xffff;
	[tilespmem:s16+$0x48E0] =	vst v44  }
0xd8: {  	v55 =	vor.u32 v7, v50;
	v42 =	vld.idx.msk [tilespmem:v59+s8+$0x0], $0xffff;
	[tilespmem:s16+$0x48F0] =	vst v45  }
0xd9: {  	v56 =	vor.u32 v8, v50;
	v43 =	vld.idx.msk [tilespmem:v61+s8+$0x0], $0xffff;
	[tilespmem:s16+$0x4500] =	vst v46  }
0xda: {  	v57 =	vor.u32 v9, v50;
	v44 =	vld.idx.msk [tilespmem:v62+s8+$0x0], $0xffff;
	[tilespmem:s16+$0x4510] =	vst v47  }
0xdb: {  	v58 =	vor.u32 v10, v50;
	v45 =	vld.idx.msk [tilespmem:v63+s8+$0x0], $0xffff;
	[tilespmem:s16+$0x4520] =	vst v49  }
0xdc: {  	v59 =	vor.u32 v11, v50;
	v46 =	vld.idx.msk [tilespmem:v54+s8+$0x0], $0xffff;
	[tilespmem:s16+$0x4530] =	vst v51  }
0xdd: {  	v60 =	vor.u32 v12, v50;
	v47 =	vld.idx.msk [tilespmem:v55+s8+$0x0], $0xffff;
	[tilespmem:s16+$0x4540] =	vst v34  }
0xde: {  	v61 =	vor.u32 v13, v50;
	v49 =	vld.idx.msk [tilespmem:v56+s8+$0x0], $0xffff;
	[tilespmem:s16+$0x4550] =	vst v48  }
0xdf: {  	v62 =	vor.u32 v14, v50;
	v51 =	vld.idx.msk [tilespmem:v57+s8+$0x0], $0xffff;
	[tilespmem:s16+$0x4560] =	vst v52  }
0xe0: {  	v34 =	vld.idx.msk [tilespmem:v58+s8+$0x0], $0xffff;
	[tilespmem:s16+$0x4570] =	vst v53  }
0xe1: {  	v63 =	vor.u32 v15, v50;
	v58 =	vperm.xlane v33, v27;
	v48 =	vld.idx.msk [tilespmem:v59+s8+$0x0], $0xffff;
	[tilespmem:s16+$0x4900] =	vst v35  }
0xe2: {  	v52 =	vld.idx.msk [tilespmem:v60+s8+$0x0], $0xffff;
	[tilespmem:s16+$0x4910] =	vst v36  }
0xe3: {  	v57 =	vor.u32 v16, v50;
	v60 =	vshll.u32 v58, $0x8;
	v54 =	vshll.u32 v58, $0x7;
	v53 =	vld.idx.msk [tilespmem:v61+s8+$0x0], $0xffff;
	[tilespmem:s16+$0x4920] =	vst v37  }
0xe4: {  	v59 =	vor.u32 v17, v50;
	v54 =	vand.u32 $0x380, v54;
	v35 =	vld.idx.msk [tilespmem:v62+s8+$0x0], $0xffff;
	v62 =	vand.u32 $0xFFFFF800, v60  }
0xe5: {  	v61 =	vor.u32 v18, v50;
	[tilespmem:s16+$0x4930] =	vst v38;
	v50 =	vor.u32 v54, v62  }
0xe6: {  	v36 =	vld.idx.msk [tilespmem:v63+s8+$0x0], $0xffff;
	v63 =	vor.u32 v1, v50  }
0xe7: {  	[tilespmem:s16+$0x4940] =	vst v39;
	v54 =	vor.u32 v4, v50  }
0xe8: {  	v37 =	vld.idx.msk [tilespmem:v57+s8+$0x0], $0xffff;
	[tilespmem:s16+$0x4950] =	vst v40;
	v55 =	vor.u32 v5, v50  }
0xe9: {  	v56 =	vor.u32 v6, v50;
	v38 =	vld.idx.msk [tilespmem:v59+s8+$0x0], $0xffff;
	[tilespmem:s16+$0x4960] =	vst v41  }
0xea: {  	v57 =	vor.u32 v7, v50;
	v39 =	vld.idx.msk [tilespmem:v61+s8+$0x0], $0xffff;
	[tilespmem:s16+$0x4970] =	vst v42  }
0xeb: {  	v58 =	vor.u32 v8, v50;
	v40 =	vld.idx.msk [tilespmem:v63+s8+$0x0], $0xffff;
	[tilespmem:s16+$0x4580] =	vst v43  }
0xec: {  	v59 =	vor.u32 v9, v50;
	v41 =	vld.idx.msk [tilespmem:v54+s8+$0x0], $0xffff;
	[tilespmem:s16+$0x4590] =	vst v44  }
0xed: {  	v60 =	vor.u32 v10, v50;
	v42 =	vld.idx.msk [tilespmem:v55+s8+$0x0], $0xffff;
	[tilespmem:s16+$0x45A0] =	vst v45  }
0xee: {  	v61 =	vor.u32 v11, v50;
	v43 =	vld.idx.msk [tilespmem:v56+s8+$0x0], $0xffff;
	[tilespmem:s16+$0x45B0] =	vst v46  }
0xef: {  	v62 =	vor.u32 v12, v50;
	v44 =	vld.idx.msk [tilespmem:v57+s8+$0x0], $0xffff;
	[tilespmem:s16+$0x45C0] =	vst v47  }
0xf0: {  	v63 =	vor.u32 v13, v50;
	v45 =	vld.idx.msk [tilespmem:v58+s8+$0x0], $0xffff;
	[tilespmem:s16+$0x45D0] =	vst v49  }
0xf1: {  	v46 =	vld.idx.msk [tilespmem:v59+s8+$0x0], $0xffff;
	[tilespmem:s16+$0x45E0] =	vst v51  }
0xf2: {  	v56 =	vor.u32 v14, v50;
	v59 =	vperm.xlane v33, v28;
	v47 =	vld.idx.msk [tilespmem:v60+s8+$0x0], $0xffff;
	[tilespmem:s16+$0x45F0] =	vst v34  }
0xf3: {  	v57 =	vor.u32 v15, v50;
	v49 =	vld.idx.msk [tilespmem:v61+s8+$0x0], $0xffff;
	[tilespmem:s16+$0x4980] =	vst v48  }
0xf4: {  	v58 =	vor.u32 v16, v50;
	v61 =	vshll.u32 v59, $0x8;
	v54 =	vshll.u32 v59, $0x7;
	v51 =	vld.idx.msk [tilespmem:v62+s8+$0x0], $0xffff;
	[tilespmem:s16+$0x4990] =	vst v52  }
0xf5: {  	v60 =	vor.u32 v17, v50;
	v54 =	vand.u32 $0x380, v54;
	v34 =	vld.idx.msk [tilespmem:v63+s8+$0x0], $0xffff;
	v63 =	vand.u32 $0xFFFFF800, v61  }
0xf6: {  	v62 =	vor.u32 v18, v50;
	[tilespmem:s16+$0x49A0] =	vst v53;
	v50 =	vor.u32 v54, v63  }
0xf7: {  	v48 =	vld.idx.msk [tilespmem:v56+s8+$0x0], $0xffff;
	[tilespmem:s16+$0x49B0] =	vst v35;
	v56 =	vor.u32 v1, v50  }
0xf8: {  	v52 =	vld.idx.msk [tilespmem:v57+s8+$0x0], $0xffff;
	[tilespmem:s16+$0x49C0] =	vst v36;
	v57 =	vor.u32 v4, v50  }
0xf9: {  	v53 =	vld.idx.msk [tilespmem:v58+s8+$0x0], $0xffff;
	[tilespmem:s16+$0x49D0] =	vst v37;
	v58 =	vor.u32 v5, v50  }
0xfa: {  	v59 =	vor.u32 v6, v50;
	v35 =	vld.idx.msk [tilespmem:v60+s8+$0x0], $0xffff;
	[tilespmem:s16+$0x49E0] =	vst v38  }
0xfb: {  	v60 =	vor.u32 v7, v50;
	v36 =	vld.idx.msk [tilespmem:v62+s8+$0x0], $0xffff;
	[tilespmem:s16+$0x49F0] =	vst v39  }
0xfc: {  	v61 =	vor.u32 v8, v50;
	v37 =	vld.idx.msk [tilespmem:v56+s8+$0x0], $0xffff;
	[tilespmem:s16+$0x4600] =	vst v40  }
0xfd: {  	v62 =	vor.u32 v9, v50;
	v38 =	vld.idx.msk [tilespmem:v57+s8+$0x0], $0xffff;
	[tilespmem:s16+$0x4610] =	vst v41  }
0xfe: {  	v63 =	vor.u32 v10, v50;
	v39 =	vld.idx.msk [tilespmem:v58+s8+$0x0], $0xffff;
	[tilespmem:s16+$0x4620] =	vst v42  }
0xff: {  	v54 =	vor.u32 v11, v50;
	v40 =	vld.idx.msk [tilespmem:v59+s8+$0x0], $0xffff;
	[tilespmem:s16+$0x4630] =	vst v43  }
0x100: {  	v55 =	vor.u32 v12, v50;
	v41 =	vld.idx.msk [tilespmem:v60+s8+$0x0], $0xffff;
	[tilespmem:s16+$0x4640] =	vst v44  }
0x101: {  	v56 =	vor.u32 v13, v50;
	v42 =	vld.idx.msk [tilespmem:v61+s8+$0x0], $0xffff;
	[tilespmem:s16+$0x4650] =	vst v45  }
0x102: {  	v57 =	vor.u32 v14, v50;
	v43 =	vld.idx.msk [tilespmem:v62+s8+$0x0], $0xffff;
	[tilespmem:s16+$0x4660] =	vst v46  }
0x103: {  	v58 =	vor.u32 v15, v50;
	v44 =	vld.idx.msk [tilespmem:v63+s8+$0x0], $0xffff;
	[tilespmem:s16+$0x4670] =	vst v47  }
0x104: {  	v60 =	vperm.xlane v33, v29;
	v45 =	vld.idx.msk [tilespmem:v54+s8+$0x0], $0xffff;
	[tilespmem:s16+$0x4A00] =	vst v49  }
0x105: {  	v46 =	vld.idx.msk [tilespmem:v55+s8+$0x0], $0xffff;
	[tilespmem:s16+$0x4A10] =	vst v51  }
0x106: {  	v59 =	vor.u32 v16, v50;
	v62 =	vshll.u32 v60, $0x8;
	v54 =	vshll.u32 v60, $0x7;
	v47 =	vld.idx.msk [tilespmem:v56+s8+$0x0], $0xffff;
	[tilespmem:s16+$0x4A20] =	vst v34  }
0x107: {  	v61 =	vor.u32 v17, v50;
	v63 =	vand.u32 $0xFFFFF800, v62;
	v54 =	vand.u32 $0x380, v54;
	v49 =	vld.idx.msk [tilespmem:v57+s8+$0x0], $0xffff;
	[tilespmem:s16+$0x4A30] =	vst v48  }
0x108: {  	v50 =	vor.u32 v18, v50;
	v51 =	vld.idx.msk [tilespmem:v58+s8+$0x0], $0xffff;
	[tilespmem:s16+$0x4A40] =	vst v52;
	v52 =	vor.u32 v54, v63  }
0x109: {  	v56 =	vor.u32 v1, v52  }
0x10a: {  	v57 =	vor.u32 v4, v52  }
0x10b: {  	v34 =	vld.idx.msk [tilespmem:v59+s8+$0x0], $0xffff;
	[tilespmem:s16+$0x4A50] =	vst v53;
	v58 =	vor.u32 v5, v52  }
0x10c: {  	v59 =	vor.u32 v6, v52;
	v48 =	vld.idx.msk [tilespmem:v61+s8+$0x0], $0xffff;
	[tilespmem:s16+$0x4A60] =	vst v35  }
0x10d: {  	v60 =	vor.u32 v7, v52;
	v50 =	vld.idx.msk [tilespmem:v50+s8+$0x0], $0xffff;
	[tilespmem:s16+$0x4A70] =	vst v36  }
0x10e: {  	v61 =	vor.u32 v8, v52;
	v53 =	vld.idx.msk [tilespmem:v56+s8+$0x0], $0xffff;
	[tilespmem:s16+$0x4680] =	vst v37  }
0x10f: {  	v62 =	vor.u32 v9, v52;
	v35 =	vld.idx.msk [tilespmem:v57+s8+$0x0], $0xffff;
	[tilespmem:s16+$0x4690] =	vst v38  }
0x110: {  	v63 =	vor.u32 v10, v52;
	v36 =	vld.idx.msk [tilespmem:v58+s8+$0x0], $0xffff;
	[tilespmem:s16+$0x46A0] =	vst v39  }
0x111: {  	v54 =	vor.u32 v11, v52;
	v37 =	vld.idx.msk [tilespmem:v59+s8+$0x0], $0xffff;
	[tilespmem:s16+$0x46B0] =	vst v40  }
0x112: {  	v55 =	vor.u32 v12, v52;
	v38 =	vld.idx.msk [tilespmem:v60+s8+$0x0], $0xffff;
	[tilespmem:s16+$0x46C0] =	vst v41  }
0x113: {  	v56 =	vor.u32 v13, v52;
	v39 =	vld.idx.msk [tilespmem:v61+s8+$0x0], $0xffff;
	[tilespmem:s16+$0x46D0] =	vst v42  }
0x114: {  	v57 =	vor.u32 v14, v52;
	v40 =	vld.idx.msk [tilespmem:v62+s8+$0x0], $0xffff;
	[tilespmem:s16+$0x46E0] =	vst v43  }
0x115: {  	v41 =	vld.idx.msk [tilespmem:v63+s8+$0x0], $0xffff;
	[tilespmem:s16+$0x46F0] =	vst v44  }
0x116: {  	v58 =	vor.u32 v15, v52;
	v60 =	vperm.xlane v33, v30;
	v42 =	vld.idx.msk [tilespmem:v54+s8+$0x0], $0xffff;
	[tilespmem:s16+$0x4A80] =	vst v45  }
0x117: {  	v59 =	vor.u32 v16, v52;
	v43 =	vld.idx.msk [tilespmem:v55+s8+$0x0], $0xffff;
	[tilespmem:s16+$0x4A90] =	vst v46  }
0x118: {  	v62 =	vshll.u32 v60, $0x8;
	v54 =	vshll.u32 v60, $0x7;
	v44 =	vld.idx.msk [tilespmem:v56+s8+$0x0], $0xffff;
	[tilespmem:s16+$0x4AA0] =	vst v47  }
0x119: {  	v61 =	vor.u32 v17, v52;
	v54 =	vand.u32 $0x380, v54;
	v45 =	vld.idx.msk [tilespmem:v57+s8+$0x0], $0xffff;
	v57 =	vand.u32 $0xFFFFF800, v62  }
0x11a: {  	v63 =	vor.u32 v18, v52;
	[tilespmem:s16+$0x4AB0] =	vst v49;
	v52 =	vor.u32 v54, v57  }
0x11b: {  	v46 =	vld.idx.msk [tilespmem:v58+s8+$0x0], $0xffff;
	[tilespmem:s16+$0x4AC0] =	vst v51;
	v58 =	vor.u32 v1, v52  }
0x11c: {  	v47 =	vld.idx.msk [tilespmem:v59+s8+$0x0], $0xffff;
	v59 =	vor.u32 v4, v52  }
0x11d: {  	[tilespmem:s16+$0x4AD0] =	vst v34;
	v60 =	vor.u32 v5, v52  }
0x11e: {  	v49 =	vld.idx.msk [tilespmem:v61+s8+$0x0], $0xffff;
	[tilespmem:s16+$0x4AE0] =	vst v48;
	v61 =	vor.u32 v6, v52  }
0x11f: {  	v62 =	vor.u32 v7, v52;
	v51 =	vld.idx.msk [tilespmem:v63+s8+$0x0], $0xffff;
	[tilespmem:s16+$0x4AF0] =	vst v50  }
0x120: {  	v63 =	vor.u32 v8, v52;
	v34 =	vld.idx.msk [tilespmem:v58+s8+$0x0], $0xffff;
	[tilespmem:s16+$0x4700] =	vst v53  }
0x121: {  	v54 =	vor.u32 v9, v52;
	v48 =	vld.idx.msk [tilespmem:v59+s8+$0x0], $0xffff;
	[tilespmem:s16+$0x4710] =	vst v35  }
0x122: {  	v55 =	vor.u32 v10, v52;
	v50 =	vld.idx.msk [tilespmem:v60+s8+$0x0], $0xffff;
	[tilespmem:s16+$0x4720] =	vst v36  }
0x123: {  	v56 =	vor.u32 v11, v52;
	v53 =	vld.idx.msk [tilespmem:v61+s8+$0x0], $0xffff;
	[tilespmem:s16+$0x4730] =	vst v37  }
0x124: {  	v57 =	vor.u32 v12, v52;
	v35 =	vld.idx.msk [tilespmem:v62+s8+$0x0], $0xffff;
	[tilespmem:s16+$0x4740] =	vst v38  }
0x125: {  	v58 =	vor.u32 v13, v52;
	v36 =	vld.idx.msk [tilespmem:v63+s8+$0x0], $0xffff;
	[tilespmem:s16+$0x4750] =	vst v39  }
0x126: {  	v33 =	vperm.xlane v33, v31;
	v59 =	vor.u32 v14, v52;
	v37 =	vld.idx.msk [tilespmem:v54+s8+$0x0], $0xffff;
	[tilespmem:s16+$0x4760] =	vst v40  }
0x127: {  	v60 =	vor.u32 v15, v52;
	v38 =	vld.idx.msk [tilespmem:v55+s8+$0x0], $0xffff;
	[tilespmem:s16+$0x4770] =	vst v41  }
0x128: {  	v61 =	vor.u32 v16, v52;
	v63 =	vshll.u32 v33, $0x8;
	v33 =	vshll.u32 v33, $0x7;
	v39 =	vld.idx.msk [tilespmem:v56+s8+$0x0], $0xffff;
	[tilespmem:s16+$0x4B00] =	vst v42  }
0x129: {  	v62 =	vor.u32 v17, v52;
	v33 =	vand.u32 $0x380, v33;
	v40 =	vld.idx.msk [tilespmem:v57+s8+$0x0], $0xffff;
	[tilespmem:s16+$0x4B10] =	vst v43;
	v57 =	vand.u32 $0xFFFFF800, v63  }
0x12a: {  	v56 =	vor.u32 v18, v52;
	v41 =	vld.idx.msk [tilespmem:v58+s8+$0x0], $0xffff;
	[tilespmem:s16+$0x4B20] =	vst v44;
	v33 =	vor.u32 v33, v57  }
0x12b: {  	v42 =	vld.idx.msk [tilespmem:v59+s8+$0x0], $0xffff;
	[tilespmem:s16+$0x4B30] =	vst v45;
	v58 =	vor.u32 v1, v33  }
0x12c: {  	v59 =	vor.u32 v4, v33;
	v43 =	vld.idx.msk [tilespmem:v60+s8+$0x0], $0xffff;
	[tilespmem:s16+$0x4B40] =	vst v46  }
0x12d: {  	v60 =	vor.u32 v5, v33;
	v44 =	vld.idx.msk [tilespmem:v61+s8+$0x0], $0xffff;
	[tilespmem:s16+$0x4B50] =	vst v47  }
0x12e: {  	v61 =	vor.u32 v6, v33;
	v45 =	vld.idx.msk [tilespmem:v62+s8+$0x0], $0xffff;
	[tilespmem:s16+$0x4B60] =	vst v49  }
0x12f: {  	v62 =	vor.u32 v7, v33;
	v46 =	vld.idx.msk [tilespmem:v56+s8+$0x0], $0xffff;
	[tilespmem:s16+$0x4B70] =	vst v51  }
0x130: {  	v63 =	vor.u32 v8, v33;
	v47 =	vld.idx.msk [tilespmem:v58+s8+$0x0], $0xffff;
	[tilespmem:s16+$0x4780] =	vst v34  }
0x131: {  	v52 =	vor.u32 v9, v33;
	v49 =	vld.idx.msk [tilespmem:v59+s8+$0x0], $0xffff;
	[tilespmem:s16+$0x4790] =	vst v48  }
0x132: {  	v56 =	vor.u32 v10, v33;
	v51 =	vld.idx.msk [tilespmem:v60+s8+$0x0], $0xffff;
	[tilespmem:s16+$0x47A0] =	vst v50  }
0x133: {  	v57 =	vor.u32 v11, v33;
	v34 =	vld.idx.msk [tilespmem:v61+s8+$0x0], $0xffff;
	[tilespmem:s16+$0x47B0] =	vst v53  }
0x134: {  	v58 =	vor.u32 v12, v33;
	v48 =	vld.idx.msk [tilespmem:v62+s8+$0x0], $0xffff;
	[tilespmem:s16+$0x47C0] =	vst v35  }
0x135: {  	v59 =	vor.u32 v13, v33;
	v50 =	vld.idx.msk [tilespmem:v63+s8+$0x0], $0xffff;
	[tilespmem:s16+$0x47D0] =	vst v36  }
0x136: {  	v60 =	vor.u32 v14, v33;
	v52 =	vld.idx.msk [tilespmem:v52+s8+$0x0], $0xffff;
	[tilespmem:s16+$0x47E0] =	vst v37  }
0x137: {  	v61 =	vor.u32 v15, v33;
	v35 =	vld.idx.msk [tilespmem:v56+s8+$0x0], $0xffff;
	[tilespmem:s16+$0x47F0] =	vst v38  }
0x138: {  	v62 =	vor.u32 v16, v33;
	v36 =	vld.idx.msk [tilespmem:v57+s8+$0x0], $0xffff;
	[tilespmem:s16+$0x4B80] =	vst v39  }
0x139: {  	v63 =	vor.u32 v17, v33;
	v37 =	vld.idx.msk [tilespmem:v58+s8+$0x0], $0xffff;
	[tilespmem:s16+$0x4B90] =	vst v40  }
0x13a: {  	v33 =	vor.u32 v18, v33;
	v38 =	vld.idx.msk [tilespmem:v59+s8+$0x0], $0xffff;
	[tilespmem:s16+$0x4BA0] =	vst v41  }
0x13b: {  	v39 =	vld.idx.msk [tilespmem:v60+s8+$0x0], $0xffff;
	[tilespmem:s16+$0x4BB0] =	vst v42  }
0x13c: {  	v40 =	vld.idx.msk [tilespmem:v61+s8+$0x0], $0xffff;
	[tilespmem:s16+$0x4BC0] =	vst v43  }
0x13d: {  	v41 =	vld.idx.msk [tilespmem:v62+s8+$0x0], $0xffff;
	[tilespmem:s16+$0x4BD0] =	vst v44  }
0x13e: {  	v42 =	vld.idx.msk [tilespmem:v63+s8+$0x0], $0xffff;
	[tilespmem:s16+$0x4BE0] =	vst v45  }
0x13f: {  	v33 =	vld.idx.msk [tilespmem:v33+s8+$0x0], $0xffff;
	[tilespmem:s16+$0x4BF0] =	vst v46  }
0x140: {  	[tilespmem:s16+$0x4800] =	vst v47  }
0x141: {  	[tilespmem:s16+$0x4810] =	vst v49  }
0x142: {  	[tilespmem:s16+$0x4820] =	vst v51  }
0x143: {  	[tilespmem:s16+$0x4830] =	vst v34  }
0x144: {  	[tilespmem:s16+$0x4840] =	vst v48  }
0x145: {  	[tilespmem:s16+$0x4850] =	vst v50  }
0x146: {  	[tilespmem:s16+$0x4860] =	vst v52  }
0x147: {  	[tilespmem:s16+$0x4870] =	vst v35  }
0x148: {  	[tilespmem:s16+$0x4C00] =	vst v36  }
0x149: {  	[tilespmem:s16+$0x4C10] =	vst v37  }
0x14a: {  	p1 =	sne.s32 s15, $0xA;
	[tilespmem:s16+$0x4C20] =	vst v38  }
.Ltmp0:
0x14b: {  	[tilespmem:s16+$0x4C30] =	vst v39;
	(pc) =	sbr.rel @p1 .LBB2_3-.Ltmp0, $4  }
0x14c: {  	[tilespmem:s16+$0x4C40] =	vst v40  }
0x14d: {  	[tilespmem:s16+$0x4C50] =	vst v41  }
0x14e: {  	[tilespmem:s16+$0x4C60] =	vst v42  }
0x14f: {  	s15 =	sadd.s32 $0x1, s15;
	[tilespmem:s16+$0x4C70] =	vst v33  }
0x150: {  	p1 =	sne.s32 s13, $0x0  }
0x151: {  	s13 =	smul.u32 @!p1 $0xB0, s12;
	_ =	sdelay $0x1  }
0x152: {  	s13 =	sadd.s32 @!p1 s5, s13  }
0x153: {  	s16 =	smul.u32 @p0 $0xB0, s12;
	s13 =	sshll.u32 @!p1 s13, $0x5  }
0x154: {  	s14 =	simm.s32 @!p1 $0x0;
	s15 =	simm.s32 @!p1 $0x3C80;
	s13 =	sadd.s32 @!p1 s3, s13  }
0x155: {  	[hbm4b:s13+s14] =	stream.linear.scatter @!p1 [tilespmem:s15], [sflag:$0x1], $0xB000, $0x38;
	[tilespmem:$0x19C80] =	vst v63  }
0x156: {  	s13 =	sadd.s32 @p0 s5, s16  }
0x157: {  	s12 =	sadd.s32 $0x1, s12;
	s13 =	sshll.u32 @p0 s13, $0x5  }
0x158: {  	s14 =	simm.s32 @p0 $0x0;
	s15 =	simm.s32 @p0 $0xEC80;
	s13 =	sadd.s32 @p0 s3, s13  }
0x159: {  	[hbm4b:s13+s14] =	stream.linear.scatter @p0 [tilespmem:s15], [sflag:$0x2], $0xB000, $0x38;
	[tilespmem:$0x19C80] =	vst v63  }
0x15a: {  	p0 =	sne.s32 s12, $0x12  }
.Ltmp1:
0x15b: {  	_ = 	snop;
	(pc) =	sbr.rel @p0 .LBB2_2-.Ltmp1, $1  }
0x15c: {  	_ =	sdelay $0x3  }
0x15d: {  	s11 =	sadd.s32 $0x1, s11  }
0x15e: {  	_ =	swait.ge [sflag:s9], $0xB000;
	p0 =	sne.s32 s11, s7  }
.Ltmp2:
0x15f: {  	[sflag:s9] =	ssyncset.done $0x0;
	(pc) =	sbr.rel @p0 .LBB2_1-.Ltmp2, $4  }
0x160: {  	[sflag:s9] =	ssyncadd.s32 $0xFFFF5000  }
0x161: {  	_ =	swait.ge [sflag:s10], $0xB000  }
0x162: {  	[sflag:s10] =	ssyncset.done $0x0  }
0x163: {  	[sflag:s10] =	ssyncadd.s32 $0xFFFF5000  }
0x164: {  	_ =	sfence.sel $0x180000  }
0x165: {  	[bflag:$0x0] =	sbarrier.arrive $0xFFFF  }
0x166: {  	p0 =	sne.s32 s0, $0x0;
	_ =	strace $0x90000047  }
0x167: {  	s0 =	sadd.s32 @!p0 $0x100000, s2;
	[bflag:$0x2] =	sbarrier.arrive $0xFFFF  }
0x168: {  	[sflag:s0] =	ssyncadd.tile.s32 @!p0 $0x1;
	_ =	shalt  }
.Lfunc_end2:
_tile_overlayer_lowered:
.L_overlay_start_2:
0x169: {  	(tag) =	ssettag $0x2  }
0x16a: {  	s0 =	rddreg [dreg:$0x0];
	s2 =	stileid.u32  }
0x16b: {  	s1 =	rddreg [dreg:$0x1];
	p0 =	sne.s32 s2, $0x0  }
0x16c: {  	s3 =	rddreg [dreg:$0x2];
	[bflag:$0x3] =	sbarrier.arrive $0xFFFF;
	s2 =	simm.s32 @!p0 $0x1C03  }
0x16d: {  	[timem:s3], [sflag:s2] =	dma.local @!p0 [hbm:s0], s1  }
0x16e: {  	s0 =	simm.s32 @!p0 $0x3  }
0x16f: {  	_ =	swait.ge @!p0 [sflag:s0], s1  }
0x170: {  	s1 =	ssub.s32 @!p0 $0x0, s1;
	[sflag:s0] =	ssyncset.done @!p0 $0x0  }
0x171: {  	[sflag:s0] =	ssyncadd.s32 @!p0 s1  }
0x172: {  	[bflag:$0x3] =	sbarrier.arrive $0xFFFF  }
0x173: {  	_ =	shalt  }

</sc_bundles>
